<compile_context>
chip_gen: v7x
topology: tpu7x:2x2x1
jax: 0.10.2.dev20260603
libtpu: 0.0.44.dev20260713+nightly
codegen_flags: <defaults>
</compile_context>

<pallas_src>
import jax
import jax.numpy as jnp
from jax import lax
from jax.experimental import pallas as pl
from jax.experimental.pallas import tpu as pltpu
from jax.experimental.pallas import tpu_sc as plsc

N = 10000
E = 320000
D = 128
H = 128
NQ = 16
NG = 8
NP = 6

NC = 2
NS = 16
NW = NC * NS
EPW = E // NW
CHUNK = 128
NCH = 80
SLOTS = NCH * CHUNK
NPAD = 10112
RPT = NPAD // NS
NPAD_D = 10240
RPT_D = NPAD_D // NS


def _deg_body(dstw, out, dstv, onesv, zv, cnt, dsem):
    c = lax.axis_index("c")
    s = lax.axis_index("s")
    wid = s * NC + c
    pltpu.sync_copy(dstw.at[wid], dstv)
    for i in range(CHUNK // 16):
        onesv[pl.ds(i * 16, 16)] = jnp.ones((16,), jnp.float32)
    for i in range(RPT_D // 16):
        zv[pl.ds(i * 16, 16)] = jnp.zeros((16,), jnp.float32)
    pltpu.sync_copy(zv, cnt.at[pl.ds(s * RPT_D, RPT_D)])
    plsc.subcore_barrier()

    def body(j, carry):
        pltpu.async_copy(onesv, cnt.at[dstv.at[j]], dsem, add=True)

        @pl.when(j >= 8)
        def _():
            pltpu.make_async_copy(onesv, cnt.at[dstv.at[0]], dsem).wait()

        return carry

    lax.fori_loop(0, NCH, body, 0)
    for _ in range(8):
        pltpu.make_async_copy(onesv, cnt.at[dstv.at[0]], dsem).wait()
    plsc.subcore_barrier()
    pltpu.sync_copy(cnt.at[pl.ds(s * RPT_D, RPT_D)],
                    out.at[c, pl.ds(s * RPT_D, RPT_D)])


def _scat_body(hs, ew, out, srcv, dstv, rows, acc, isem, gsem, ssem):
    c = lax.axis_index("c")
    s = lax.axis_index("s")
    wid = s * NC + c
    def zrow(r, carry):
        for i in range(H // 16):
            rows[0, r, pl.ds(i * 16, 16)] = jnp.zeros((16,), jnp.float32)
        return carry

    lax.fori_loop(0, CHUNK, zrow, 0)
    base = s * RPT

    def _zfill(off, n):
        done = 0
        while done < n:
            step = min(CHUNK, n - done)
            pltpu.sync_copy(rows.at[0, pl.ds(0, step)],
                            acc.at[pl.ds(off + done, step)])
            done += step

    @pl.when(c == 0)
    def _():
        pltpu.sync_copy(hs.at[pl.ds(base, 320)], acc.at[pl.ds(base, 320)])
        _zfill(base + 320, 312)

    @pl.when(c != 0)
    def _():
        pltpu.sync_copy(hs.at[pl.ds(base + 320, 312)],
                        acc.at[pl.ds(base + 320, 312)])
        _zfill(base, 320)

    def _fetch_idx(j):
        pltpu.async_copy(ew.at[wid, 0, j], srcv.at[j % 3], isem)
        pltpu.async_copy(ew.at[wid, 1, j], dstv.at[j % 4], isem)

    _fetch_idx(0)
    _fetch_idx(1)
    _fetch_idx(2)

    def _wait_idx():
        pltpu.make_async_copy(ew.at[wid, 0, 0], srcv.at[0], isem).wait()
        pltpu.make_async_copy(ew.at[wid, 0, 0], srcv.at[0], isem).wait()

    def _wait_gather():
        pltpu.make_async_copy(hs.at[pl.ds(0, CHUNK)], rows.at[0], gsem).wait()

    def _wait_scatter():
        pltpu.make_async_copy(hs.at[pl.ds(0, CHUNK)], rows.at[0], ssem).wait()

    _wait_idx()
    pltpu.async_copy(hs.at[srcv.at[0]], rows.at[0], gsem)
    _wait_idx()
    pltpu.async_copy(hs.at[srcv.at[1]], rows.at[1], gsem)
    plsc.subcore_barrier()

    def body(j, carry):
        b = j % 3
        _wait_gather()

        @pl.when(j > 0)
        def _():
            _wait_scatter()

        pltpu.async_copy(rows.at[b], acc.at[dstv.at[j % 4]], ssem, add=True)

        @pl.when(j + 2 < NCH)
        def _():
            _wait_idx()
            pltpu.async_copy(hs.at[srcv.at[(j + 2) % 3]],
                             rows.at[(j + 2) % 3], gsem)

        @pl.when(j + 3 < NCH)
        def _():
            _fetch_idx(j + 3)

        return carry

    lax.fori_loop(0, NCH, body, 0)
    _wait_scatter()
    plsc.subcore_barrier()
    pltpu.sync_copy(acc.at[pl.ds(s * RPT, RPT)], out.at[c, pl.ds(s * RPT, RPT)])


_sc_mesh = plsc.VectorSubcoreMesh(core_axis_name="c", subcore_axis_name="s")


def _deg(dstw):
    return pl.kernel(
        _deg_body,
        out_type=jax.ShapeDtypeStruct((NC, NPAD_D), jnp.float32),
        mesh=_sc_mesh,
        scratch_types=[
            pltpu.VMEM((NCH, CHUNK), jnp.int32),
            pltpu.VMEM((CHUNK,), jnp.float32),
            pltpu.VMEM((RPT_D,), jnp.float32),
            pltpu.VMEM_SHARED((NPAD_D,), jnp.float32),
            pltpu.SemaphoreType.DMA,
        ],
    )(dstw)


def _scatter(hs, ew):
    return pl.kernel(
        _scat_body,
        out_type=jax.ShapeDtypeStruct((NC, NPAD, H), jnp.float32),
        mesh=_sc_mesh,
        scratch_types=[
            pltpu.VMEM((3, CHUNK), jnp.int32),
            pltpu.VMEM((4, CHUNK), jnp.int32),
            pltpu.VMEM((3, CHUNK, H), jnp.float32),
            pltpu.VMEM_SHARED((NPAD, H), jnp.float32),
            pltpu.SemaphoreType.DMA,
            pltpu.SemaphoreType.DMA,
            pltpu.SemaphoreType.DMA,
        ],
    )(hs, ew)


def _tc1_body(x_ref, w1_ref, cnt_ref, hs_ref, dinv_ref):
    cnt = cnt_ref[0, :NPAD] + cnt_ref[1, :NPAD]
    dinv = lax.rsqrt(cnt + 1.0)[:, None]
    h = jnp.dot(x_ref[...], w1_ref[...], preferred_element_type=jnp.float32)
    hs_ref[...] = h * dinv
    dinv_ref[...] = dinv


def _tc2_body(a_ref, dinv_ref, b1_ref, w2_ref, hs2_ref):
    agg = a_ref[0] + a_ref[1]
    dinv = dinv_ref[...]
    h = jnp.maximum(agg * dinv + b1_ref[...], 0.0)
    hs2_ref[...] = jnp.dot(h, w2_ref[...], preferred_element_type=jnp.float32) * dinv


def _tc3_body(a_ref, dinv_ref, b2_ref, wl_ref, bl_ref, wq_ref, bq_ref,
              wg_ref, bg_ref, wp_ref, bp_ref, wt_ref, bt_ref,
              q_ref, g_ref, p_ref, t_ref):
    agg = a_ref[0] + a_ref[1]
    h2 = jnp.maximum(agg * dinv_ref[...] + b2_ref[...], 0.0)
    v = jnp.sum(h2[:N, :], axis=0, keepdims=True) * (1.0 / N)
    u = jnp.maximum(
        jnp.dot(v, wl_ref[...], preferred_element_type=jnp.float32)
        + bl_ref[...], 0.0)
    q_ref[...] = jnp.dot(u, wq_ref[...], preferred_element_type=jnp.float32) + bq_ref[...]
    g_ref[...] = jnp.dot(u, wg_ref[...], preferred_element_type=jnp.float32) + bg_ref[...]
    p_ref[...] = jnp.dot(u, wp_ref[...], preferred_element_type=jnp.float32) + bp_ref[...]
    t_ref[...] = jnp.dot(u, wt_ref[...], preferred_element_type=jnp.float32) + bt_ref[...]


def _f32(shape):
    return jax.ShapeDtypeStruct(shape, jnp.float32)


def kernel(x, edge_index, W1, b1, W2, b2, Wl, bl, Wq, bq, Wg, bg, Wp, bp, Wt, bt):
    src = edge_index[0].reshape(NW, EPW)
    dst = edge_index[1].reshape(NW, EPW)
    npads = NW * (SLOTS - EPW)
    pad_src = (jnp.arange(npads, dtype=jnp.int32) % N).reshape(NW, SLOTS - EPW)
    pad_dst = (N + (jnp.arange(npads, dtype=jnp.int32) % (NPAD - N))).reshape(
        NW, SLOTS - EPW)
    srcw = jnp.concatenate([src, pad_src], axis=1).reshape(NW, NCH, CHUNK)
    dstw = jnp.concatenate([dst, pad_dst], axis=1).reshape(NW, NCH, CHUNK)
    ew = jnp.stack([srcw, dstw], axis=1)
    x_p = jnp.pad(x, ((0, NPAD - N), (0, 0)))

    cnt = _deg(dstw)

    hs1, dinv = pl.pallas_call(
        _tc1_body,
        out_shape=(_f32((NPAD, H)), _f32((NPAD, 1))),
    )(x_p, W1, cnt)

    acc1 = _scatter(hs1, ew)

    hs2 = pl.pallas_call(
        _tc2_body,
        out_shape=_f32((NPAD, H)),
    )(acc1, dinv, b1.reshape(1, H), W2)

    acc2 = _scatter(hs2, ew)

    q, g, p, t = pl.pallas_call(
        _tc3_body,
        out_shape=(_f32((1, NQ)), _f32((1, NG)), _f32((1, NP)), _f32((1, NQ - 1))),
    )(acc2, dinv, b2.reshape(1, H), Wl, bl.reshape(1, H),
      Wq, bq.reshape(1, NQ), Wg, bg.reshape(1, NG),
      Wp, bp.reshape(1, NP), Wt, bt.reshape(1, NQ - 1))
    return (q.reshape(NQ), g.reshape(NG), p.reshape(NP), t.reshape(NQ - 1))

# --- scband reference (transcript-rebuilt; emitter-appended) ---
"""Pipeline reference for scband-gnn-75926431858906 (READ-ONLY COPY).

The authoritative reference and input builder live on the scoring server;
editing this copy changes nothing except your own understanding.
"""

import jax, jax.numpy as jnp
import numpy as np

N = 10000
E = 320000
D = 128
H = 128
NQ = 16
NG = 8
NP = 6


def setup_inputs(seed: int = 0) -> dict:
    key = jax.random.key(seed)
    ks = jax.random.split(key, 18)
    x = jax.random.normal(ks[0], (N, D), dtype=jnp.float32)
    edge_index = jax.random.randint(ks[1], (2, E), 0, N, dtype=jnp.int32)
    s_d = 1.0 / np.sqrt(D)
    s_h = 1.0 / np.sqrt(H)
    W1 = jax.random.normal(ks[2], (D, H), dtype=jnp.float32) * s_d
    b1 = jnp.zeros((H,), dtype=jnp.float32)
    W2 = jax.random.normal(ks[3], (H, H), dtype=jnp.float32) * s_h
    b2 = jnp.zeros((H,), dtype=jnp.float32)
    Wl = jax.random.normal(ks[4], (H, H), dtype=jnp.float32) * s_h
    bl = jax.random.normal(ks[5], (H,), dtype=jnp.float32) * s_h
    Wq = jax.random.normal(ks[6], (H, NQ), dtype=jnp.float32) * s_h
    bq = jax.random.normal(ks[7], (NQ,), dtype=jnp.float32) * s_h
    Wg = jax.random.normal(ks[8], (H, NG), dtype=jnp.float32) * s_h
    bg = jax.random.normal(ks[9], (NG,), dtype=jnp.float32) * s_h
    Wp = jax.random.normal(ks[10], (H, NP), dtype=jnp.float32) * s_h
    bp = jax.random.normal(ks[11], (NP,), dtype=jnp.float32) * s_h
    Wt = jax.random.normal(ks[12], (H, NQ - 1), dtype=jnp.float32) * s_h
    bt = jax.random.normal(ks[13], (NQ - 1,), dtype=jnp.float32) * s_h
    return {"x": x, "edge_index": edge_index, "W1": W1, "b1": b1, "W2": W2,
            "b2": b2, "Wl": Wl, "bl": bl, "Wq": Wq, "bq": bq, "Wg": Wg,
            "bg": bg, "Wp": Wp, "bp": bp, "Wt": Wt, "bt": bt}


def _gcn_conv(x, edge_index, W, b):
    # GCNConv: D^{-1/2} (A + I) D^{-1/2} X W + b
    n = x.shape[0]
    loop = jnp.arange(n, dtype=edge_index.dtype)
    src = jnp.concatenate([edge_index[0], loop])
    dst = jnp.concatenate([edge_index[1], loop])
    deg = jnp.zeros((n,), dtype=x.dtype).at[dst].add(1.0)
    dinv = jax.lax.rsqrt(deg)  # deg >= 1 because of self loops
    h = x @ W
    norm = dinv[src] * dinv[dst]
    msg = h[src] * norm[:, None]
    out = jnp.zeros((n, W.shape[1]), dtype=x.dtype).at[dst].add(msg)
    return out + b


def reference(x, edge_index, W1, b1, W2, b2, Wl, bl, Wq, bq, Wg, bg, Wp, bp, Wt, bt):
    h = jax.nn.relu(_gcn_conv(x, edge_index, W1, b1))
    h = jax.nn.relu(_gcn_conv(h, edge_index, W2, b2))
    v = h.mean(axis=0)
    v = jax.nn.relu(v @ Wl + bl)
    return (v @ Wq + bq, v @ Wg + bg, v @ Wp + bp, v @ Wt + bt)

if __name__ == "__main__":
    import jax
    _d = setup_inputs()
    print(jax.jit(kernel)(*tuple(_d.values())))

</pallas_src>

<mosaic_0001>
#map = affine_map<(d0, d1) -> (0, 0, 0)>
#map1 = affine_map<(d0, d1) -> (0, 0)>
module attributes {stable_mosaic.version = 14 : i64} {
  func.func @_deg_body(%arg0: i32, %arg1: i32, %arg2: memref<32x80x128xi32, #tpu.memory_space<hbm>>, %arg3: memref<2x10240xf32, #tpu.memory_space<hbm>>, %arg4: memref<80x128xi32, #tpu.memory_space<vmem>>, %arg5: memref<128xf32, #tpu.memory_space<vmem>>, %arg6: memref<640xf32, #tpu.memory_space<vmem>>, %arg7: memref<10240xf32, #tpu.memory_space<vmem_shared>>, %arg8: memref<!tpu.dma_semaphore, #tpu.memory_space<semaphore_mem>>) attributes {dimension_semantics = [#tpu.dimension_semantics<core_parallel>, #tpu.dimension_semantics<subcore_parallel>], iteration_bounds = array<i64: 2, 16>, scalar_prefetch = 0 : i64, scratch_operands = 5 : i64, tpu.core_type = #tpu.core_type<sc_vector_subcore>, window_params = [{transform_indices = #map}, {transform_indices = #map1}]} {
    %mul3A = arith.constant 2 : i32
    %mul3A_0 = arith.muli %arg1, %mul3A : i32
    %add3A = arith.addi %mul3A_0, %arg0 : i32
    "tpu.region"() ({
      %run_scoped3A = tpu.sem_alloc : memref<!tpu.dma_semaphore, #tpu.memory_space<semaphore_mem>>
      %dma_start3A = arith.constant 0 : i32
      %dma_start3A_346 = arith.constant 0 : i32
      %dma_start3A_347 = tpu.memref_slice %arg2[%add3A, %dma_start3A, %dma_start3A_346] : memref<32x80x128xi32, #tpu.memory_space<hbm>> -> memref<1x80x128xi32, #tpu.memory_space<hbm>>
      %dma_start3A_348 = tpu.memref_squeeze %dma_start3A_347 : memref<1x80x128xi32, #tpu.memory_space<hbm>> -> memref<80x128xi32, #tpu.memory_space<hbm>>
      %dma_start3A_349 = arith.constant 0 : i32
      %dma_start3A_350 = arith.constant 0 : i32
      %dma_start3A_351 = tpu.memref_slice %arg2[%add3A, %dma_start3A_349, %dma_start3A_350] : memref<32x80x128xi32, #tpu.memory_space<hbm>> -> memref<1x80x128xi32, #tpu.memory_space<hbm>>
      %dma_start3A_352 = tpu.memref_squeeze %dma_start3A_351 : memref<1x80x128xi32, #tpu.memory_space<hbm>> -> memref<80x128xi32, #tpu.memory_space<hbm>>
      tpu.enqueue_dma source(%dma_start3A_352 : memref<80x128xi32, #tpu.memory_space<hbm>>) target(%arg4 : memref<80x128xi32, #tpu.memory_space<vmem>>) target_semaphore(%run_scoped3A : memref<!tpu.dma_semaphore, #tpu.memory_space<semaphore_mem>>)
      %dma_wait3A_353 = arith.constant 0 : i32
      %dma_wait3A_354 = arith.constant 0 : i32
      %dma_wait3A_355 = tpu.memref_slice %arg2[%add3A, %dma_wait3A_353, %dma_wait3A_354] : memref<32x80x128xi32, #tpu.memory_space<hbm>> -> memref<1x80x128xi32, #tpu.memory_space<hbm>>
      %dma_wait3A_356 = tpu.memref_squeeze %dma_wait3A_355 : memref<1x80x128xi32, #tpu.memory_space<hbm>> -> memref<80x128xi32, #tpu.memory_space<hbm>>
      %dma_wait3A_357 = arith.constant 0 : i32
      %dma_wait3A_358 = arith.constant 0 : i32
      %dma_wait3A_359 = tpu.memref_slice %arg2[%add3A, %dma_wait3A_357, %dma_wait3A_358] : memref<32x80x128xi32, #tpu.memory_space<hbm>> -> memref<1x80x128xi32, #tpu.memory_space<hbm>>
      %dma_wait3A_360 = tpu.memref_squeeze %dma_wait3A_359 : memref<1x80x128xi32, #tpu.memory_space<hbm>> -> memref<80x128xi32, #tpu.memory_space<hbm>>
      tpu.wait_dma2 semaphore(%run_scoped3A : memref<!tpu.dma_semaphore, #tpu.memory_space<semaphore_mem>>) src(%dma_wait3A_360 : memref<80x128xi32, #tpu.memory_space<hbm>>) dst(%arg4 : memref<80x128xi32, #tpu.memory_space<vmem>>)
      tpu.yield
    }) : () -> ()
    %broadcast_in_dim3A = arith.constant 1.000000e+00 : f32
    %broadcast_in_dim3A_1 = vector.broadcast %broadcast_in_dim3A : f32 to vector<16xf32>
    %swap3A = arith.constant 0 : index
    %swap3A_2 = tpu.vector_load %arg5[%swap3A] {strides = array<i32>} : memref<128xf32, #tpu.memory_space<vmem>>, vector<16xf32>,
    %swap3A_3 = vector.shape_cast %swap3A_2 : vector<16xf32> to vector<16xf32>
    %swap3A_4 = vector.shape_cast %broadcast_in_dim3A_1 : vector<16xf32> to vector<16xf32>
    tpu.vector_store %arg5[%swap3A], %swap3A_4 {strides = array<i32>} : memref<128xf32, #tpu.memory_space<vmem>>, vector<16xf32>,
    %broadcast_in_dim3A_5 = arith.constant 1.000000e+00 : f32
    %broadcast_in_dim3A_6 = vector.broadcast %broadcast_in_dim3A_5 : f32 to vector<16xf32>
    %swap3A_7 = arith.constant 16 : index
    %swap3A_8 = tpu.vector_load %arg5[%swap3A_7] {strides = array<i32>} : memref<128xf32, #tpu.memory_space<vmem>>, vector<16xf32>,
    %swap3A_9 = vector.shape_cast %swap3A_8 : vector<16xf32> to vector<16xf32>
    %swap3A_10 = vector.shape_cast %broadcast_in_dim3A_6 : vector<16xf32> to vector<16xf32>
    tpu.vector_store %arg5[%swap3A_7], %swap3A_10 {strides = array<i32>} : memref<128xf32, #tpu.memory_space<vmem>>, vector<16xf32>,
    %broadcast_in_dim3A_11 = arith.constant 1.000000e+00 : f32
    %broadcast_in_dim3A_12 = vector.broadcast %broadcast_in_dim3A_11 : f32 to vector<16xf32>
    %swap3A_13 = arith.constant 32 : index
    %swap3A_14 = tpu.vector_load %arg5[%swap3A_13] {strides = array<i32>} : memref<128xf32, #tpu.memory_space<vmem>>, vector<16xf32>,
    %swap3A_15 = vector.shape_cast %swap3A_14 : vector<16xf32> to vector<16xf32>
    %swap3A_16 = vector.shape_cast %broadcast_in_dim3A_12 : vector<16xf32> to vector<16xf32>
    tpu.vector_store %arg5[%swap3A_13], %swap3A_16 {strides = array<i32>} : memref<128xf32, #tpu.memory_space<vmem>>, vector<16xf32>,
    %broadcast_in_dim3A_17 = arith.constant 1.000000e+00 : f32
    %broadcast_in_dim3A_18 = vector.broadcast %broadcast_in_dim3A_17 : f32 to vector<16xf32>
    %swap3A_19 = arith.constant 48 : index
    %swap3A_20 = tpu.vector_load %arg5[%swap3A_19] {strides = array<i32>} : memref<128xf32, #tpu.memory_space<vmem>>, vector<16xf32>,
    %swap3A_21 = vector.shape_cast %swap3A_20 : vector<16xf32> to vector<16xf32>
    %swap3A_22 = vector.shape_cast %broadcast_in_dim3A_18 : vector<16xf32> to vector<16xf32>
    tpu.vector_store %arg5[%swap3A_19], %swap3A_22 {strides = array<i32>} : memref<128xf32, #tpu.memory_space<vmem>>, vector<16xf32>,
    %broadcast_in_dim3A_23 = arith.constant 1.000000e+00 : f32
    %broadcast_in_dim3A_24 = vector.broadcast %broadcast_in_dim3A_23 : f32 to vector<16xf32>
    %swap3A_25 = arith.constant 64 : index
    %swap3A_26 = tpu.vector_load %arg5[%swap3A_25] {strides = array<i32>} : memref<128xf32, #tpu.memory_space<vmem>>, vector<16xf32>,
    %swap3A_27 = vector.shape_cast %swap3A_26 : vector<16xf32> to vector<16xf32>
    %swap3A_28 = vector.shape_cast %broadcast_in_dim3A_24 : vector<16xf32> to vector<16xf32>
    tpu.vector_store %arg5[%swap3A_25], %swap3A_28 {strides = array<i32>} : memref<128xf32, #tpu.memory_space<vmem>>, vector<16xf32>,
    %broadcast_in_dim3A_29 = arith.constant 1.000000e+00 : f32
    %broadcast_in_dim3A_30 = vector.broadcast %broadcast_in_dim3A_29 : f32 to vector<16xf32>
    %swap3A_31 = arith.constant 80 : index
    %swap3A_32 = tpu.vector_load %arg5[%swap3A_31] {strides = array<i32>} : memref<128xf32, #tpu.memory_space<vmem>>, vector<16xf32>,
    %swap3A_33 = vector.shape_cast %swap3A_32 : vector<16xf32> to vector<16xf32>
    %swap3A_34 = vector.shape_cast %broadcast_in_dim3A_30 : vector<16xf32> to vector<16xf32>
    tpu.vector_store %arg5[%swap3A_31], %swap3A_34 {strides = array<i32>} : memref<128xf32, #tpu.memory_space<vmem>>, vector<16xf32>,
    %broadcast_in_dim3A_35 = arith.constant 1.000000e+00 : f32
    %broadcast_in_dim3A_36 = vector.broadcast %broadcast_in_dim3A_35 : f32 to vector<16xf32>
    %swap3A_37 = arith.constant 96 : index
    %swap3A_38 = tpu.vector_load %arg5[%swap3A_37] {strides = array<i32>} : memref<128xf32, #tpu.memory_space<vmem>>, vector<16xf32>,
    %swap3A_39 = vector.shape_cast %swap3A_38 : vector<16xf32> to vector<16xf32>
    %swap3A_40 = vector.shape_cast %broadcast_in_dim3A_36 : vector<16xf32> to vector<16xf32>
    tpu.vector_store %arg5[%swap3A_37], %swap3A_40 {strides = array<i32>} : memref<128xf32, #tpu.memory_space<vmem>>, vector<16xf32>,
    %broadcast_in_dim3A_41 = arith.constant 1.000000e+00 : f32
    %broadcast_in_dim3A_42 = vector.broadcast %broadcast_in_dim3A_41 : f32 to vector<16xf32>
    %swap3A_43 = arith.constant 112 : index
    %swap3A_44 = tpu.vector_load %arg5[%swap3A_43] {strides = array<i32>} : memref<128xf32, #tpu.memory_space<vmem>>, vector<16xf32>,
    %swap3A_45 = vector.shape_cast %swap3A_44 : vector<16xf32> to vector<16xf32>
    %swap3A_46 = vector.shape_cast %broadcast_in_dim3A_42 : vector<16xf32> to vector<16xf32>
    tpu.vector_store %arg5[%swap3A_43], %swap3A_46 {strides = array<i32>} : memref<128xf32, #tpu.memory_space<vmem>>, vector<16xf32>,
    %broadcast_in_dim3A_47 = arith.constant 0.000000e+00 : f32
    %broadcast_in_dim3A_48 = vector.broadcast %broadcast_in_dim3A_47 : f32 to vector<16xf32>
    %swap3A_49 = arith.constant 0 : index
    %swap3A_50 = tpu.vector_load %arg6[%swap3A_49] {strides = array<i32>} : memref<640xf32, #tpu.memory_space<vmem>>, vector<16xf32>,
    %swap3A_51 = vector.shape_cast %swap3A_50 : vector<16xf32> to vector<16xf32>
    %swap3A_52 = vector.shape_cast %broadcast_in_dim3A_48 : vector<16xf32> to vector<16xf32>
    tpu.vector_store %arg6[%swap3A_49], %swap3A_52 {strides = array<i32>} : memref<640xf32, #tpu.memory_space<vmem>>, vector<16xf32>,
    %broadcast_in_dim3A_53 = arith.constant 0.000000e+00 : f32
    %broadcast_in_dim3A_54 = vector.broadcast %broadcast_in_dim3A_53 : f32 to vector<16xf32>
    %swap3A_55 = arith.constant 16 : index
    %swap3A_56 = tpu.vector_load %arg6[%swap3A_55] {strides = array<i32>} : memref<640xf32, #tpu.memory_space<vmem>>, vector<16xf32>,
    %swap3A_57 = vector.shape_cast %swap3A_56 : vector<16xf32> to vector<16xf32>
    %swap3A_58 = vector.shape_cast %broadcast_in_dim3A_54 : vector<16xf32> to vector<16xf32>
    tpu.vector_store %arg6[%swap3A_55], %swap3A_58 {strides = array<i32>} : memref<640xf32, #tpu.memory_space<vmem>>, vector<16xf32>,
    %broadcast_in_dim3A_59 = arith.constant 0.000000e+00 : f32
    %broadcast_in_dim3A_60 = vector.broadcast %broadcast_in_dim3A_59 : f32 to vector<16xf32>
    %swap3A_61 = arith.constant 32 : index
    %swap3A_62 = tpu.vector_load %arg6[%swap3A_61] {strides = array<i32>} : memref<640xf32, #tpu.memory_space<vmem>>, vector<16xf32>,
    %swap3A_63 = vector.shape_cast %swap3A_62 : vector<16xf32> to vector<16xf32>
    %swap3A_64 = vector.shape_cast %broadcast_in_dim3A_60 : vector<16xf32> to vector<16xf32>
    tpu.vector_store %arg6[%swap3A_61], %swap3A_64 {strides = array<i32>} : memref<640xf32, #tpu.memory_space<vmem>>, vector<16xf32>,
    %broadcast_in_dim3A_65 = arith.constant 0.000000e+00 : f32
    %broadcast_in_dim3A_66 = vector.broadcast %broadcast_in_dim3A_65 : f32 to vector<16xf32>
    %swap3A_67 = arith.constant 48 : index
    %swap3A_68 = tpu.vector_load %arg6[%swap3A_67] {strides = array<i32>} : memref<640xf32, #tpu.memory_space<vmem>>, vector<16xf32>,
    %swap3A_69 = vector.shape_cast %swap3A_68 : vector<16xf32> to vector<16xf32>
    %swap3A_70 = vector.shape_cast %broadcast_in_dim3A_66 : vector<16xf32> to vector<16xf32>
    tpu.vector_store %arg6[%swap3A_67], %swap3A_70 {strides = array<i32>} : memref<640xf32, #tpu.memory_space<vmem>>, vector<16xf32>,
    %broadcast_in_dim3A_71 = arith.constant 0.000000e+00 : f32
    %broadcast_in_dim3A_72 = vector.broadcast %broadcast_in_dim3A_71 : f32 to vector<16xf32>
    %swap3A_73 = arith.constant 64 : index
    %swap3A_74 = tpu.vector_load %arg6[%swap3A_73] {strides = array<i32>} : memref<640xf32, #tpu.memory_space<vmem>>, vector<16xf32>,
    %swap3A_75 = vector.shape_cast %swap3A_74 : vector<16xf32> to vector<16xf32>
    %swap3A_76 = vector.shape_cast %broadcast_in_dim3A_72 : vector<16xf32> to vector<16xf32>
    tpu.vector_store %arg6[%swap3A_73], %swap3A_76 {strides = array<i32>} : memref<640xf32, #tpu.memory_space<vmem>>, vector<16xf32>,
    %broadcast_in_dim3A_77 = arith.constant 0.000000e+00 : f32
    %broadcast_in_dim3A_78 = vector.broadcast %broadcast_in_dim3A_77 : f32 to vector<16xf32>
    %swap3A_79 = arith.constant 80 : index
    %swap3A_80 = tpu.vector_load %arg6[%swap3A_79] {strides = array<i32>} : memref<640xf32, #tpu.memory_space<vmem>>, vector<16xf32>,
    %swap3A_81 = vector.shape_cast %swap3A_80 : vector<16xf32> to vector<16xf32>
    %swap3A_82 = vector.shape_cast %broadcast_in_dim3A_78 : vector<16xf32> to vector<16xf32>
    tpu.vector_store %arg6[%swap3A_79], %swap3A_82 {strides = array<i32>} : memref<640xf32, #tpu.memory_space<vmem>>, vector<16xf32>,
    %broadcast_in_dim3A_83 = arith.constant 0.000000e+00 : f32
    %broadcast_in_dim3A_84 = vector.broadcast %broadcast_in_dim3A_83 : f32 to vector<16xf32>
    %swap3A_85 = arith.constant 96 : index
    %swap3A_86 = tpu.vector_load %arg6[%swap3A_85] {strides = array<i32>} : memref<640xf32, #tpu.memory_space<vmem>>, vector<16xf32>,
    %swap3A_87 = vector.shape_cast %swap3A_86 : vector<16xf32> to vector<16xf32>
    %swap3A_88 = vector.shape_cast %broadcast_in_dim3A_84 : vector<16xf32> to vector<16xf32>
    tpu.vector_store %arg6[%swap3A_85], %swap3A_88 {strides = array<i32>} : memref<640xf32, #tpu.memory_space<vmem>>, vector<16xf32>,
    %broadcast_in_dim3A_89 = arith.constant 0.000000e+00 : f32
    %broadcast_in_dim3A_90 = vector.broadcast %broadcast_in_dim3A_89 : f32 to vector<16xf32>
    %swap3A_91 = arith.constant 112 : index
    %swap3A_92 = tpu.vector_load %arg6[%swap3A_91] {strides = array<i32>} : memref<640xf32, #tpu.memory_space<vmem>>, vector<16xf32>,
    %swap3A_93 = vector.shape_cast %swap3A_92 : vector<16xf32> to vector<16xf32>
    %swap3A_94 = vector.shape_cast %broadcast_in_dim3A_90 : vector<16xf32> to vector<16xf32>
    tpu.vector_store %arg6[%swap3A_91], %swap3A_94 {strides = array<i32>} : memref<640xf32, #tpu.memory_space<vmem>>, vector<16xf32>,
    %broadcast_in_dim3A_95 = arith.constant 0.000000e+00 : f32
    %broadcast_in_dim3A_96 = vector.broadcast %broadcast_in_dim3A_95 : f32 to vector<16xf32>
    %swap3A_97 = arith.constant 128 : index
    %swap3A_98 = tpu.vector_load %arg6[%swap3A_97] {strides = array<i32>} : memref<640xf32, #tpu.memory_space<vmem>>, vector<16xf32>,
    %swap3A_99 = vector.shape_cast %swap3A_98 : vector<16xf32> to vector<16xf32>
    %swap3A_100 = vector.shape_cast %broadcast_in_dim3A_96 : vector<16xf32> to vector<16xf32>
    tpu.vector_store %arg6[%swap3A_97], %swap3A_100 {strides = array<i32>} : memref<640xf32, #tpu.memory_space<vmem>>, vector<16xf32>,
    %broadcast_in_dim3A_101 = arith.constant 0.000000e+00 : f32
    %broadcast_in_dim3A_102 = vector.broadcast %broadcast_in_dim3A_101 : f32 to vector<16xf32>
    %swap3A_103 = arith.constant 144 : index
    %swap3A_104 = tpu.vector_load %arg6[%swap3A_103] {strides = array<i32>} : memref<640xf32, #tpu.memory_space<vmem>>, vector<16xf32>,
    %swap3A_105 = vector.shape_cast %swap3A_104 : vector<16xf32> to vector<16xf32>
    %swap3A_106 = vector.shape_cast %broadcast_in_dim3A_102 : vector<16xf32> to vector<16xf32>
    tpu.vector_store %arg6[%swap3A_103], %swap3A_106 {strides = array<i32>} : memref<640xf32, #tpu.memory_space<vmem>>, vector<16xf32>,
    %broadcast_in_dim3A_107 = arith.constant 0.000000e+00 : f32
    %broadcast_in_dim3A_108 = vector.broadcast %broadcast_in_dim3A_107 : f32 to vector<16xf32>
    %swap3A_109 = arith.constant 160 : index
    %swap3A_110 = tpu.vector_load %arg6[%swap3A_109] {strides = array<i32>} : memref<640xf32, #tpu.memory_space<vmem>>, vector<16xf32>,
    %swap3A_111 = vector.shape_cast %swap3A_110 : vector<16xf32> to vector<16xf32>
    %swap3A_112 = vector.shape_cast %broadcast_in_dim3A_108 : vector<16xf32> to vector<16xf32>
    tpu.vector_store %arg6[%swap3A_109], %swap3A_112 {strides = array<i32>} : memref<640xf32, #tpu.memory_space<vmem>>, vector<16xf32>,
    %broadcast_in_dim3A_113 = arith.constant 0.000000e+00 : f32
    %broadcast_in_dim3A_114 = vector.broadcast %broadcast_in_dim3A_113 : f32 to vector<16xf32>
    %swap3A_115 = arith.constant 176 : index
    %swap3A_116 = tpu.vector_load %arg6[%swap3A_115] {strides = array<i32>} : memref<640xf32, #tpu.memory_space<vmem>>, vector<16xf32>,
    %swap3A_117 = vector.shape_cast %swap3A_116 : vector<16xf32> to vector<16xf32>
    %swap3A_118 = vector.shape_cast %broadcast_in_dim3A_114 : vector<16xf32> to vector<16xf32>
    tpu.vector_store %arg6[%swap3A_115], %swap3A_118 {strides = array<i32>} : memref<640xf32, #tpu.memory_space<vmem>>, vector<16xf32>,
    %broadcast_in_dim3A_119 = arith.constant 0.000000e+00 : f32
    %broadcast_in_dim3A_120 = vector.broadcast %broadcast_in_dim3A_119 : f32 to vector<16xf32>
    %swap3A_121 = arith.constant 192 : index
    %swap3A_122 = tpu.vector_load %arg6[%swap3A_121] {strides = array<i32>} : memref<640xf32, #tpu.memory_space<vmem>>, vector<16xf32>,
    %swap3A_123 = vector.shape_cast %swap3A_122 : vector<16xf32> to vector<16xf32>
    %swap3A_124 = vector.shape_cast %broadcast_in_dim3A_120 : vector<16xf32> to vector<16xf32>
    tpu.vector_store %arg6[%swap3A_121], %swap3A_124 {strides = array<i32>} : memref<640xf32, #tpu.memory_space<vmem>>, vector<16xf32>,
    %broadcast_in_dim3A_125 = arith.constant 0.000000e+00 : f32
    %broadcast_in_dim3A_126 = vector.broadcast %broadcast_in_dim3A_125 : f32 to vector<16xf32>
    %swap3A_127 = arith.constant 208 : index
    %swap3A_128 = tpu.vector_load %arg6[%swap3A_127] {strides = array<i32>} : memref<640xf32, #tpu.memory_space<vmem>>, vector<16xf32>,
    %swap3A_129 = vector.shape_cast %swap3A_128 : vector<16xf32> to vector<16xf32>
    %swap3A_130 = vector.shape_cast %broadcast_in_dim3A_126 : vector<16xf32> to vector<16xf32>
    tpu.vector_store %arg6[%swap3A_127], %swap3A_130 {strides = array<i32>} : memref<640xf32, #tpu.memory_space<vmem>>, vector<16xf32>,
    %broadcast_in_dim3A_131 = arith.constant 0.000000e+00 : f32
    %broadcast_in_dim3A_132 = vector.broadcast %broadcast_in_dim3A_131 : f32 to vector<16xf32>
    %swap3A_133 = arith.constant 224 : index
    %swap3A_134 = tpu.vector_load %arg6[%swap3A_133] {strides = array<i32>} : memref<640xf32, #tpu.memory_space<vmem>>, vector<16xf32>,
    %swap3A_135 = vector.shape_cast %swap3A_134 : vector<16xf32> to vector<16xf32>
    %swap3A_136 = vector.shape_cast %broadcast_in_dim3A_132 : vector<16xf32> to vector<16xf32>
    tpu.vector_store %arg6[%swap3A_133], %swap3A_136 {strides = array<i32>} : memref<640xf32, #tpu.memory_space<vmem>>, vector<16xf32>,
    %broadcast_in_dim3A_137 = arith.constant 0.000000e+00 : f32
    %broadcast_in_dim3A_138 = vector.broadcast %broadcast_in_dim3A_137 : f32 to vector<16xf32>
    %swap3A_139 = arith.constant 240 : index
    %swap3A_140 = tpu.vector_load %arg6[%swap3A_139] {strides = array<i32>} : memref<640xf32, #tpu.memory_space<vmem>>, vector<16xf32>,
    %swap3A_141 = vector.shape_cast %swap3A_140 : vector<16xf32> to vector<16xf32>
    %swap3A_142 = vector.shape_cast %broadcast_in_dim3A_138 : vector<16xf32> to vector<16xf32>
    tpu.vector_store %arg6[%swap3A_139], %swap3A_142 {strides = array<i32>} : memref<640xf32, #tpu.memory_space<vmem>>, vector<16xf32>,
    %broadcast_in_dim3A_143 = arith.constant 0.000000e+00 : f32
    %broadcast_in_dim3A_144 = vector.broadcast %broadcast_in_dim3A_143 : f32 to vector<16xf32>
    %swap3A_145 = arith.constant 256 : index
    %swap3A_146 = tpu.vector_load %arg6[%swap3A_145] {strides = array<i32>} : memref<640xf32, #tpu.memory_space<vmem>>, vector<16xf32>,
    %swap3A_147 = vector.shape_cast %swap3A_146 : vector<16xf32> to vector<16xf32>
    %swap3A_148 = vector.shape_cast %broadcast_in_dim3A_144 : vector<16xf32> to vector<16xf32>
    tpu.vector_store %arg6[%swap3A_145], %swap3A_148 {strides = array<i32>} : memref<640xf32, #tpu.memory_space<vmem>>, vector<16xf32>,
    %broadcast_in_dim3A_149 = arith.constant 0.000000e+00 : f32
    %broadcast_in_dim3A_150 = vector.broadcast %broadcast_in_dim3A_149 : f32 to vector<16xf32>
    %swap3A_151 = arith.constant 272 : index
    %swap3A_152 = tpu.vector_load %arg6[%swap3A_151] {strides = array<i32>} : memref<640xf32, #tpu.memory_space<vmem>>, vector<16xf32>,
    %swap3A_153 = vector.shape_cast %swap3A_152 : vector<16xf32> to vector<16xf32>
    %swap3A_154 = vector.shape_cast %broadcast_in_dim3A_150 : vector<16xf32> to vector<16xf32>
    tpu.vector_store %arg6[%swap3A_151], %swap3A_154 {strides = array<i32>} : memref<640xf32, #tpu.memory_space<vmem>>, vector<16xf32>,
    %broadcast_in_dim3A_155 = arith.constant 0.000000e+00 : f32
    %broadcast_in_dim3A_156 = vector.broadcast %broadcast_in_dim3A_155 : f32 to vector<16xf32>
    %swap3A_157 = arith.constant 288 : index
    %swap3A_158 = tpu.vector_load %arg6[%swap3A_157] {strides = array<i32>} : memref<640xf32, #tpu.memory_space<vmem>>, vector<16xf32>,
    %swap3A_159 = vector.shape_cast %swap3A_158 : vector<16xf32> to vector<16xf32>
    %swap3A_160 = vector.shape_cast %broadcast_in_dim3A_156 : vector<16xf32> to vector<16xf32>
    tpu.vector_store %arg6[%swap3A_157], %swap3A_160 {strides = array<i32>} : memref<640xf32, #tpu.memory_space<vmem>>, vector<16xf32>,
    %broadcast_in_dim3A_161 = arith.constant 0.000000e+00 : f32
    %broadcast_in_dim3A_162 = vector.broadcast %broadcast_in_dim3A_161 : f32 to vector<16xf32>
    %swap3A_163 = arith.constant 304 : index
    %swap3A_164 = tpu.vector_load %arg6[%swap3A_163] {strides = array<i32>} : memref<640xf32, #tpu.memory_space<vmem>>, vector<16xf32>,
    %swap3A_165 = vector.shape_cast %swap3A_164 : vector<16xf32> to vector<16xf32>
    %swap3A_166 = vector.shape_cast %broadcast_in_dim3A_162 : vector<16xf32> to vector<16xf32>
    tpu.vector_store %arg6[%swap3A_163], %swap3A_166 {strides = array<i32>} : memref<640xf32, #tpu.memory_space<vmem>>, vector<16xf32>,
    %broadcast_in_dim3A_167 = arith.constant 0.000000e+00 : f32
    %broadcast_in_dim3A_168 = vector.broadcast %broadcast_in_dim3A_167 : f32 to vector<16xf32>
    %swap3A_169 = arith.constant 320 : index
    %swap3A_170 = tpu.vector_load %arg6[%swap3A_169] {strides = array<i32>} : memref<640xf32, #tpu.memory_space<vmem>>, vector<16xf32>,
    %swap3A_171 = vector.shape_cast %swap3A_170 : vector<16xf32> to vector<16xf32>
    %swap3A_172 = vector.shape_cast %broadcast_in_dim3A_168 : vector<16xf32> to vector<16xf32>
    tpu.vector_store %arg6[%swap3A_169], %swap3A_172 {strides = array<i32>} : memref<640xf32, #tpu.memory_space<vmem>>, vector<16xf32>,
    %broadcast_in_dim3A_173 = arith.constant 0.000000e+00 : f32
    %broadcast_in_dim3A_174 = vector.broadcast %broadcast_in_dim3A_173 : f32 to vector<16xf32>
    %swap3A_175 = arith.constant 336 : index
    %swap3A_176 = tpu.vector_load %arg6[%swap3A_175] {strides = array<i32>} : memref<640xf32, #tpu.memory_space<vmem>>, vector<16xf32>,
    %swap3A_177 = vector.shape_cast %swap3A_176 : vector<16xf32> to vector<16xf32>
    %swap3A_178 = vector.shape_cast %broadcast_in_dim3A_174 : vector<16xf32> to vector<16xf32>
    tpu.vector_store %arg6[%swap3A_175], %swap3A_178 {strides = array<i32>} : memref<640xf32, #tpu.memory_space<vmem>>, vector<16xf32>,
    %broadcast_in_dim3A_179 = arith.constant 0.000000e+00 : f32
    %broadcast_in_dim3A_180 = vector.broadcast %broadcast_in_dim3A_179 : f32 to vector<16xf32>
    %swap3A_181 = arith.constant 352 : index
    %swap3A_182 = tpu.vector_load %arg6[%swap3A_181] {strides = array<i32>} : memref<640xf32, #tpu.memory_space<vmem>>, vector<16xf32>,
    %swap3A_183 = vector.shape_cast %swap3A_182 : vector<16xf32> to vector<16xf32>
    %swap3A_184 = vector.shape_cast %broadcast_in_dim3A_180 : vector<16xf32> to vector<16xf32>
    tpu.vector_store %arg6[%swap3A_181], %swap3A_184 {strides = array<i32>} : memref<640xf32, #tpu.memory_space<vmem>>, vector<16xf32>,
    %broadcast_in_dim3A_185 = arith.constant 0.000000e+00 : f32
    %broadcast_in_dim3A_186 = vector.broadcast %broadcast_in_dim3A_185 : f32 to vector<16xf32>
    %swap3A_187 = arith.constant 368 : index
    %swap3A_188 = tpu.vector_load %arg6[%swap3A_187] {strides = array<i32>} : memref<640xf32, #tpu.memory_space<vmem>>, vector<16xf32>,
    %swap3A_189 = vector.shape_cast %swap3A_188 : vector<16xf32> to vector<16xf32>
    %swap3A_190 = vector.shape_cast %broadcast_in_dim3A_186 : vector<16xf32> to vector<16xf32>
    tpu.vector_store %arg6[%swap3A_187], %swap3A_190 {strides = array<i32>} : memref<640xf32, #tpu.memory_space<vmem>>, vector<16xf32>,
    %broadcast_in_dim3A_191 = arith.constant 0.000000e+00 : f32
    %broadcast_in_dim3A_192 = vector.broadcast %broadcast_in_dim3A_191 : f32 to vector<16xf32>
    %swap3A_193 = arith.constant 384 : index
    %swap3A_194 = tpu.vector_load %arg6[%swap3A_193] {strides = array<i32>} : memref<640xf32, #tpu.memory_space<vmem>>, vector<16xf32>,
    %swap3A_195 = vector.shape_cast %swap3A_194 : vector<16xf32> to vector<16xf32>
    %swap3A_196 = vector.shape_cast %broadcast_in_dim3A_192 : vector<16xf32> to vector<16xf32>
    tpu.vector_store %arg6[%swap3A_193], %swap3A_196 {strides = array<i32>} : memref<640xf32, #tpu.memory_space<vmem>>, vector<16xf32>,
    %broadcast_in_dim3A_197 = arith.constant 0.000000e+00 : f32
    %broadcast_in_dim3A_198 = vector.broadcast %broadcast_in_dim3A_197 : f32 to vector<16xf32>
    %swap3A_199 = arith.constant 400 : index
    %swap3A_200 = tpu.vector_load %arg6[%swap3A_199] {strides = array<i32>} : memref<640xf32, #tpu.memory_space<vmem>>, vector<16xf32>,
    %swap3A_201 = vector.shape_cast %swap3A_200 : vector<16xf32> to vector<16xf32>
    %swap3A_202 = vector.shape_cast %broadcast_in_dim3A_198 : vector<16xf32> to vector<16xf32>
    tpu.vector_store %arg6[%swap3A_199], %swap3A_202 {strides = array<i32>} : memref<640xf32, #tpu.memory_space<vmem>>, vector<16xf32>,
    %broadcast_in_dim3A_203 = arith.constant 0.000000e+00 : f32
    %broadcast_in_dim3A_204 = vector.broadcast %broadcast_in_dim3A_203 : f32 to vector<16xf32>
    %swap3A_205 = arith.constant 416 : index
    %swap3A_206 = tpu.vector_load %arg6[%swap3A_205] {strides = array<i32>} : memref<640xf32, #tpu.memory_space<vmem>>, vector<16xf32>,
    %swap3A_207 = vector.shape_cast %swap3A_206 : vector<16xf32> to vector<16xf32>
    %swap3A_208 = vector.shape_cast %broadcast_in_dim3A_204 : vector<16xf32> to vector<16xf32>
    tpu.vector_store %arg6[%swap3A_205], %swap3A_208 {strides = array<i32>} : memref<640xf32, #tpu.memory_space<vmem>>, vector<16xf32>,
    %broadcast_in_dim3A_209 = arith.constant 0.000000e+00 : f32
    %broadcast_in_dim3A_210 = vector.broadcast %broadcast_in_dim3A_209 : f32 to vector<16xf32>
    %swap3A_211 = arith.constant 432 : index
    %swap3A_212 = tpu.vector_load %arg6[%swap3A_211] {strides = array<i32>} : memref<640xf32, #tpu.memory_space<vmem>>, vector<16xf32>,
    %swap3A_213 = vector.shape_cast %swap3A_212 : vector<16xf32> to vector<16xf32>
    %swap3A_214 = vector.shape_cast %broadcast_in_dim3A_210 : vector<16xf32> to vector<16xf32>
    tpu.vector_store %arg6[%swap3A_211], %swap3A_214 {strides = array<i32>} : memref<640xf32, #tpu.memory_space<vmem>>, vector<16xf32>,
    %broadcast_in_dim3A_215 = arith.constant 0.000000e+00 : f32
    %broadcast_in_dim3A_216 = vector.broadcast %broadcast_in_dim3A_215 : f32 to vector<16xf32>
    %swap3A_217 = arith.constant 448 : index
    %swap3A_218 = tpu.vector_load %arg6[%swap3A_217] {strides = array<i32>} : memref<640xf32, #tpu.memory_space<vmem>>, vector<16xf32>,
    %swap3A_219 = vector.shape_cast %swap3A_218 : vector<16xf32> to vector<16xf32>
    %swap3A_220 = vector.shape_cast %broadcast_in_dim3A_216 : vector<16xf32> to vector<16xf32>
    tpu.vector_store %arg6[%swap3A_217], %swap3A_220 {strides = array<i32>} : memref<640xf32, #tpu.memory_space<vmem>>, vector<16xf32>,
    %broadcast_in_dim3A_221 = arith.constant 0.000000e+00 : f32
    %broadcast_in_dim3A_222 = vector.broadcast %broadcast_in_dim3A_221 : f32 to vector<16xf32>
    %swap3A_223 = arith.constant 464 : index
    %swap3A_224 = tpu.vector_load %arg6[%swap3A_223] {strides = array<i32>} : memref<640xf32, #tpu.memory_space<vmem>>, vector<16xf32>,
    %swap3A_225 = vector.shape_cast %swap3A_224 : vector<16xf32> to vector<16xf32>
    %swap3A_226 = vector.shape_cast %broadcast_in_dim3A_222 : vector<16xf32> to vector<16xf32>
    tpu.vector_store %arg6[%swap3A_223], %swap3A_226 {strides = array<i32>} : memref<640xf32, #tpu.memory_space<vmem>>, vector<16xf32>,
    %broadcast_in_dim3A_227 = arith.constant 0.000000e+00 : f32
    %broadcast_in_dim3A_228 = vector.broadcast %broadcast_in_dim3A_227 : f32 to vector<16xf32>
    %swap3A_229 = arith.constant 480 : index
    %swap3A_230 = tpu.vector_load %arg6[%swap3A_229] {strides = array<i32>} : memref<640xf32, #tpu.memory_space<vmem>>, vector<16xf32>,
    %swap3A_231 = vector.shape_cast %swap3A_230 : vector<16xf32> to vector<16xf32>
    %swap3A_232 = vector.shape_cast %broadcast_in_dim3A_228 : vector<16xf32> to vector<16xf32>
    tpu.vector_store %arg6[%swap3A_229], %swap3A_232 {strides = array<i32>} : memref<640xf32, #tpu.memory_space<vmem>>, vector<16xf32>,
    %broadcast_in_dim3A_233 = arith.constant 0.000000e+00 : f32
    %broadcast_in_dim3A_234 = vector.broadcast %broadcast_in_dim3A_233 : f32 to vector<16xf32>
    %swap3A_235 = arith.constant 496 : index
    %swap3A_236 = tpu.vector_load %arg6[%swap3A_235] {strides = array<i32>} : memref<640xf32, #tpu.memory_space<vmem>>, vector<16xf32>,
    %swap3A_237 = vector.shape_cast %swap3A_236 : vector<16xf32> to vector<16xf32>
    %swap3A_238 = vector.shape_cast %broadcast_in_dim3A_234 : vector<16xf32> to vector<16xf32>
    tpu.vector_store %arg6[%swap3A_235], %swap3A_238 {strides = array<i32>} : memref<640xf32, #tpu.memory_space<vmem>>, vector<16xf32>,
    %broadcast_in_dim3A_239 = arith.constant 0.000000e+00 : f32
    %broadcast_in_dim3A_240 = vector.broadcast %broadcast_in_dim3A_239 : f32 to vector<16xf32>
    %swap3A_241 = arith.constant 512 : index
    %swap3A_242 = tpu.vector_load %arg6[%swap3A_241] {strides = array<i32>} : memref<640xf32, #tpu.memory_space<vmem>>, vector<16xf32>,
    %swap3A_243 = vector.shape_cast %swap3A_242 : vector<16xf32> to vector<16xf32>
    %swap3A_244 = vector.shape_cast %broadcast_in_dim3A_240 : vector<16xf32> to vector<16xf32>
    tpu.vector_store %arg6[%swap3A_241], %swap3A_244 {strides = array<i32>} : memref<640xf32, #tpu.memory_space<vmem>>, vector<16xf32>,
    %broadcast_in_dim3A_245 = arith.constant 0.000000e+00 : f32
    %broadcast_in_dim3A_246 = vector.broadcast %broadcast_in_dim3A_245 : f32 to vector<16xf32>
    %swap3A_247 = arith.constant 528 : index
    %swap3A_248 = tpu.vector_load %arg6[%swap3A_247] {strides = array<i32>} : memref<640xf32, #tpu.memory_space<vmem>>, vector<16xf32>,
    %swap3A_249 = vector.shape_cast %swap3A_248 : vector<16xf32> to vector<16xf32>
    %swap3A_250 = vector.shape_cast %broadcast_in_dim3A_246 : vector<16xf32> to vector<16xf32>
    tpu.vector_store %arg6[%swap3A_247], %swap3A_250 {strides = array<i32>} : memref<640xf32, #tpu.memory_space<vmem>>, vector<16xf32>,
    %broadcast_in_dim3A_251 = arith.constant 0.000000e+00 : f32
    %broadcast_in_dim3A_252 = vector.broadcast %broadcast_in_dim3A_251 : f32 to vector<16xf32>
    %swap3A_253 = arith.constant 544 : index
    %swap3A_254 = tpu.vector_load %arg6[%swap3A_253] {strides = array<i32>} : memref<640xf32, #tpu.memory_space<vmem>>, vector<16xf32>,
    %swap3A_255 = vector.shape_cast %swap3A_254 : vector<16xf32> to vector<16xf32>
    %swap3A_256 = vector.shape_cast %broadcast_in_dim3A_252 : vector<16xf32> to vector<16xf32>
    tpu.vector_store %arg6[%swap3A_253], %swap3A_256 {strides = array<i32>} : memref<640xf32, #tpu.memory_space<vmem>>, vector<16xf32>,
    %broadcast_in_dim3A_257 = arith.constant 0.000000e+00 : f32
    %broadcast_in_dim3A_258 = vector.broadcast %broadcast_in_dim3A_257 : f32 to vector<16xf32>
    %swap3A_259 = arith.constant 560 : index
    %swap3A_260 = tpu.vector_load %arg6[%swap3A_259] {strides = array<i32>} : memref<640xf32, #tpu.memory_space<vmem>>, vector<16xf32>,
    %swap3A_261 = vector.shape_cast %swap3A_260 : vector<16xf32> to vector<16xf32>
    %swap3A_262 = vector.shape_cast %broadcast_in_dim3A_258 : vector<16xf32> to vector<16xf32>
    tpu.vector_store %arg6[%swap3A_259], %swap3A_262 {strides = array<i32>} : memref<640xf32, #tpu.memory_space<vmem>>, vector<16xf32>,
    %broadcast_in_dim3A_263 = arith.constant 0.000000e+00 : f32
    %broadcast_in_dim3A_264 = vector.broadcast %broadcast_in_dim3A_263 : f32 to vector<16xf32>
    %swap3A_265 = arith.constant 576 : index
    %swap3A_266 = tpu.vector_load %arg6[%swap3A_265] {strides = array<i32>} : memref<640xf32, #tpu.memory_space<vmem>>, vector<16xf32>,
    %swap3A_267 = vector.shape_cast %swap3A_266 : vector<16xf32> to vector<16xf32>
    %swap3A_268 = vector.shape_cast %broadcast_in_dim3A_264 : vector<16xf32> to vector<16xf32>
    tpu.vector_store %arg6[%swap3A_265], %swap3A_268 {strides = array<i32>} : memref<640xf32, #tpu.memory_space<vmem>>, vector<16xf32>,
    %broadcast_in_dim3A_269 = arith.constant 0.000000e+00 : f32
    %broadcast_in_dim3A_270 = vector.broadcast %broadcast_in_dim3A_269 : f32 to vector<16xf32>
    %swap3A_271 = arith.constant 592 : index
    %swap3A_272 = tpu.vector_load %arg6[%swap3A_271] {strides = array<i32>} : memref<640xf32, #tpu.memory_space<vmem>>, vector<16xf32>,
    %swap3A_273 = vector.shape_cast %swap3A_272 : vector<16xf32> to vector<16xf32>
    %swap3A_274 = vector.shape_cast %broadcast_in_dim3A_270 : vector<16xf32> to vector<16xf32>
    tpu.vector_store %arg6[%swap3A_271], %swap3A_274 {strides = array<i32>} : memref<640xf32, #tpu.memory_space<vmem>>, vector<16xf32>,
    %broadcast_in_dim3A_275 = arith.constant 0.000000e+00 : f32
    %broadcast_in_dim3A_276 = vector.broadcast %broadcast_in_dim3A_275 : f32 to vector<16xf32>
    %swap3A_277 = arith.constant 608 : index
    %swap3A_278 = tpu.vector_load %arg6[%swap3A_277] {strides = array<i32>} : memref<640xf32, #tpu.memory_space<vmem>>, vector<16xf32>,
    %swap3A_279 = vector.shape_cast %swap3A_278 : vector<16xf32> to vector<16xf32>
    %swap3A_280 = vector.shape_cast %broadcast_in_dim3A_276 : vector<16xf32> to vector<16xf32>
    tpu.vector_store %arg6[%swap3A_277], %swap3A_280 {strides = array<i32>} : memref<640xf32, #tpu.memory_space<vmem>>, vector<16xf32>,
    %broadcast_in_dim3A_281 = arith.constant 0.000000e+00 : f32
    %broadcast_in_dim3A_282 = vector.broadcast %broadcast_in_dim3A_281 : f32 to vector<16xf32>
    %swap3A_283 = arith.constant 624 : index
    %swap3A_284 = tpu.vector_load %arg6[%swap3A_283] {strides = array<i32>} : memref<640xf32, #tpu.memory_space<vmem>>, vector<16xf32>,
    %swap3A_285 = vector.shape_cast %swap3A_284 : vector<16xf32> to vector<16xf32>
    %swap3A_286 = vector.shape_cast %broadcast_in_dim3A_282 : vector<16xf32> to vector<16xf32>
    tpu.vector_store %arg6[%swap3A_283], %swap3A_286 {strides = array<i32>} : memref<640xf32, #tpu.memory_space<vmem>>, vector<16xf32>,
    %mul3A_287 = arith.constant 640 : i32
    %mul3A_288 = arith.muli %arg1, %mul3A_287 : i32
    "tpu.region"() ({
      %run_scoped3A = tpu.sem_alloc : memref<!tpu.dma_semaphore, #tpu.memory_space<semaphore_mem>>
      %dma_start3A = tpu.memref_slice %arg7[%mul3A_288] : memref<10240xf32, #tpu.memory_space<vmem_shared>> -> memref<640xf32, #tpu.memory_space<vmem_shared>>
      %dma_start3A_346 = tpu.memref_slice %arg7[%mul3A_288] : memref<10240xf32, #tpu.memory_space<vmem_shared>> -> memref<640xf32, #tpu.memory_space<vmem_shared>>
      tpu.enqueue_dma source(%arg6 : memref<640xf32, #tpu.memory_space<vmem>>) target(%dma_start3A_346 : memref<640xf32, #tpu.memory_space<vmem_shared>>) target_semaphore(%run_scoped3A : memref<!tpu.dma_semaphore, #tpu.memory_space<semaphore_mem>>)
      %dma_wait3A_347 = tpu.memref_slice %arg7[%mul3A_288] : memref<10240xf32, #tpu.memory_space<vmem_shared>> -> memref<640xf32, #tpu.memory_space<vmem_shared>>
      %dma_wait3A_348 = tpu.memref_slice %arg7[%mul3A_288] : memref<10240xf32, #tpu.memory_space<vmem_shared>> -> memref<640xf32, #tpu.memory_space<vmem_shared>>
      tpu.wait_dma2 semaphore(%run_scoped3A : memref<!tpu.dma_semaphore, #tpu.memory_space<semaphore_mem>>) src(%arg6 : memref<640xf32, #tpu.memory_space<vmem>>) dst(%dma_wait3A_348 : memref<640xf32, #tpu.memory_space<vmem_shared>>)
      tpu.yield
    }) : () -> ()
    %barrier3A = arith.constant 0 : index
    tpu.barrier barrier_id(%barrier3A)
    %scan3A = arith.constant 0 : i32
    %scan3A_289 = arith.constant 0 : i32
    %scan3A_290 = arith.constant 80 : i32
    %scan3A_291 = arith.addi %scan3A_289, %scan3A_290 : i32
    %scan3A_292 = arith.constant 1 : i32
    scf.for %scan3A_346 = %scan3A_289 to %scan3A_291 step %scan3A_292  : i32 {
      %dma_start3A = arith.constant 0 : i32
      %dma_start3A_347 = tpu.memref_slice %arg4[%scan3A_346, %dma_start3A] : memref<80x128xi32, #tpu.memory_space<vmem>> -> memref<1x128xi32, #tpu.memory_space<vmem>>
      %dma_start3A_348 = tpu.memref_squeeze %dma_start3A_347 : memref<1x128xi32, #tpu.memory_space<vmem>> -> memref<128xi32, #tpu.memory_space<vmem>>
      %dma_start3A_349 = arith.constant 0 : i32
      %dma_start3A_350 = tpu.memref_slice %arg7[%dma_start3A_349] : memref<10240xf32, #tpu.memory_space<vmem_shared>> -> memref<10240xf32, #tpu.memory_space<vmem_shared>>
      tpu.enqueue_indirect_dma source(%arg5 : memref<128xf32, #tpu.memory_space<vmem>>) target(%dma_start3A_350 : memref<10240xf32, #tpu.memory_space<vmem_shared>>) offsets(%dma_start3A_348 : memref<128xi32, #tpu.memory_space<vmem>>) semaphore(%arg8 : memref<!tpu.dma_semaphore, #tpu.memory_space<semaphore_mem>>) {add = true}
      %ge3A = arith.constant 8 : i32
      %ge3A_351 = arith.cmpi sge, %scan3A_346, %ge3A : i32
      %convert_element_type3A = arith.extui %ge3A_351 : i1 to i32
      %cond3A = arith.constant 0 : i32
      %cond3A_352 = arith.cmpi ne, %convert_element_type3A, %cond3A : i32
      scf.if %cond3A_352 {
        %dma_wait3A_353 = arith.constant 0 : i32
        %dma_wait3A_354 = arith.constant 0 : i32
        %dma_wait3A_355 = tpu.memref_slice %arg4[%dma_wait3A_353, %dma_wait3A_354] : memref<80x128xi32, #tpu.memory_space<vmem>> -> memref<1x128xi32, #tpu.memory_space<vmem>>
        %dma_wait3A_356 = tpu.memref_squeeze %dma_wait3A_355 : memref<1x128xi32, #tpu.memory_space<vmem>> -> memref<128xi32, #tpu.memory_space<vmem>>
        %dma_wait3A_357 = arith.constant 0 : i32
        %dma_wait3A_358 = tpu.memref_slice %arg7[%dma_wait3A_357] : memref<10240xf32, #tpu.memory_space<vmem_shared>> -> memref<10240xf32, #tpu.memory_space<vmem_shared>>
        tpu.wait_indirect_dma semaphore(%arg8 : memref<!tpu.dma_semaphore, #tpu.memory_space<semaphore_mem>>) src(%arg5 : memref<128xf32, #tpu.memory_space<vmem>>) dst(%dma_wait3A_358 : memref<10240xf32, #tpu.memory_space<vmem_shared>>)
      } else {
      }
    }
    %scan3A_293 = arith.constant 80 : i32
    %dma_wait3A = arith.constant 0 : i32
    %dma_wait3A_294 = arith.constant 0 : i32
    %dma_wait3A_295 = tpu.memref_slice %arg4[%dma_wait3A, %dma_wait3A_294] : memref<80x128xi32, #tpu.memory_space<vmem>> -> memref<1x128xi32, #tpu.memory_space<vmem>>
    %dma_wait3A_296 = tpu.memref_squeeze %dma_wait3A_295 : memref<1x128xi32, #tpu.memory_space<vmem>> -> memref<128xi32, #tpu.memory_space<vmem>>
    %dma_wait3A_297 = arith.constant 0 : i32
    %dma_wait3A_298 = tpu.memref_slice %arg7[%dma_wait3A_297] : memref<10240xf32, #tpu.memory_space<vmem_shared>> -> memref<10240xf32, #tpu.memory_space<vmem_shared>>
    tpu.wait_indirect_dma semaphore(%arg8 : memref<!tpu.dma_semaphore, #tpu.memory_space<semaphore_mem>>) src(%arg5 : memref<128xf32, #tpu.memory_space<vmem>>) dst(%dma_wait3A_298 : memref<10240xf32, #tpu.memory_space<vmem_shared>>)
    %dma_wait3A_299 = arith.constant 0 : i32
    %dma_wait3A_300 = arith.constant 0 : i32
    %dma_wait3A_301 = tpu.memref_slice %arg4[%dma_wait3A_299, %dma_wait3A_300] : memref<80x128xi32, #tpu.memory_space<vmem>> -> memref<1x128xi32, #tpu.memory_space<vmem>>
    %dma_wait3A_302 = tpu.memref_squeeze %dma_wait3A_301 : memref<1x128xi32, #tpu.memory_space<vmem>> -> memref<128xi32, #tpu.memory_space<vmem>>
    %dma_wait3A_303 = arith.constant 0 : i32
    %dma_wait3A_304 = tpu.memref_slice %arg7[%dma_wait3A_303] : memref<10240xf32, #tpu.memory_space<vmem_shared>> -> memref<10240xf32, #tpu.memory_space<vmem_shared>>
    tpu.wait_indirect_dma semaphore(%arg8 : memref<!tpu.dma_semaphore, #tpu.memory_space<semaphore_mem>>) src(%arg5 : memref<128xf32, #tpu.memory_space<vmem>>) dst(%dma_wait3A_304 : memref<10240xf32, #tpu.memory_space<vmem_shared>>)
    %dma_wait3A_305 = arith.constant 0 : i32
    %dma_wait3A_306 = arith.constant 0 : i32
    %dma_wait3A_307 = tpu.memref_slice %arg4[%dma_wait3A_305, %dma_wait3A_306] : memref<80x128xi32, #tpu.memory_space<vmem>> -> memref<1x128xi32, #tpu.memory_space<vmem>>
    %dma_wait3A_308 = tpu.memref_squeeze %dma_wait3A_307 : memref<1x128xi32, #tpu.memory_space<vmem>> -> memref<128xi32, #tpu.memory_space<vmem>>
    %dma_wait3A_309 = arith.constant 0 : i32
    %dma_wait3A_310 = tpu.memref_slice %arg7[%dma_wait3A_309] : memref<10240xf32, #tpu.memory_space<vmem_shared>> -> memref<10240xf32, #tpu.memory_space<vmem_shared>>
    tpu.wait_indirect_dma semaphore(%arg8 : memref<!tpu.dma_semaphore, #tpu.memory_space<semaphore_mem>>) src(%arg5 : memref<128xf32, #tpu.memory_space<vmem>>) dst(%dma_wait3A_310 : memref<10240xf32, #tpu.memory_space<vmem_shared>>)
    %dma_wait3A_311 = arith.constant 0 : i32
    %dma_wait3A_312 = arith.constant 0 : i32
    %dma_wait3A_313 = tpu.memref_slice %arg4[%dma_wait3A_311, %dma_wait3A_312] : memref<80x128xi32, #tpu.memory_space<vmem>> -> memref<1x128xi32, #tpu.memory_space<vmem>>
    %dma_wait3A_314 = tpu.memref_squeeze %dma_wait3A_313 : memref<1x128xi32, #tpu.memory_space<vmem>> -> memref<128xi32, #tpu.memory_space<vmem>>
    %dma_wait3A_315 = arith.constant 0 : i32
    %dma_wait3A_316 = tpu.memref_slice %arg7[%dma_wait3A_315] : memref<10240xf32, #tpu.memory_space<vmem_shared>> -> memref<10240xf32, #tpu.memory_space<vmem_shared>>
    tpu.wait_indirect_dma semaphore(%arg8 : memref<!tpu.dma_semaphore, #tpu.memory_space<semaphore_mem>>) src(%arg5 : memref<128xf32, #tpu.memory_space<vmem>>) dst(%dma_wait3A_316 : memref<10240xf32, #tpu.memory_space<vmem_shared>>)
    %dma_wait3A_317 = arith.constant 0 : i32
    %dma_wait3A_318 = arith.constant 0 : i32
    %dma_wait3A_319 = tpu.memref_slice %arg4[%dma_wait3A_317, %dma_wait3A_318] : memref<80x128xi32, #tpu.memory_space<vmem>> -> memref<1x128xi32, #tpu.memory_space<vmem>>
    %dma_wait3A_320 = tpu.memref_squeeze %dma_wait3A_319 : memref<1x128xi32, #tpu.memory_space<vmem>> -> memref<128xi32, #tpu.memory_space<vmem>>
    %dma_wait3A_321 = arith.constant 0 : i32
    %dma_wait3A_322 = tpu.memref_slice %arg7[%dma_wait3A_321] : memref<10240xf32, #tpu.memory_space<vmem_shared>> -> memref<10240xf32, #tpu.memory_space<vmem_shared>>
    tpu.wait_indirect_dma semaphore(%arg8 : memref<!tpu.dma_semaphore, #tpu.memory_space<semaphore_mem>>) src(%arg5 : memref<128xf32, #tpu.memory_space<vmem>>) dst(%dma_wait3A_322 : memref<10240xf32, #tpu.memory_space<vmem_shared>>)
    %dma_wait3A_323 = arith.constant 0 : i32
    %dma_wait3A_324 = arith.constant 0 : i32
    %dma_wait3A_325 = tpu.memref_slice %arg4[%dma_wait3A_323, %dma_wait3A_324] : memref<80x128xi32, #tpu.memory_space<vmem>> -> memref<1x128xi32, #tpu.memory_space<vmem>>
    %dma_wait3A_326 = tpu.memref_squeeze %dma_wait3A_325 : memref<1x128xi32, #tpu.memory_space<vmem>> -> memref<128xi32, #tpu.memory_space<vmem>>
    %dma_wait3A_327 = arith.constant 0 : i32
    %dma_wait3A_328 = tpu.memref_slice %arg7[%dma_wait3A_327] : memref<10240xf32, #tpu.memory_space<vmem_shared>> -> memref<10240xf32, #tpu.memory_space<vmem_shared>>
    tpu.wait_indirect_dma semaphore(%arg8 : memref<!tpu.dma_semaphore, #tpu.memory_space<semaphore_mem>>) src(%arg5 : memref<128xf32, #tpu.memory_space<vmem>>) dst(%dma_wait3A_328 : memref<10240xf32, #tpu.memory_space<vmem_shared>>)
    %dma_wait3A_329 = arith.constant 0 : i32
    %dma_wait3A_330 = arith.constant 0 : i32
    %dma_wait3A_331 = tpu.memref_slice %arg4[%dma_wait3A_329, %dma_wait3A_330] : memref<80x128xi32, #tpu.memory_space<vmem>> -> memref<1x128xi32, #tpu.memory_space<vmem>>
    %dma_wait3A_332 = tpu.memref_squeeze %dma_wait3A_331 : memref<1x128xi32, #tpu.memory_space<vmem>> -> memref<128xi32, #tpu.memory_space<vmem>>
    %dma_wait3A_333 = arith.constant 0 : i32
    %dma_wait3A_334 = tpu.memref_slice %arg7[%dma_wait3A_333] : memref<10240xf32, #tpu.memory_space<vmem_shared>> -> memref<10240xf32, #tpu.memory_space<vmem_shared>>
    tpu.wait_indirect_dma semaphore(%arg8 : memref<!tpu.dma_semaphore, #tpu.memory_space<semaphore_mem>>) src(%arg5 : memref<128xf32, #tpu.memory_space<vmem>>) dst(%dma_wait3A_334 : memref<10240xf32, #tpu.memory_space<vmem_shared>>)
    %dma_wait3A_335 = arith.constant 0 : i32
    %dma_wait3A_336 = arith.constant 0 : i32
    %dma_wait3A_337 = tpu.memref_slice %arg4[%dma_wait3A_335, %dma_wait3A_336] : memref<80x128xi32, #tpu.memory_space<vmem>> -> memref<1x128xi32, #tpu.memory_space<vmem>>
    %dma_wait3A_338 = tpu.memref_squeeze %dma_wait3A_337 : memref<1x128xi32, #tpu.memory_space<vmem>> -> memref<128xi32, #tpu.memory_space<vmem>>
    %dma_wait3A_339 = arith.constant 0 : i32
    %dma_wait3A_340 = tpu.memref_slice %arg7[%dma_wait3A_339] : memref<10240xf32, #tpu.memory_space<vmem_shared>> -> memref<10240xf32, #tpu.memory_space<vmem_shared>>
    tpu.wait_indirect_dma semaphore(%arg8 : memref<!tpu.dma_semaphore, #tpu.memory_space<semaphore_mem>>) src(%arg5 : memref<128xf32, #tpu.memory_space<vmem>>) dst(%dma_wait3A_340 : memref<10240xf32, #tpu.memory_space<vmem_shared>>)
    %barrier3A_341 = arith.constant 0 : index
    tpu.barrier barrier_id(%barrier3A_341)
    %mul3A_342 = arith.constant 640 : i32
    %mul3A_343 = arith.muli %arg1, %mul3A_342 : i32
    %mul3A_344 = arith.constant 640 : i32
    %mul3A_345 = arith.muli %arg1, %mul3A_344 : i32
    "tpu.region"() ({
      %run_scoped3A = tpu.sem_alloc : memref<!tpu.dma_semaphore, #tpu.memory_space<semaphore_mem>>
      %dma_start3A = tpu.memref_slice %arg3[%arg0, %mul3A_345] : memref<2x10240xf32, #tpu.memory_space<hbm>> -> memref<1x640xf32, #tpu.memory_space<hbm>>
      %dma_start3A_346 = tpu.memref_squeeze %dma_start3A : memref<1x640xf32, #tpu.memory_space<hbm>> -> memref<640xf32, #tpu.memory_space<hbm>>
      %dma_start3A_347 = tpu.memref_slice %arg7[%mul3A_343] : memref<10240xf32, #tpu.memory_space<vmem_shared>> -> memref<640xf32, #tpu.memory_space<vmem_shared>>
      tpu.enqueue_dma source(%dma_start3A_347 : memref<640xf32, #tpu.memory_space<vmem_shared>>) target(%dma_start3A_346 : memref<640xf32, #tpu.memory_space<hbm>>) target_semaphore(%run_scoped3A : memref<!tpu.dma_semaphore, #tpu.memory_space<semaphore_mem>>)
      %dma_wait3A_348 = tpu.memref_slice %arg3[%arg0, %mul3A_345] : memref<2x10240xf32, #tpu.memory_space<hbm>> -> memref<1x640xf32, #tpu.memory_space<hbm>>
      %dma_wait3A_349 = tpu.memref_squeeze %dma_wait3A_348 : memref<1x640xf32, #tpu.memory_space<hbm>> -> memref<640xf32, #tpu.memory_space<hbm>>
      %dma_wait3A_350 = tpu.memref_slice %arg7[%mul3A_343] : memref<10240xf32, #tpu.memory_space<vmem_shared>> -> memref<640xf32, #tpu.memory_space<vmem_shared>>
      tpu.wait_dma2 semaphore(%run_scoped3A : memref<!tpu.dma_semaphore, #tpu.memory_space<semaphore_mem>>) src(%dma_wait3A_350 : memref<640xf32, #tpu.memory_space<vmem_shared>>) dst(%dma_wait3A_349 : memref<640xf32, #tpu.memory_space<hbm>>)
      tpu.yield
    }) : () -> ()
    return
  }
}

#map = affine_map<(d0, d1) -> (0, 0)>
#map1 = affine_map<(d0, d1) -> (0, 0, 0, 0)>
#map2 = affine_map<(d0, d1) -> (0, 0, 0)>
module attributes {stable_mosaic.version = 14 : i64} {
  func.func @_scat_body(%arg0: i32, %arg1: i32, %arg2: memref<10112x128xf32, #tpu.memory_space<hbm>>, %arg3: memref<32x2x80x128xi32, #tpu.memory_space<hbm>>, %arg4: memref<2x10112x128xf32, #tpu.memory_space<hbm>>, %arg5: memref<3x128xi32, #tpu.memory_space<vmem>>, %arg6: memref<4x128xi32, #tpu.memory_space<vmem>>, %arg7: memref<3x128x128xf32, #tpu.memory_space<vmem>>, %arg8: memref<10112x128xf32, #tpu.memory_space<vmem_shared>>, %arg9: memref<!tpu.dma_semaphore, #tpu.memory_space<semaphore_mem>>, %arg10: memref<!tpu.dma_semaphore, #tpu.memory_space<semaphore_mem>>, %arg11: memref<!tpu.dma_semaphore, #tpu.memory_space<semaphore_mem>>) attributes {dimension_semantics = [#tpu.dimension_semantics<core_parallel>, #tpu.dimension_semantics<subcore_parallel>], iteration_bounds = array<i64: 2, 16>, scalar_prefetch = 0 : i64, scratch_operands = 7 : i64, tpu.core_type = #tpu.core_type<sc_vector_subcore>, window_params = [{transform_indices = #map}, {transform_indices = #map1}, {transform_indices = #map2}]} {
    %mul3A = arith.constant 2 : i32
    %mul3A_0 = arith.muli %arg1, %mul3A : i32
    %add3A = arith.addi %mul3A_0, %arg0 : i32
    %scan3A = arith.constant 0 : i32
    %scan3A_1 = arith.constant 0 : i32
    %scan3A_2 = arith.constant 128 : i32
    %scan3A_3 = arith.addi %scan3A_1, %scan3A_2 : i32
    %scan3A_4 = arith.constant 1 : i32
    scf.for %scan3A_212 = %scan3A_1 to %scan3A_3 step %scan3A_4  : i32 {
      %broadcast_in_dim3A = arith.constant 0.000000e+00 : f32
      %broadcast_in_dim3A_213 = vector.broadcast %broadcast_in_dim3A : f32 to vector<16xf32>
      %swap3A = arith.constant 0 : i32
      %swap3A_214 = arith.index_cast %swap3A : i32 to index
      %swap3A_215 = arith.index_cast %scan3A_212 : i32 to index
      %swap3A_216 = arith.constant 0 : index
      %swap3A_217 = tpu.vector_load %arg7[%swap3A_214, %swap3A_215, %swap3A_216] {strides = array<i32>} : memref<3x128x128xf32, #tpu.memory_space<vmem>>, vector<1x1x16xf32>,
      %swap3A_218 = vector.shape_cast %swap3A_217 : vector<1x1x16xf32> to vector<16xf32>
      %swap3A_219 = vector.shape_cast %broadcast_in_dim3A_213 : vector<16xf32> to vector<1x1x16xf32>
      tpu.vector_store %arg7[%swap3A_214, %swap3A_215, %swap3A_216], %swap3A_219 {strides = array<i32>} : memref<3x128x128xf32, #tpu.memory_space<vmem>>, vector<1x1x16xf32>,
      %broadcast_in_dim3A_220 = arith.constant 0.000000e+00 : f32
      %broadcast_in_dim3A_221 = vector.broadcast %broadcast_in_dim3A_220 : f32 to vector<16xf32>
      %swap3A_222 = arith.constant 0 : i32
      %swap3A_223 = arith.index_cast %swap3A_222 : i32 to index
      %swap3A_224 = arith.index_cast %scan3A_212 : i32 to index
      %swap3A_225 = arith.constant 16 : index
      %swap3A_226 = tpu.vector_load %arg7[%swap3A_223, %swap3A_224, %swap3A_225] {strides = array<i32>} : memref<3x128x128xf32, #tpu.memory_space<vmem>>, vector<1x1x16xf32>,
      %swap3A_227 = vector.shape_cast %swap3A_226 : vector<1x1x16xf32> to vector<16xf32>
      %swap3A_228 = vector.shape_cast %broadcast_in_dim3A_221 : vector<16xf32> to vector<1x1x16xf32>
      tpu.vector_store %arg7[%swap3A_223, %swap3A_224, %swap3A_225], %swap3A_228 {strides = array<i32>} : memref<3x128x128xf32, #tpu.memory_space<vmem>>, vector<1x1x16xf32>,
      %broadcast_in_dim3A_229 = arith.constant 0.000000e+00 : f32
      %broadcast_in_dim3A_230 = vector.broadcast %broadcast_in_dim3A_229 : f32 to vector<16xf32>
      %swap3A_231 = arith.constant 0 : i32
      %swap3A_232 = arith.index_cast %swap3A_231 : i32 to index
      %swap3A_233 = arith.index_cast %scan3A_212 : i32 to index
      %swap3A_234 = arith.constant 32 : index
      %swap3A_235 = tpu.vector_load %arg7[%swap3A_232, %swap3A_233, %swap3A_234] {strides = array<i32>} : memref<3x128x128xf32, #tpu.memory_space<vmem>>, vector<1x1x16xf32>,
      %swap3A_236 = vector.shape_cast %swap3A_235 : vector<1x1x16xf32> to vector<16xf32>
      %swap3A_237 = vector.shape_cast %broadcast_in_dim3A_230 : vector<16xf32> to vector<1x1x16xf32>
      tpu.vector_store %arg7[%swap3A_232, %swap3A_233, %swap3A_234], %swap3A_237 {strides = array<i32>} : memref<3x128x128xf32, #tpu.memory_space<vmem>>, vector<1x1x16xf32>,
      %broadcast_in_dim3A_238 = arith.constant 0.000000e+00 : f32
      %broadcast_in_dim3A_239 = vector.broadcast %broadcast_in_dim3A_238 : f32 to vector<16xf32>
      %swap3A_240 = arith.constant 0 : i32
      %swap3A_241 = arith.index_cast %swap3A_240 : i32 to index
      %swap3A_242 = arith.index_cast %scan3A_212 : i32 to index
      %swap3A_243 = arith.constant 48 : index
      %swap3A_244 = tpu.vector_load %arg7[%swap3A_241, %swap3A_242, %swap3A_243] {strides = array<i32>} : memref<3x128x128xf32, #tpu.memory_space<vmem>>, vector<1x1x16xf32>,
      %swap3A_245 = vector.shape_cast %swap3A_244 : vector<1x1x16xf32> to vector<16xf32>
      %swap3A_246 = vector.shape_cast %broadcast_in_dim3A_239 : vector<16xf32> to vector<1x1x16xf32>
      tpu.vector_store %arg7[%swap3A_241, %swap3A_242, %swap3A_243], %swap3A_246 {strides = array<i32>} : memref<3x128x128xf32, #tpu.memory_space<vmem>>, vector<1x1x16xf32>,
      %broadcast_in_dim3A_247 = arith.constant 0.000000e+00 : f32
      %broadcast_in_dim3A_248 = vector.broadcast %broadcast_in_dim3A_247 : f32 to vector<16xf32>
      %swap3A_249 = arith.constant 0 : i32
      %swap3A_250 = arith.index_cast %swap3A_249 : i32 to index
      %swap3A_251 = arith.index_cast %scan3A_212 : i32 to index
      %swap3A_252 = arith.constant 64 : index
      %swap3A_253 = tpu.vector_load %arg7[%swap3A_250, %swap3A_251, %swap3A_252] {strides = array<i32>} : memref<3x128x128xf32, #tpu.memory_space<vmem>>, vector<1x1x16xf32>,
      %swap3A_254 = vector.shape_cast %swap3A_253 : vector<1x1x16xf32> to vector<16xf32>
      %swap3A_255 = vector.shape_cast %broadcast_in_dim3A_248 : vector<16xf32> to vector<1x1x16xf32>
      tpu.vector_store %arg7[%swap3A_250, %swap3A_251, %swap3A_252], %swap3A_255 {strides = array<i32>} : memref<3x128x128xf32, #tpu.memory_space<vmem>>, vector<1x1x16xf32>,
      %broadcast_in_dim3A_256 = arith.constant 0.000000e+00 : f32
      %broadcast_in_dim3A_257 = vector.broadcast %broadcast_in_dim3A_256 : f32 to vector<16xf32>
      %swap3A_258 = arith.constant 0 : i32
      %swap3A_259 = arith.index_cast %swap3A_258 : i32 to index
      %swap3A_260 = arith.index_cast %scan3A_212 : i32 to index
      %swap3A_261 = arith.constant 80 : index
      %swap3A_262 = tpu.vector_load %arg7[%swap3A_259, %swap3A_260, %swap3A_261] {strides = array<i32>} : memref<3x128x128xf32, #tpu.memory_space<vmem>>, vector<1x1x16xf32>,
      %swap3A_263 = vector.shape_cast %swap3A_262 : vector<1x1x16xf32> to vector<16xf32>
      %swap3A_264 = vector.shape_cast %broadcast_in_dim3A_257 : vector<16xf32> to vector<1x1x16xf32>
      tpu.vector_store %arg7[%swap3A_259, %swap3A_260, %swap3A_261], %swap3A_264 {strides = array<i32>} : memref<3x128x128xf32, #tpu.memory_space<vmem>>, vector<1x1x16xf32>,
      %broadcast_in_dim3A_265 = arith.constant 0.000000e+00 : f32
      %broadcast_in_dim3A_266 = vector.broadcast %broadcast_in_dim3A_265 : f32 to vector<16xf32>
      %swap3A_267 = arith.constant 0 : i32
      %swap3A_268 = arith.index_cast %swap3A_267 : i32 to index
      %swap3A_269 = arith.index_cast %scan3A_212 : i32 to index
      %swap3A_270 = arith.constant 96 : index
      %swap3A_271 = tpu.vector_load %arg7[%swap3A_268, %swap3A_269, %swap3A_270] {strides = array<i32>} : memref<3x128x128xf32, #tpu.memory_space<vmem>>, vector<1x1x16xf32>,
      %swap3A_272 = vector.shape_cast %swap3A_271 : vector<1x1x16xf32> to vector<16xf32>
      %swap3A_273 = vector.shape_cast %broadcast_in_dim3A_266 : vector<16xf32> to vector<1x1x16xf32>
      tpu.vector_store %arg7[%swap3A_268, %swap3A_269, %swap3A_270], %swap3A_273 {strides = array<i32>} : memref<3x128x128xf32, #tpu.memory_space<vmem>>, vector<1x1x16xf32>,
      %broadcast_in_dim3A_274 = arith.constant 0.000000e+00 : f32
      %broadcast_in_dim3A_275 = vector.broadcast %broadcast_in_dim3A_274 : f32 to vector<16xf32>
      %swap3A_276 = arith.constant 0 : i32
      %swap3A_277 = arith.index_cast %swap3A_276 : i32 to index
      %swap3A_278 = arith.index_cast %scan3A_212 : i32 to index
      %swap3A_279 = arith.constant 112 : index
      %swap3A_280 = tpu.vector_load %arg7[%swap3A_277, %swap3A_278, %swap3A_279] {strides = array<i32>} : memref<3x128x128xf32, #tpu.memory_space<vmem>>, vector<1x1x16xf32>,
      %swap3A_281 = vector.shape_cast %swap3A_280 : vector<1x1x16xf32> to vector<16xf32>
      %swap3A_282 = vector.shape_cast %broadcast_in_dim3A_275 : vector<16xf32> to vector<1x1x16xf32>
      tpu.vector_store %arg7[%swap3A_277, %swap3A_278, %swap3A_279], %swap3A_282 {strides = array<i32>} : memref<3x128x128xf32, #tpu.memory_space<vmem>>, vector<1x1x16xf32>,
    }
    %scan3A_5 = arith.constant 128 : i32
    %mul3A_6 = arith.constant 632 : i32
    %mul3A_7 = arith.muli %arg1, %mul3A_6 : i32
    %eq3A = arith.constant 0 : i32
    %eq3A_8 = arith.cmpi eq, %arg0, %eq3A : i32
    %convert_element_type3A = arith.extui %eq3A_8 : i1 to i32
    %cond3A = arith.constant 0 : i32
    %cond3A_9 = arith.cmpi ne, %convert_element_type3A, %cond3A : i32
    scf.if %cond3A_9 {
      "tpu.region"() ({
        %run_scoped3A_222 = tpu.sem_alloc : memref<!tpu.dma_semaphore, #tpu.memory_space<semaphore_mem>>
        %dma_start3A_223 = arith.constant 0 : i32
        %dma_start3A_224 = tpu.memref_slice %arg8[%mul3A_7, %dma_start3A_223] : memref<10112x128xf32, #tpu.memory_space<vmem_shared>> -> memref<320x128xf32, #tpu.memory_space<vmem_shared>>
        %dma_start3A_225 = arith.constant 0 : i32
        %dma_start3A_226 = tpu.memref_slice %arg2[%mul3A_7, %dma_start3A_225] : memref<10112x128xf32, #tpu.memory_space<hbm>> -> memref<320x128xf32, #tpu.memory_space<hbm>>
        tpu.enqueue_dma source(%dma_start3A_226 : memref<320x128xf32, #tpu.memory_space<hbm>>) target(%dma_start3A_224 : memref<320x128xf32, #tpu.memory_space<vmem_shared>>) target_semaphore(%run_scoped3A_222 : memref<!tpu.dma_semaphore, #tpu.memory_space<semaphore_mem>>)
        %dma_wait3A_227 = arith.constant 0 : i32
        %dma_wait3A_228 = tpu.memref_slice %arg8[%mul3A_7, %dma_wait3A_227] : memref<10112x128xf32, #tpu.memory_space<vmem_shared>> -> memref<320x128xf32, #tpu.memory_space<vmem_shared>>
        %dma_wait3A_229 = arith.constant 0 : i32
        %dma_wait3A_230 = tpu.memref_slice %arg2[%mul3A_7, %dma_wait3A_229] : memref<10112x128xf32, #tpu.memory_space<hbm>> -> memref<320x128xf32, #tpu.memory_space<hbm>>
        tpu.wait_dma2 semaphore(%run_scoped3A_222 : memref<!tpu.dma_semaphore, #tpu.memory_space<semaphore_mem>>) src(%dma_wait3A_230 : memref<320x128xf32, #tpu.memory_space<hbm>>) dst(%dma_wait3A_228 : memref<320x128xf32, #tpu.memory_space<vmem_shared>>)
        tpu.yield
      }) : () -> ()
      %add3A_212 = arith.constant 320 : i32
      %add3A_213 = arith.addi %mul3A_7, %add3A_212 : i32
      %add3A_214 = arith.constant 0 : i32
      %add3A_215 = arith.addi %add3A_213, %add3A_214 : i32
      %run_scoped3A = arith.constant 0 : i32
      "tpu.region"() ({
        %run_scoped3A_222 = tpu.sem_alloc : memref<!tpu.dma_semaphore, #tpu.memory_space<semaphore_mem>>
        %dma_start3A_223 = arith.constant 0 : i32
        %dma_start3A_224 = arith.constant 0 : i32
        %dma_start3A_225 = tpu.memref_slice %arg7[%run_scoped3A, %dma_start3A_223, %dma_start3A_224] : memref<3x128x128xf32, #tpu.memory_space<vmem>> -> memref<1x128x128xf32, #tpu.memory_space<vmem>>
        %dma_start3A_226 = tpu.memref_squeeze %dma_start3A_225 : memref<1x128x128xf32, #tpu.memory_space<vmem>> -> memref<128x128xf32, #tpu.memory_space<vmem>>
        %dma_start3A_227 = arith.constant 0 : i32
        %dma_start3A_228 = tpu.memref_slice %arg8[%add3A_215, %dma_start3A_227] : memref<10112x128xf32, #tpu.memory_space<vmem_shared>> -> memref<128x128xf32, #tpu.memory_space<vmem_shared>>
        %dma_start3A_229 = arith.constant 0 : i32
        %dma_start3A_230 = tpu.memref_slice %arg8[%add3A_215, %dma_start3A_229] : memref<10112x128xf32, #tpu.memory_space<vmem_shared>> -> memref<128x128xf32, #tpu.memory_space<vmem_shared>>
        %dma_start3A_231 = arith.constant 0 : i32
        %dma_start3A_232 = arith.constant 0 : i32
        %dma_start3A_233 = tpu.memref_slice %arg7[%run_scoped3A, %dma_start3A_231, %dma_start3A_232] : memref<3x128x128xf32, #tpu.memory_space<vmem>> -> memref<1x128x128xf32, #tpu.memory_space<vmem>>
        %dma_start3A_234 = tpu.memref_squeeze %dma_start3A_233 : memref<1x128x128xf32, #tpu.memory_space<vmem>> -> memref<128x128xf32, #tpu.memory_space<vmem>>
        tpu.enqueue_dma source(%dma_start3A_234 : memref<128x128xf32, #tpu.memory_space<vmem>>) target(%dma_start3A_230 : memref<128x128xf32, #tpu.memory_space<vmem_shared>>) target_semaphore(%run_scoped3A_222 : memref<!tpu.dma_semaphore, #tpu.memory_space<semaphore_mem>>)
        %dma_wait3A_235 = arith.constant 0 : i32
        %dma_wait3A_236 = arith.constant 0 : i32
        %dma_wait3A_237 = tpu.memref_slice %arg7[%run_scoped3A, %dma_wait3A_235, %dma_wait3A_236] : memref<3x128x128xf32, #tpu.memory_space<vmem>> -> memref<1x128x128xf32, #tpu.memory_space<vmem>>
        %dma_wait3A_238 = tpu.memref_squeeze %dma_wait3A_237 : memref<1x128x128xf32, #tpu.memory_space<vmem>> -> memref<128x128xf32, #tpu.memory_space<vmem>>
        %dma_wait3A_239 = arith.constant 0 : i32
        %dma_wait3A_240 = tpu.memref_slice %arg8[%add3A_215, %dma_wait3A_239] : memref<10112x128xf32, #tpu.memory_space<vmem_shared>> -> memref<128x128xf32, #tpu.memory_space<vmem_shared>>
        %dma_wait3A_241 = arith.constant 0 : i32
        %dma_wait3A_242 = tpu.memref_slice %arg8[%add3A_215, %dma_wait3A_241] : memref<10112x128xf32, #tpu.memory_space<vmem_shared>> -> memref<128x128xf32, #tpu.memory_space<vmem_shared>>
        %dma_wait3A_243 = arith.constant 0 : i32
        %dma_wait3A_244 = arith.constant 0 : i32
        %dma_wait3A_245 = tpu.memref_slice %arg7[%run_scoped3A, %dma_wait3A_243, %dma_wait3A_244] : memref<3x128x128xf32, #tpu.memory_space<vmem>> -> memref<1x128x128xf32, #tpu.memory_space<vmem>>
        %dma_wait3A_246 = tpu.memref_squeeze %dma_wait3A_245 : memref<1x128x128xf32, #tpu.memory_space<vmem>> -> memref<128x128xf32, #tpu.memory_space<vmem>>
        tpu.wait_dma2 semaphore(%run_scoped3A_222 : memref<!tpu.dma_semaphore, #tpu.memory_space<semaphore_mem>>) src(%dma_wait3A_246 : memref<128x128xf32, #tpu.memory_space<vmem>>) dst(%dma_wait3A_242 : memref<128x128xf32, #tpu.memory_space<vmem_shared>>)
        tpu.yield
      }) : () -> ()
      %add3A_216 = arith.constant 128 : i32
      %add3A_217 = arith.addi %add3A_213, %add3A_216 : i32
      %run_scoped3A_218 = arith.constant 0 : i32
      "tpu.region"() ({
        %run_scoped3A_222 = tpu.sem_alloc : memref<!tpu.dma_semaphore, #tpu.memory_space<semaphore_mem>>
        %dma_start3A_223 = arith.constant 0 : i32
        %dma_start3A_224 = arith.constant 0 : i32
        %dma_start3A_225 = tpu.memref_slice %arg7[%run_scoped3A_218, %dma_start3A_223, %dma_start3A_224] : memref<3x128x128xf32, #tpu.memory_space<vmem>> -> memref<1x128x128xf32, #tpu.memory_space<vmem>>
        %dma_start3A_226 = tpu.memref_squeeze %dma_start3A_225 : memref<1x128x128xf32, #tpu.memory_space<vmem>> -> memref<128x128xf32, #tpu.memory_space<vmem>>
        %dma_start3A_227 = arith.constant 0 : i32
        %dma_start3A_228 = tpu.memref_slice %arg8[%add3A_217, %dma_start3A_227] : memref<10112x128xf32, #tpu.memory_space<vmem_shared>> -> memref<128x128xf32, #tpu.memory_space<vmem_shared>>
        %dma_start3A_229 = arith.constant 0 : i32
        %dma_start3A_230 = tpu.memref_slice %arg8[%add3A_217, %dma_start3A_229] : memref<10112x128xf32, #tpu.memory_space<vmem_shared>> -> memref<128x128xf32, #tpu.memory_space<vmem_shared>>
        %dma_start3A_231 = arith.constant 0 : i32
        %dma_start3A_232 = arith.constant 0 : i32
        %dma_start3A_233 = tpu.memref_slice %arg7[%run_scoped3A_218, %dma_start3A_231, %dma_start3A_232] : memref<3x128x128xf32, #tpu.memory_space<vmem>> -> memref<1x128x128xf32, #tpu.memory_space<vmem>>
        %dma_start3A_234 = tpu.memref_squeeze %dma_start3A_233 : memref<1x128x128xf32, #tpu.memory_space<vmem>> -> memref<128x128xf32, #tpu.memory_space<vmem>>
        tpu.enqueue_dma source(%dma_start3A_234 : memref<128x128xf32, #tpu.memory_space<vmem>>) target(%dma_start3A_230 : memref<128x128xf32, #tpu.memory_space<vmem_shared>>) target_semaphore(%run_scoped3A_222 : memref<!tpu.dma_semaphore, #tpu.memory_space<semaphore_mem>>)
        %dma_wait3A_235 = arith.constant 0 : i32
        %dma_wait3A_236 = arith.constant 0 : i32
        %dma_wait3A_237 = tpu.memref_slice %arg7[%run_scoped3A_218, %dma_wait3A_235, %dma_wait3A_236] : memref<3x128x128xf32, #tpu.memory_space<vmem>> -> memref<1x128x128xf32, #tpu.memory_space<vmem>>
        %dma_wait3A_238 = tpu.memref_squeeze %dma_wait3A_237 : memref<1x128x128xf32, #tpu.memory_space<vmem>> -> memref<128x128xf32, #tpu.memory_space<vmem>>
        %dma_wait3A_239 = arith.constant 0 : i32
        %dma_wait3A_240 = tpu.memref_slice %arg8[%add3A_217, %dma_wait3A_239] : memref<10112x128xf32, #tpu.memory_space<vmem_shared>> -> memref<128x128xf32, #tpu.memory_space<vmem_shared>>
        %dma_wait3A_241 = arith.constant 0 : i32
        %dma_wait3A_242 = tpu.memref_slice %arg8[%add3A_217, %dma_wait3A_241] : memref<10112x128xf32, #tpu.memory_space<vmem_shared>> -> memref<128x128xf32, #tpu.memory_space<vmem_shared>>
        %dma_wait3A_243 = arith.constant 0 : i32
        %dma_wait3A_244 = arith.constant 0 : i32
        %dma_wait3A_245 = tpu.memref_slice %arg7[%run_scoped3A_218, %dma_wait3A_243, %dma_wait3A_244] : memref<3x128x128xf32, #tpu.memory_space<vmem>> -> memref<1x128x128xf32, #tpu.memory_space<vmem>>
        %dma_wait3A_246 = tpu.memref_squeeze %dma_wait3A_245 : memref<1x128x128xf32, #tpu.memory_space<vmem>> -> memref<128x128xf32, #tpu.memory_space<vmem>>
        tpu.wait_dma2 semaphore(%run_scoped3A_222 : memref<!tpu.dma_semaphore, #tpu.memory_space<semaphore_mem>>) src(%dma_wait3A_246 : memref<128x128xf32, #tpu.memory_space<vmem>>) dst(%dma_wait3A_242 : memref<128x128xf32, #tpu.memory_space<vmem_shared>>)
        tpu.yield
      }) : () -> ()
      %add3A_219 = arith.constant 256 : i32
      %add3A_220 = arith.addi %add3A_213, %add3A_219 : i32
      %run_scoped3A_221 = arith.constant 0 : i32
      "tpu.region"() ({
        %run_scoped3A_222 = tpu.sem_alloc : memref<!tpu.dma_semaphore, #tpu.memory_space<semaphore_mem>>
        %dma_start3A_223 = arith.constant 0 : i32
        %dma_start3A_224 = arith.constant 0 : i32
        %dma_start3A_225 = tpu.memref_slice %arg7[%run_scoped3A_221, %dma_start3A_223, %dma_start3A_224] : memref<3x128x128xf32, #tpu.memory_space<vmem>> -> memref<1x56x128xf32, #tpu.memory_space<vmem>>
        %dma_start3A_226 = tpu.memref_squeeze %dma_start3A_225 : memref<1x56x128xf32, #tpu.memory_space<vmem>> -> memref<56x128xf32, #tpu.memory_space<vmem>>
        %dma_start3A_227 = arith.constant 0 : i32
        %dma_start3A_228 = tpu.memref_slice %arg8[%add3A_220, %dma_start3A_227] : memref<10112x128xf32, #tpu.memory_space<vmem_shared>> -> memref<56x128xf32, #tpu.memory_space<vmem_shared>>
        %dma_start3A_229 = arith.constant 0 : i32
        %dma_start3A_230 = tpu.memref_slice %arg8[%add3A_220, %dma_start3A_229] : memref<10112x128xf32, #tpu.memory_space<vmem_shared>> -> memref<56x128xf32, #tpu.memory_space<vmem_shared>>
        %dma_start3A_231 = arith.constant 0 : i32
        %dma_start3A_232 = arith.constant 0 : i32
        %dma_start3A_233 = tpu.memref_slice %arg7[%run_scoped3A_221, %dma_start3A_231, %dma_start3A_232] : memref<3x128x128xf32, #tpu.memory_space<vmem>> -> memref<1x56x128xf32, #tpu.memory_space<vmem>>
        %dma_start3A_234 = tpu.memref_squeeze %dma_start3A_233 : memref<1x56x128xf32, #tpu.memory_space<vmem>> -> memref<56x128xf32, #tpu.memory_space<vmem>>
        tpu.enqueue_dma source(%dma_start3A_234 : memref<56x128xf32, #tpu.memory_space<vmem>>) target(%dma_start3A_230 : memref<56x128xf32, #tpu.memory_space<vmem_shared>>) target_semaphore(%run_scoped3A_222 : memref<!tpu.dma_semaphore, #tpu.memory_space<semaphore_mem>>)
        %dma_wait3A_235 = arith.constant 0 : i32
        %dma_wait3A_236 = arith.constant 0 : i32
        %dma_wait3A_237 = tpu.memref_slice %arg7[%run_scoped3A_221, %dma_wait3A_235, %dma_wait3A_236] : memref<3x128x128xf32, #tpu.memory_space<vmem>> -> memref<1x56x128xf32, #tpu.memory_space<vmem>>
        %dma_wait3A_238 = tpu.memref_squeeze %dma_wait3A_237 : memref<1x56x128xf32, #tpu.memory_space<vmem>> -> memref<56x128xf32, #tpu.memory_space<vmem>>
        %dma_wait3A_239 = arith.constant 0 : i32
        %dma_wait3A_240 = tpu.memref_slice %arg8[%add3A_220, %dma_wait3A_239] : memref<10112x128xf32, #tpu.memory_space<vmem_shared>> -> memref<56x128xf32, #tpu.memory_space<vmem_shared>>
        %dma_wait3A_241 = arith.constant 0 : i32
        %dma_wait3A_242 = tpu.memref_slice %arg8[%add3A_220, %dma_wait3A_241] : memref<10112x128xf32, #tpu.memory_space<vmem_shared>> -> memref<56x128xf32, #tpu.memory_space<vmem_shared>>
        %dma_wait3A_243 = arith.constant 0 : i32
        %dma_wait3A_244 = arith.constant 0 : i32
        %dma_wait3A_245 = tpu.memref_slice %arg7[%run_scoped3A_221, %dma_wait3A_243, %dma_wait3A_244] : memref<3x128x128xf32, #tpu.memory_space<vmem>> -> memref<1x56x128xf32, #tpu.memory_space<vmem>>
        %dma_wait3A_246 = tpu.memref_squeeze %dma_wait3A_245 : memref<1x56x128xf32, #tpu.memory_space<vmem>> -> memref<56x128xf32, #tpu.memory_space<vmem>>
        tpu.wait_dma2 semaphore(%run_scoped3A_222 : memref<!tpu.dma_semaphore, #tpu.memory_space<semaphore_mem>>) src(%dma_wait3A_246 : memref<56x128xf32, #tpu.memory_space<vmem>>) dst(%dma_wait3A_242 : memref<56x128xf32, #tpu.memory_space<vmem_shared>>)
        tpu.yield
      }) : () -> ()
    } else {
    }
    %ne3A = arith.constant 0 : i32
    %ne3A_10 = arith.cmpi ne, %arg0, %ne3A : i32
    %convert_element_type3A_11 = arith.extui %ne3A_10 : i1 to i32
    %cond3A_12 = arith.constant 0 : i32
    %cond3A_13 = arith.cmpi ne, %convert_element_type3A_11, %cond3A_12 : i32
    scf.if %cond3A_13 {
      %add3A_212 = arith.constant 320 : i32
      %add3A_213 = arith.addi %mul3A_7, %add3A_212 : i32
      %add3A_214 = arith.constant 320 : i32
      %add3A_215 = arith.addi %mul3A_7, %add3A_214 : i32
      "tpu.region"() ({
        %run_scoped3A_224 = tpu.sem_alloc : memref<!tpu.dma_semaphore, #tpu.memory_space<semaphore_mem>>
        %dma_start3A_225 = arith.constant 0 : i32
        %dma_start3A_226 = tpu.memref_slice %arg8[%add3A_215, %dma_start3A_225] : memref<10112x128xf32, #tpu.memory_space<vmem_shared>> -> memref<312x128xf32, #tpu.memory_space<vmem_shared>>
        %dma_start3A_227 = arith.constant 0 : i32
        %dma_start3A_228 = tpu.memref_slice %arg2[%add3A_213, %dma_start3A_227] : memref<10112x128xf32, #tpu.memory_space<hbm>> -> memref<312x128xf32, #tpu.memory_space<hbm>>
        tpu.enqueue_dma source(%dma_start3A_228 : memref<312x128xf32, #tpu.memory_space<hbm>>) target(%dma_start3A_226 : memref<312x128xf32, #tpu.memory_space<vmem_shared>>) target_semaphore(%run_scoped3A_224 : memref<!tpu.dma_semaphore, #tpu.memory_space<semaphore_mem>>)
        %dma_wait3A_229 = arith.constant 0 : i32
        %dma_wait3A_230 = tpu.memref_slice %arg8[%add3A_215, %dma_wait3A_229] : memref<10112x128xf32, #tpu.memory_space<vmem_shared>> -> memref<312x128xf32, #tpu.memory_space<vmem_shared>>
        %dma_wait3A_231 = arith.constant 0 : i32
        %dma_wait3A_232 = tpu.memref_slice %arg2[%add3A_213, %dma_wait3A_231] : memref<10112x128xf32, #tpu.memory_space<hbm>> -> memref<312x128xf32, #tpu.memory_space<hbm>>
        tpu.wait_dma2 semaphore(%run_scoped3A_224 : memref<!tpu.dma_semaphore, #tpu.memory_space<semaphore_mem>>) src(%dma_wait3A_232 : memref<312x128xf32, #tpu.memory_space<hbm>>) dst(%dma_wait3A_230 : memref<312x128xf32, #tpu.memory_space<vmem_shared>>)
        tpu.yield
      }) : () -> ()
      %add3A_216 = arith.constant 0 : i32
      %add3A_217 = arith.addi %mul3A_7, %add3A_216 : i32
      %run_scoped3A = arith.constant 0 : i32
      "tpu.region"() ({
        %run_scoped3A_224 = tpu.sem_alloc : memref<!tpu.dma_semaphore, #tpu.memory_space<semaphore_mem>>
        %dma_start3A_225 = arith.constant 0 : i32
        %dma_start3A_226 = arith.constant 0 : i32
        %dma_start3A_227 = tpu.memref_slice %arg7[%run_scoped3A, %dma_start3A_225, %dma_start3A_226] : memref<3x128x128xf32, #tpu.memory_space<vmem>> -> memref<1x128x128xf32, #tpu.memory_space<vmem>>
        %dma_start3A_228 = tpu.memref_squeeze %dma_start3A_227 : memref<1x128x128xf32, #tpu.memory_space<vmem>> -> memref<128x128xf32, #tpu.memory_space<vmem>>
        %dma_start3A_229 = arith.constant 0 : i32
        %dma_start3A_230 = tpu.memref_slice %arg8[%add3A_217, %dma_start3A_229] : memref<10112x128xf32, #tpu.memory_space<vmem_shared>> -> memref<128x128xf32, #tpu.memory_space<vmem_shared>>
        %dma_start3A_231 = arith.constant 0 : i32
        %dma_start3A_232 = tpu.memref_slice %arg8[%add3A_217, %dma_start3A_231] : memref<10112x128xf32, #tpu.memory_space<vmem_shared>> -> memref<128x128xf32, #tpu.memory_space<vmem_shared>>
        %dma_start3A_233 = arith.constant 0 : i32
        %dma_start3A_234 = arith.constant 0 : i32
        %dma_start3A_235 = tpu.memref_slice %arg7[%run_scoped3A, %dma_start3A_233, %dma_start3A_234] : memref<3x128x128xf32, #tpu.memory_space<vmem>> -> memref<1x128x128xf32, #tpu.memory_space<vmem>>
        %dma_start3A_236 = tpu.memref_squeeze %dma_start3A_235 : memref<1x128x128xf32, #tpu.memory_space<vmem>> -> memref<128x128xf32, #tpu.memory_space<vmem>>
        tpu.enqueue_dma source(%dma_start3A_236 : memref<128x128xf32, #tpu.memory_space<vmem>>) target(%dma_start3A_232 : memref<128x128xf32, #tpu.memory_space<vmem_shared>>) target_semaphore(%run_scoped3A_224 : memref<!tpu.dma_semaphore, #tpu.memory_space<semaphore_mem>>)
        %dma_wait3A_237 = arith.constant 0 : i32
        %dma_wait3A_238 = arith.constant 0 : i32
        %dma_wait3A_239 = tpu.memref_slice %arg7[%run_scoped3A, %dma_wait3A_237, %dma_wait3A_238] : memref<3x128x128xf32, #tpu.memory_space<vmem>> -> memref<1x128x128xf32, #tpu.memory_space<vmem>>
        %dma_wait3A_240 = tpu.memref_squeeze %dma_wait3A_239 : memref<1x128x128xf32, #tpu.memory_space<vmem>> -> memref<128x128xf32, #tpu.memory_space<vmem>>
        %dma_wait3A_241 = arith.constant 0 : i32
        %dma_wait3A_242 = tpu.memref_slice %arg8[%add3A_217, %dma_wait3A_241] : memref<10112x128xf32, #tpu.memory_space<vmem_shared>> -> memref<128x128xf32, #tpu.memory_space<vmem_shared>>
        %dma_wait3A_243 = arith.constant 0 : i32
        %dma_wait3A_244 = tpu.memref_slice %arg8[%add3A_217, %dma_wait3A_243] : memref<10112x128xf32, #tpu.memory_space<vmem_shared>> -> memref<128x128xf32, #tpu.memory_space<vmem_shared>>
        %dma_wait3A_245 = arith.constant 0 : i32
        %dma_wait3A_246 = arith.constant 0 : i32
        %dma_wait3A_247 = tpu.memref_slice %arg7[%run_scoped3A, %dma_wait3A_245, %dma_wait3A_246] : memref<3x128x128xf32, #tpu.memory_space<vmem>> -> memref<1x128x128xf32, #tpu.memory_space<vmem>>
        %dma_wait3A_248 = tpu.memref_squeeze %dma_wait3A_247 : memref<1x128x128xf32, #tpu.memory_space<vmem>> -> memref<128x128xf32, #tpu.memory_space<vmem>>
        tpu.wait_dma2 semaphore(%run_scoped3A_224 : memref<!tpu.dma_semaphore, #tpu.memory_space<semaphore_mem>>) src(%dma_wait3A_248 : memref<128x128xf32, #tpu.memory_space<vmem>>) dst(%dma_wait3A_244 : memref<128x128xf32, #tpu.memory_space<vmem_shared>>)
        tpu.yield
      }) : () -> ()
      %add3A_218 = arith.constant 128 : i32
      %add3A_219 = arith.addi %mul3A_7, %add3A_218 : i32
      %run_scoped3A_220 = arith.constant 0 : i32
      "tpu.region"() ({
        %run_scoped3A_224 = tpu.sem_alloc : memref<!tpu.dma_semaphore, #tpu.memory_space<semaphore_mem>>
        %dma_start3A_225 = arith.constant 0 : i32
        %dma_start3A_226 = arith.constant 0 : i32
        %dma_start3A_227 = tpu.memref_slice %arg7[%run_scoped3A_220, %dma_start3A_225, %dma_start3A_226] : memref<3x128x128xf32, #tpu.memory_space<vmem>> -> memref<1x128x128xf32, #tpu.memory_space<vmem>>
        %dma_start3A_228 = tpu.memref_squeeze %dma_start3A_227 : memref<1x128x128xf32, #tpu.memory_space<vmem>> -> memref<128x128xf32, #tpu.memory_space<vmem>>
        %dma_start3A_229 = arith.constant 0 : i32
        %dma_start3A_230 = tpu.memref_slice %arg8[%add3A_219, %dma_start3A_229] : memref<10112x128xf32, #tpu.memory_space<vmem_shared>> -> memref<128x128xf32, #tpu.memory_space<vmem_shared>>
        %dma_start3A_231 = arith.constant 0 : i32
        %dma_start3A_232 = tpu.memref_slice %arg8[%add3A_219, %dma_start3A_231] : memref<10112x128xf32, #tpu.memory_space<vmem_shared>> -> memref<128x128xf32, #tpu.memory_space<vmem_shared>>
        %dma_start3A_233 = arith.constant 0 : i32
        %dma_start3A_234 = arith.constant 0 : i32
        %dma_start3A_235 = tpu.memref_slice %arg7[%run_scoped3A_220, %dma_start3A_233, %dma_start3A_234] : memref<3x128x128xf32, #tpu.memory_space<vmem>> -> memref<1x128x128xf32, #tpu.memory_space<vmem>>
        %dma_start3A_236 = tpu.memref_squeeze %dma_start3A_235 : memref<1x128x128xf32, #tpu.memory_space<vmem>> -> memref<128x128xf32, #tpu.memory_space<vmem>>
        tpu.enqueue_dma source(%dma_start3A_236 : memref<128x128xf32, #tpu.memory_space<vmem>>) target(%dma_start3A_232 : memref<128x128xf32, #tpu.memory_space<vmem_shared>>) target_semaphore(%run_scoped3A_224 : memref<!tpu.dma_semaphore, #tpu.memory_space<semaphore_mem>>)
        %dma_wait3A_237 = arith.constant 0 : i32
        %dma_wait3A_238 = arith.constant 0 : i32
        %dma_wait3A_239 = tpu.memref_slice %arg7[%run_scoped3A_220, %dma_wait3A_237, %dma_wait3A_238] : memref<3x128x128xf32, #tpu.memory_space<vmem>> -> memref<1x128x128xf32, #tpu.memory_space<vmem>>
        %dma_wait3A_240 = tpu.memref_squeeze %dma_wait3A_239 : memref<1x128x128xf32, #tpu.memory_space<vmem>> -> memref<128x128xf32, #tpu.memory_space<vmem>>
        %dma_wait3A_241 = arith.constant 0 : i32
        %dma_wait3A_242 = tpu.memref_slice %arg8[%add3A_219, %dma_wait3A_241] : memref<10112x128xf32, #tpu.memory_space<vmem_shared>> -> memref<128x128xf32, #tpu.memory_space<vmem_shared>>
        %dma_wait3A_243 = arith.constant 0 : i32
        %dma_wait3A_244 = tpu.memref_slice %arg8[%add3A_219, %dma_wait3A_243] : memref<10112x128xf32, #tpu.memory_space<vmem_shared>> -> memref<128x128xf32, #tpu.memory_space<vmem_shared>>
        %dma_wait3A_245 = arith.constant 0 : i32
        %dma_wait3A_246 = arith.constant 0 : i32
        %dma_wait3A_247 = tpu.memref_slice %arg7[%run_scoped3A_220, %dma_wait3A_245, %dma_wait3A_246] : memref<3x128x128xf32, #tpu.memory_space<vmem>> -> memref<1x128x128xf32, #tpu.memory_space<vmem>>
        %dma_wait3A_248 = tpu.memref_squeeze %dma_wait3A_247 : memref<1x128x128xf32, #tpu.memory_space<vmem>> -> memref<128x128xf32, #tpu.memory_space<vmem>>
        tpu.wait_dma2 semaphore(%run_scoped3A_224 : memref<!tpu.dma_semaphore, #tpu.memory_space<semaphore_mem>>) src(%dma_wait3A_248 : memref<128x128xf32, #tpu.memory_space<vmem>>) dst(%dma_wait3A_244 : memref<128x128xf32, #tpu.memory_space<vmem_shared>>)
        tpu.yield
      }) : () -> ()
      %add3A_221 = arith.constant 256 : i32
      %add3A_222 = arith.addi %mul3A_7, %add3A_221 : i32
      %run_scoped3A_223 = arith.constant 0 : i32
      "tpu.region"() ({
        %run_scoped3A_224 = tpu.sem_alloc : memref<!tpu.dma_semaphore, #tpu.memory_space<semaphore_mem>>
        %dma_start3A_225 = arith.constant 0 : i32
        %dma_start3A_226 = arith.constant 0 : i32
        %dma_start3A_227 = tpu.memref_slice %arg7[%run_scoped3A_223, %dma_start3A_225, %dma_start3A_226] : memref<3x128x128xf32, #tpu.memory_space<vmem>> -> memref<1x64x128xf32, #tpu.memory_space<vmem>>
        %dma_start3A_228 = tpu.memref_squeeze %dma_start3A_227 : memref<1x64x128xf32, #tpu.memory_space<vmem>> -> memref<64x128xf32, #tpu.memory_space<vmem>>
        %dma_start3A_229 = arith.constant 0 : i32
        %dma_start3A_230 = tpu.memref_slice %arg8[%add3A_222, %dma_start3A_229] : memref<10112x128xf32, #tpu.memory_space<vmem_shared>> -> memref<64x128xf32, #tpu.memory_space<vmem_shared>>
        %dma_start3A_231 = arith.constant 0 : i32
        %dma_start3A_232 = tpu.memref_slice %arg8[%add3A_222, %dma_start3A_231] : memref<10112x128xf32, #tpu.memory_space<vmem_shared>> -> memref<64x128xf32, #tpu.memory_space<vmem_shared>>
        %dma_start3A_233 = arith.constant 0 : i32
        %dma_start3A_234 = arith.constant 0 : i32
        %dma_start3A_235 = tpu.memref_slice %arg7[%run_scoped3A_223, %dma_start3A_233, %dma_start3A_234] : memref<3x128x128xf32, #tpu.memory_space<vmem>> -> memref<1x64x128xf32, #tpu.memory_space<vmem>>
        %dma_start3A_236 = tpu.memref_squeeze %dma_start3A_235 : memref<1x64x128xf32, #tpu.memory_space<vmem>> -> memref<64x128xf32, #tpu.memory_space<vmem>>
        tpu.enqueue_dma source(%dma_start3A_236 : memref<64x128xf32, #tpu.memory_space<vmem>>) target(%dma_start3A_232 : memref<64x128xf32, #tpu.memory_space<vmem_shared>>) target_semaphore(%run_scoped3A_224 : memref<!tpu.dma_semaphore, #tpu.memory_space<semaphore_mem>>)
        %dma_wait3A_237 = arith.constant 0 : i32
        %dma_wait3A_238 = arith.constant 0 : i32
        %dma_wait3A_239 = tpu.memref_slice %arg7[%run_scoped3A_223, %dma_wait3A_237, %dma_wait3A_238] : memref<3x128x128xf32, #tpu.memory_space<vmem>> -> memref<1x64x128xf32, #tpu.memory_space<vmem>>
        %dma_wait3A_240 = tpu.memref_squeeze %dma_wait3A_239 : memref<1x64x128xf32, #tpu.memory_space<vmem>> -> memref<64x128xf32, #tpu.memory_space<vmem>>
        %dma_wait3A_241 = arith.constant 0 : i32
        %dma_wait3A_242 = tpu.memref_slice %arg8[%add3A_222, %dma_wait3A_241] : memref<10112x128xf32, #tpu.memory_space<vmem_shared>> -> memref<64x128xf32, #tpu.memory_space<vmem_shared>>
        %dma_wait3A_243 = arith.constant 0 : i32
        %dma_wait3A_244 = tpu.memref_slice %arg8[%add3A_222, %dma_wait3A_243] : memref<10112x128xf32, #tpu.memory_space<vmem_shared>> -> memref<64x128xf32, #tpu.memory_space<vmem_shared>>
        %dma_wait3A_245 = arith.constant 0 : i32
        %dma_wait3A_246 = arith.constant 0 : i32
        %dma_wait3A_247 = tpu.memref_slice %arg7[%run_scoped3A_223, %dma_wait3A_245, %dma_wait3A_246] : memref<3x128x128xf32, #tpu.memory_space<vmem>> -> memref<1x64x128xf32, #tpu.memory_space<vmem>>
        %dma_wait3A_248 = tpu.memref_squeeze %dma_wait3A_247 : memref<1x64x128xf32, #tpu.memory_space<vmem>> -> memref<64x128xf32, #tpu.memory_space<vmem>>
        tpu.wait_dma2 semaphore(%run_scoped3A_224 : memref<!tpu.dma_semaphore, #tpu.memory_space<semaphore_mem>>) src(%dma_wait3A_248 : memref<64x128xf32, #tpu.memory_space<vmem>>) dst(%dma_wait3A_244 : memref<64x128xf32, #tpu.memory_space<vmem_shared>>)
        tpu.yield
      }) : () -> ()
    } else {
    }
    %dma_start3A = arith.constant 0 : i32
    %dma_start3A_14 = arith.constant 0 : i32
    %dma_start3A_15 = arith.constant 0 : i32
    %dma_start3A_16 = arith.constant 0 : i32
    %dma_start3A_17 = tpu.memref_slice %arg5[%dma_start3A_15, %dma_start3A_16] : memref<3x128xi32, #tpu.memory_space<vmem>> -> memref<1x128xi32, #tpu.memory_space<vmem>>
    %dma_start3A_18 = tpu.memref_squeeze %dma_start3A_17 : memref<1x128xi32, #tpu.memory_space<vmem>> -> memref<128xi32, #tpu.memory_space<vmem>>
    %dma_start3A_19 = arith.constant 0 : i32
    %dma_start3A_20 = tpu.memref_slice %arg3[%add3A, %dma_start3A, %dma_start3A_14, %dma_start3A_19] : memref<32x2x80x128xi32, #tpu.memory_space<hbm>> -> memref<1x1x1x128xi32, #tpu.memory_space<hbm>>
    %dma_start3A_21 = tpu.memref_squeeze %dma_start3A_20 : memref<1x1x1x128xi32, #tpu.memory_space<hbm>> -> memref<128xi32, #tpu.memory_space<hbm>>
    %dma_start3A_22 = arith.constant 0 : i32
    %dma_start3A_23 = tpu.memref_slice %arg5[%dma_start3A_15, %dma_start3A_22] : memref<3x128xi32, #tpu.memory_space<vmem>> -> memref<1x128xi32, #tpu.memory_space<vmem>>
    %dma_start3A_24 = tpu.memref_squeeze %dma_start3A_23 : memref<1x128xi32, #tpu.memory_space<vmem>> -> memref<128xi32, #tpu.memory_space<vmem>>
    %dma_start3A_25 = arith.constant 0 : i32
    %dma_start3A_26 = tpu.memref_slice %arg3[%add3A, %dma_start3A, %dma_start3A_14, %dma_start3A_25] : memref<32x2x80x128xi32, #tpu.memory_space<hbm>> -> memref<1x1x1x128xi32, #tpu.memory_space<hbm>>
    %dma_start3A_27 = tpu.memref_squeeze %dma_start3A_26 : memref<1x1x1x128xi32, #tpu.memory_space<hbm>> -> memref<128xi32, #tpu.memory_space<hbm>>
    tpu.enqueue_dma source(%dma_start3A_27 : memref<128xi32, #tpu.memory_space<hbm>>) target(%dma_start3A_24 : memref<128xi32, #tpu.memory_space<vmem>>) target_semaphore(%arg9 : memref<!tpu.dma_semaphore, #tpu.memory_space<semaphore_mem>>)
    %dma_start3A_28 = arith.constant 1 : i32
    %dma_start3A_29 = arith.constant 0 : i32
    %dma_start3A_30 = arith.constant 0 : i32
    %dma_start3A_31 = arith.constant 0 : i32
    %dma_start3A_32 = tpu.memref_slice %arg6[%dma_start3A_30, %dma_start3A_31] : memref<4x128xi32, #tpu.memory_space<vmem>> -> memref<1x128xi32, #tpu.memory_space<vmem>>
    %dma_start3A_33 = tpu.memref_squeeze %dma_start3A_32 : memref<1x128xi32, #tpu.memory_space<vmem>> -> memref<128xi32, #tpu.memory_space<vmem>>
    %dma_start3A_34 = arith.constant 0 : i32
    %dma_start3A_35 = tpu.memref_slice %arg3[%add3A, %dma_start3A_28, %dma_start3A_29, %dma_start3A_34] : memref<32x2x80x128xi32, #tpu.memory_space<hbm>> -> memref<1x1x1x128xi32, #tpu.memory_space<hbm>>
    %dma_start3A_36 = tpu.memref_squeeze %dma_start3A_35 : memref<1x1x1x128xi32, #tpu.memory_space<hbm>> -> memref<128xi32, #tpu.memory_space<hbm>>
    %dma_start3A_37 = arith.constant 0 : i32
    %dma_start3A_38 = tpu.memref_slice %arg6[%dma_start3A_30, %dma_start3A_37] : memref<4x128xi32, #tpu.memory_space<vmem>> -> memref<1x128xi32, #tpu.memory_space<vmem>>
    %dma_start3A_39 = tpu.memref_squeeze %dma_start3A_38 : memref<1x128xi32, #tpu.memory_space<vmem>> -> memref<128xi32, #tpu.memory_space<vmem>>
    %dma_start3A_40 = arith.constant 0 : i32
    %dma_start3A_41 = tpu.memref_slice %arg3[%add3A, %dma_start3A_28, %dma_start3A_29, %dma_start3A_40] : memref<32x2x80x128xi32, #tpu.memory_space<hbm>> -> memref<1x1x1x128xi32, #tpu.memory_space<hbm>>
    %dma_start3A_42 = tpu.memref_squeeze %dma_start3A_41 : memref<1x1x1x128xi32, #tpu.memory_space<hbm>> -> memref<128xi32, #tpu.memory_space<hbm>>
    tpu.enqueue_dma source(%dma_start3A_42 : memref<128xi32, #tpu.memory_space<hbm>>) target(%dma_start3A_39 : memref<128xi32, #tpu.memory_space<vmem>>) target_semaphore(%arg9 : memref<!tpu.dma_semaphore, #tpu.memory_space<semaphore_mem>>)
    %dma_start3A_43 = arith.constant 0 : i32
    %dma_start3A_44 = arith.constant 1 : i32
    %dma_start3A_45 = arith.constant 1 : i32
    %dma_start3A_46 = arith.constant 0 : i32
    %dma_start3A_47 = tpu.memref_slice %arg5[%dma_start3A_45, %dma_start3A_46] : memref<3x128xi32, #tpu.memory_space<vmem>> -> memref<1x128xi32, #tpu.memory_space<vmem>>
    %dma_start3A_48 = tpu.memref_squeeze %dma_start3A_47 : memref<1x128xi32, #tpu.memory_space<vmem>> -> memref<128xi32, #tpu.memory_space<vmem>>
    %dma_start3A_49 = arith.constant 0 : i32
    %dma_start3A_50 = tpu.memref_slice %arg3[%add3A, %dma_start3A_43, %dma_start3A_44, %dma_start3A_49] : memref<32x2x80x128xi32, #tpu.memory_space<hbm>> -> memref<1x1x1x128xi32, #tpu.memory_space<hbm>>
    %dma_start3A_51 = tpu.memref_squeeze %dma_start3A_50 : memref<1x1x1x128xi32, #tpu.memory_space<hbm>> -> memref<128xi32, #tpu.memory_space<hbm>>
    %dma_start3A_52 = arith.constant 0 : i32
    %dma_start3A_53 = tpu.memref_slice %arg5[%dma_start3A_45, %dma_start3A_52] : memref<3x128xi32, #tpu.memory_space<vmem>> -> memref<1x128xi32, #tpu.memory_space<vmem>>
    %dma_start3A_54 = tpu.memref_squeeze %dma_start3A_53 : memref<1x128xi32, #tpu.memory_space<vmem>> -> memref<128xi32, #tpu.memory_space<vmem>>
    %dma_start3A_55 = arith.constant 0 : i32
    %dma_start3A_56 = tpu.memref_slice %arg3[%add3A, %dma_start3A_43, %dma_start3A_44, %dma_start3A_55] : memref<32x2x80x128xi32, #tpu.memory_space<hbm>> -> memref<1x1x1x128xi32, #tpu.memory_space<hbm>>
    %dma_start3A_57 = tpu.memref_squeeze %dma_start3A_56 : memref<1x1x1x128xi32, #tpu.memory_space<hbm>> -> memref<128xi32, #tpu.memory_space<hbm>>
    tpu.enqueue_dma source(%dma_start3A_57 : memref<128xi32, #tpu.memory_space<hbm>>) target(%dma_start3A_54 : memref<128xi32, #tpu.memory_space<vmem>>) target_semaphore(%arg9 : memref<!tpu.dma_semaphore, #tpu.memory_space<semaphore_mem>>)
    %dma_start3A_58 = arith.constant 1 : i32
    %dma_start3A_59 = arith.constant 1 : i32
    %dma_start3A_60 = arith.constant 1 : i32
    %dma_start3A_61 = arith.constant 0 : i32
    %dma_start3A_62 = tpu.memref_slice %arg6[%dma_start3A_60, %dma_start3A_61] : memref<4x128xi32, #tpu.memory_space<vmem>> -> memref<1x128xi32, #tpu.memory_space<vmem>>
    %dma_start3A_63 = tpu.memref_squeeze %dma_start3A_62 : memref<1x128xi32, #tpu.memory_space<vmem>> -> memref<128xi32, #tpu.memory_space<vmem>>
    %dma_start3A_64 = arith.constant 0 : i32
    %dma_start3A_65 = tpu.memref_slice %arg3[%add3A, %dma_start3A_58, %dma_start3A_59, %dma_start3A_64] : memref<32x2x80x128xi32, #tpu.memory_space<hbm>> -> memref<1x1x1x128xi32, #tpu.memory_space<hbm>>
    %dma_start3A_66 = tpu.memref_squeeze %dma_start3A_65 : memref<1x1x1x128xi32, #tpu.memory_space<hbm>> -> memref<128xi32, #tpu.memory_space<hbm>>
    %dma_start3A_67 = arith.constant 0 : i32
    %dma_start3A_68 = tpu.memref_slice %arg6[%dma_start3A_60, %dma_start3A_67] : memref<4x128xi32, #tpu.memory_space<vmem>> -> memref<1x128xi32, #tpu.memory_space<vmem>>
    %dma_start3A_69 = tpu.memref_squeeze %dma_start3A_68 : memref<1x128xi32, #tpu.memory_space<vmem>> -> memref<128xi32, #tpu.memory_space<vmem>>
    %dma_start3A_70 = arith.constant 0 : i32
    %dma_start3A_71 = tpu.memref_slice %arg3[%add3A, %dma_start3A_58, %dma_start3A_59, %dma_start3A_70] : memref<32x2x80x128xi32, #tpu.memory_space<hbm>> -> memref<1x1x1x128xi32, #tpu.memory_space<hbm>>
    %dma_start3A_72 = tpu.memref_squeeze %dma_start3A_71 : memref<1x1x1x128xi32, #tpu.memory_space<hbm>> -> memref<128xi32, #tpu.memory_space<hbm>>
    tpu.enqueue_dma source(%dma_start3A_72 : memref<128xi32, #tpu.memory_space<hbm>>) target(%dma_start3A_69 : memref<128xi32, #tpu.memory_space<vmem>>) target_semaphore(%arg9 : memref<!tpu.dma_semaphore, #tpu.memory_space<semaphore_mem>>)
    %dma_start3A_73 = arith.constant 0 : i32
    %dma_start3A_74 = arith.constant 2 : i32
    %dma_start3A_75 = arith.constant 2 : i32
    %dma_start3A_76 = arith.constant 0 : i32
    %dma_start3A_77 = tpu.memref_slice %arg5[%dma_start3A_75, %dma_start3A_76] : memref<3x128xi32, #tpu.memory_space<vmem>> -> memref<1x128xi32, #tpu.memory_space<vmem>>
    %dma_start3A_78 = tpu.memref_squeeze %dma_start3A_77 : memref<1x128xi32, #tpu.memory_space<vmem>> -> memref<128xi32, #tpu.memory_space<vmem>>
    %dma_start3A_79 = arith.constant 0 : i32
    %dma_start3A_80 = tpu.memref_slice %arg3[%add3A, %dma_start3A_73, %dma_start3A_74, %dma_start3A_79] : memref<32x2x80x128xi32, #tpu.memory_space<hbm>> -> memref<1x1x1x128xi32, #tpu.memory_space<hbm>>
    %dma_start3A_81 = tpu.memref_squeeze %dma_start3A_80 : memref<1x1x1x128xi32, #tpu.memory_space<hbm>> -> memref<128xi32, #tpu.memory_space<hbm>>
    %dma_start3A_82 = arith.constant 0 : i32
    %dma_start3A_83 = tpu.memref_slice %arg5[%dma_start3A_75, %dma_start3A_82] : memref<3x128xi32, #tpu.memory_space<vmem>> -> memref<1x128xi32, #tpu.memory_space<vmem>>
    %dma_start3A_84 = tpu.memref_squeeze %dma_start3A_83 : memref<1x128xi32, #tpu.memory_space<vmem>> -> memref<128xi32, #tpu.memory_space<vmem>>
    %dma_start3A_85 = arith.constant 0 : i32
    %dma_start3A_86 = tpu.memref_slice %arg3[%add3A, %dma_start3A_73, %dma_start3A_74, %dma_start3A_85] : memref<32x2x80x128xi32, #tpu.memory_space<hbm>> -> memref<1x1x1x128xi32, #tpu.memory_space<hbm>>
    %dma_start3A_87 = tpu.memref_squeeze %dma_start3A_86 : memref<1x1x1x128xi32, #tpu.memory_space<hbm>> -> memref<128xi32, #tpu.memory_space<hbm>>
    tpu.enqueue_dma source(%dma_start3A_87 : memref<128xi32, #tpu.memory_space<hbm>>) target(%dma_start3A_84 : memref<128xi32, #tpu.memory_space<vmem>>) target_semaphore(%arg9 : memref<!tpu.dma_semaphore, #tpu.memory_space<semaphore_mem>>)
    %dma_start3A_88 = arith.constant 1 : i32
    %dma_start3A_89 = arith.constant 2 : i32
    %dma_start3A_90 = arith.constant 2 : i32
    %dma_start3A_91 = arith.constant 0 : i32
    %dma_start3A_92 = tpu.memref_slice %arg6[%dma_start3A_90, %dma_start3A_91] : memref<4x128xi32, #tpu.memory_space<vmem>> -> memref<1x128xi32, #tpu.memory_space<vmem>>
    %dma_start3A_93 = tpu.memref_squeeze %dma_start3A_92 : memref<1x128xi32, #tpu.memory_space<vmem>> -> memref<128xi32, #tpu.memory_space<vmem>>
    %dma_start3A_94 = arith.constant 0 : i32
    %dma_start3A_95 = tpu.memref_slice %arg3[%add3A, %dma_start3A_88, %dma_start3A_89, %dma_start3A_94] : memref<32x2x80x128xi32, #tpu.memory_space<hbm>> -> memref<1x1x1x128xi32, #tpu.memory_space<hbm>>
    %dma_start3A_96 = tpu.memref_squeeze %dma_start3A_95 : memref<1x1x1x128xi32, #tpu.memory_space<hbm>> -> memref<128xi32, #tpu.memory_space<hbm>>
    %dma_start3A_97 = arith.constant 0 : i32
    %dma_start3A_98 = tpu.memref_slice %arg6[%dma_start3A_90, %dma_start3A_97] : memref<4x128xi32, #tpu.memory_space<vmem>> -> memref<1x128xi32, #tpu.memory_space<vmem>>
    %dma_start3A_99 = tpu.memref_squeeze %dma_start3A_98 : memref<1x128xi32, #tpu.memory_space<vmem>> -> memref<128xi32, #tpu.memory_space<vmem>>
    %dma_start3A_100 = arith.constant 0 : i32
    %dma_start3A_101 = tpu.memref_slice %arg3[%add3A, %dma_start3A_88, %dma_start3A_89, %dma_start3A_100] : memref<32x2x80x128xi32, #tpu.memory_space<hbm>> -> memref<1x1x1x128xi32, #tpu.memory_space<hbm>>
    %dma_start3A_102 = tpu.memref_squeeze %dma_start3A_101 : memref<1x1x1x128xi32, #tpu.memory_space<hbm>> -> memref<128xi32, #tpu.memory_space<hbm>>
    tpu.enqueue_dma source(%dma_start3A_102 : memref<128xi32, #tpu.memory_space<hbm>>) target(%dma_start3A_99 : memref<128xi32, #tpu.memory_space<vmem>>) target_semaphore(%arg9 : memref<!tpu.dma_semaphore, #tpu.memory_space<semaphore_mem>>)
    %dma_wait3A = arith.constant 0 : i32
    %dma_wait3A_103 = arith.constant 0 : i32
    %dma_wait3A_104 = arith.constant 0 : i32
    %dma_wait3A_105 = arith.constant 0 : i32
    %dma_wait3A_106 = tpu.memref_slice %arg5[%dma_wait3A_104, %dma_wait3A_105] : memref<3x128xi32, #tpu.memory_space<vmem>> -> memref<1x128xi32, #tpu.memory_space<vmem>>
    %dma_wait3A_107 = tpu.memref_squeeze %dma_wait3A_106 : memref<1x128xi32, #tpu.memory_space<vmem>> -> memref<128xi32, #tpu.memory_space<vmem>>
    %dma_wait3A_108 = arith.constant 0 : i32
    %dma_wait3A_109 = tpu.memref_slice %arg3[%add3A, %dma_wait3A, %dma_wait3A_103, %dma_wait3A_108] : memref<32x2x80x128xi32, #tpu.memory_space<hbm>> -> memref<1x1x1x128xi32, #tpu.memory_space<hbm>>
    %dma_wait3A_110 = tpu.memref_squeeze %dma_wait3A_109 : memref<1x1x1x128xi32, #tpu.memory_space<hbm>> -> memref<128xi32, #tpu.memory_space<hbm>>
    %dma_wait3A_111 = arith.constant 0 : i32
    %dma_wait3A_112 = tpu.memref_slice %arg5[%dma_wait3A_104, %dma_wait3A_111] : memref<3x128xi32, #tpu.memory_space<vmem>> -> memref<1x128xi32, #tpu.memory_space<vmem>>
    %dma_wait3A_113 = tpu.memref_squeeze %dma_wait3A_112 : memref<1x128xi32, #tpu.memory_space<vmem>> -> memref<128xi32, #tpu.memory_space<vmem>>
    %dma_wait3A_114 = arith.constant 0 : i32
    %dma_wait3A_115 = tpu.memref_slice %arg3[%add3A, %dma_wait3A, %dma_wait3A_103, %dma_wait3A_114] : memref<32x2x80x128xi32, #tpu.memory_space<hbm>> -> memref<1x1x1x128xi32, #tpu.memory_space<hbm>>
    %dma_wait3A_116 = tpu.memref_squeeze %dma_wait3A_115 : memref<1x1x1x128xi32, #tpu.memory_space<hbm>> -> memref<128xi32, #tpu.memory_space<hbm>>
    tpu.wait_dma2 semaphore(%arg9 : memref<!tpu.dma_semaphore, #tpu.memory_space<semaphore_mem>>) src(%dma_wait3A_116 : memref<128xi32, #tpu.memory_space<hbm>>) dst(%dma_wait3A_113 : memref<128xi32, #tpu.memory_space<vmem>>)
    %dma_wait3A_117 = arith.constant 0 : i32
    %dma_wait3A_118 = arith.constant 0 : i32
    %dma_wait3A_119 = arith.constant 0 : i32
    %dma_wait3A_120 = arith.constant 0 : i32
    %dma_wait3A_121 = tpu.memref_slice %arg5[%dma_wait3A_119, %dma_wait3A_120] : memref<3x128xi32, #tpu.memory_space<vmem>> -> memref<1x128xi32, #tpu.memory_space<vmem>>
    %dma_wait3A_122 = tpu.memref_squeeze %dma_wait3A_121 : memref<1x128xi32, #tpu.memory_space<vmem>> -> memref<128xi32, #tpu.memory_space<vmem>>
    %dma_wait3A_123 = arith.constant 0 : i32
    %dma_wait3A_124 = tpu.memref_slice %arg3[%add3A, %dma_wait3A_117, %dma_wait3A_118, %dma_wait3A_123] : memref<32x2x80x128xi32, #tpu.memory_space<hbm>> -> memref<1x1x1x128xi32, #tpu.memory_space<hbm>>
    %dma_wait3A_125 = tpu.memref_squeeze %dma_wait3A_124 : memref<1x1x1x128xi32, #tpu.memory_space<hbm>> -> memref<128xi32, #tpu.memory_space<hbm>>
    %dma_wait3A_126 = arith.constant 0 : i32
    %dma_wait3A_127 = tpu.memref_slice %arg5[%dma_wait3A_119, %dma_wait3A_126] : memref<3x128xi32, #tpu.memory_space<vmem>> -> memref<1x128xi32, #tpu.memory_space<vmem>>
    %dma_wait3A_128 = tpu.memref_squeeze %dma_wait3A_127 : memref<1x128xi32, #tpu.memory_space<vmem>> -> memref<128xi32, #tpu.memory_space<vmem>>
    %dma_wait3A_129 = arith.constant 0 : i32
    %dma_wait3A_130 = tpu.memref_slice %arg3[%add3A, %dma_wait3A_117, %dma_wait3A_118, %dma_wait3A_129] : memref<32x2x80x128xi32, #tpu.memory_space<hbm>> -> memref<1x1x1x128xi32, #tpu.memory_space<hbm>>
    %dma_wait3A_131 = tpu.memref_squeeze %dma_wait3A_130 : memref<1x1x1x128xi32, #tpu.memory_space<hbm>> -> memref<128xi32, #tpu.memory_space<hbm>>
    tpu.wait_dma2 semaphore(%arg9 : memref<!tpu.dma_semaphore, #tpu.memory_space<semaphore_mem>>) src(%dma_wait3A_131 : memref<128xi32, #tpu.memory_space<hbm>>) dst(%dma_wait3A_128 : memref<128xi32, #tpu.memory_space<vmem>>)
    %dma_start3A_132 = arith.constant 0 : i32
    %dma_start3A_133 = arith.constant 0 : i32
    %dma_start3A_134 = arith.constant 0 : i32
    %dma_start3A_135 = arith.constant 0 : i32
    %dma_start3A_136 = tpu.memref_slice %arg7[%dma_start3A_133, %dma_start3A_134, %dma_start3A_135] : memref<3x128x128xf32, #tpu.memory_space<vmem>> -> memref<1x128x128xf32, #tpu.memory_space<vmem>>
    %dma_start3A_137 = tpu.memref_squeeze %dma_start3A_136 : memref<1x128x128xf32, #tpu.memory_space<vmem>> -> memref<128x128xf32, #tpu.memory_space<vmem>>
    %dma_start3A_138 = arith.constant 0 : i32
    %dma_start3A_139 = tpu.memref_slice %arg5[%dma_start3A_132, %dma_start3A_138] : memref<3x128xi32, #tpu.memory_space<vmem>> -> memref<1x128xi32, #tpu.memory_space<vmem>>
    %dma_start3A_140 = tpu.memref_squeeze %dma_start3A_139 : memref<1x128xi32, #tpu.memory_space<vmem>> -> memref<128xi32, #tpu.memory_space<vmem>>
    %dma_start3A_141 = arith.constant 0 : i32
    %dma_start3A_142 = arith.constant 0 : i32
    %dma_start3A_143 = tpu.memref_slice %arg2[%dma_start3A_141, %dma_start3A_142] : memref<10112x128xf32, #tpu.memory_space<hbm>> -> memref<10112x128xf32, #tpu.memory_space<hbm>>
    tpu.enqueue_indirect_dma source(%dma_start3A_143 : memref<10112x128xf32, #tpu.memory_space<hbm>>) target(%dma_start3A_137 : memref<128x128xf32, #tpu.memory_space<vmem>>) offsets(%dma_start3A_140 : memref<128xi32, #tpu.memory_space<vmem>>) semaphore(%arg10 : memref<!tpu.dma_semaphore, #tpu.memory_space<semaphore_mem>>)
    %dma_wait3A_144 = arith.constant 0 : i32
    %dma_wait3A_145 = arith.constant 0 : i32
    %dma_wait3A_146 = arith.constant 0 : i32
    %dma_wait3A_147 = arith.constant 0 : i32
    %dma_wait3A_148 = tpu.memref_slice %arg5[%dma_wait3A_146, %dma_wait3A_147] : memref<3x128xi32, #tpu.memory_space<vmem>> -> memref<1x128xi32, #tpu.memory_space<vmem>>
    %dma_wait3A_149 = tpu.memref_squeeze %dma_wait3A_148 : memref<1x128xi32, #tpu.memory_space<vmem>> -> memref<128xi32, #tpu.memory_space<vmem>>
    %dma_wait3A_150 = arith.constant 0 : i32
    %dma_wait3A_151 = tpu.memref_slice %arg3[%add3A, %dma_wait3A_144, %dma_wait3A_145, %dma_wait3A_150] : memref<32x2x80x128xi32, #tpu.memory_space<hbm>> -> memref<1x1x1x128xi32, #tpu.memory_space<hbm>>
    %dma_wait3A_152 = tpu.memref_squeeze %dma_wait3A_151 : memref<1x1x1x128xi32, #tpu.memory_space<hbm>> -> memref<128xi32, #tpu.memory_space<hbm>>
    %dma_wait3A_153 = arith.constant 0 : i32
    %dma_wait3A_154 = tpu.memref_slice %arg5[%dma_wait3A_146, %dma_wait3A_153] : memref<3x128xi32, #tpu.memory_space<vmem>> -> memref<1x128xi32, #tpu.memory_space<vmem>>
    %dma_wait3A_155 = tpu.memref_squeeze %dma_wait3A_154 : memref<1x128xi32, #tpu.memory_space<vmem>> -> memref<128xi32, #tpu.memory_space<vmem>>
    %dma_wait3A_156 = arith.constant 0 : i32
    %dma_wait3A_157 = tpu.memref_slice %arg3[%add3A, %dma_wait3A_144, %dma_wait3A_145, %dma_wait3A_156] : memref<32x2x80x128xi32, #tpu.memory_space<hbm>> -> memref<1x1x1x128xi32, #tpu.memory_space<hbm>>
    %dma_wait3A_158 = tpu.memref_squeeze %dma_wait3A_157 : memref<1x1x1x128xi32, #tpu.memory_space<hbm>> -> memref<128xi32, #tpu.memory_space<hbm>>
    tpu.wait_dma2 semaphore(%arg9 : memref<!tpu.dma_semaphore, #tpu.memory_space<semaphore_mem>>) src(%dma_wait3A_158 : memref<128xi32, #tpu.memory_space<hbm>>) dst(%dma_wait3A_155 : memref<128xi32, #tpu.memory_space<vmem>>)
    %dma_wait3A_159 = arith.constant 0 : i32
    %dma_wait3A_160 = arith.constant 0 : i32
    %dma_wait3A_161 = arith.constant 0 : i32
    %dma_wait3A_162 = arith.constant 0 : i32
    %dma_wait3A_163 = tpu.memref_slice %arg5[%dma_wait3A_161, %dma_wait3A_162] : memref<3x128xi32, #tpu.memory_space<vmem>> -> memref<1x128xi32, #tpu.memory_space<vmem>>
    %dma_wait3A_164 = tpu.memref_squeeze %dma_wait3A_163 : memref<1x128xi32, #tpu.memory_space<vmem>> -> memref<128xi32, #tpu.memory_space<vmem>>
    %dma_wait3A_165 = arith.constant 0 : i32
    %dma_wait3A_166 = tpu.memref_slice %arg3[%add3A, %dma_wait3A_159, %dma_wait3A_160, %dma_wait3A_165] : memref<32x2x80x128xi32, #tpu.memory_space<hbm>> -> memref<1x1x1x128xi32, #tpu.memory_space<hbm>>
    %dma_wait3A_167 = tpu.memref_squeeze %dma_wait3A_166 : memref<1x1x1x128xi32, #tpu.memory_space<hbm>> -> memref<128xi32, #tpu.memory_space<hbm>>
    %dma_wait3A_168 = arith.constant 0 : i32
    %dma_wait3A_169 = tpu.memref_slice %arg5[%dma_wait3A_161, %dma_wait3A_168] : memref<3x128xi32, #tpu.memory_space<vmem>> -> memref<1x128xi32, #tpu.memory_space<vmem>>
    %dma_wait3A_170 = tpu.memref_squeeze %dma_wait3A_169 : memref<1x128xi32, #tpu.memory_space<vmem>> -> memref<128xi32, #tpu.memory_space<vmem>>
    %dma_wait3A_171 = arith.constant 0 : i32
    %dma_wait3A_172 = tpu.memref_slice %arg3[%add3A, %dma_wait3A_159, %dma_wait3A_160, %dma_wait3A_171] : memref<32x2x80x128xi32, #tpu.memory_space<hbm>> -> memref<1x1x1x128xi32, #tpu.memory_space<hbm>>
    %dma_wait3A_173 = tpu.memref_squeeze %dma_wait3A_172 : memref<1x1x1x128xi32, #tpu.memory_space<hbm>> -> memref<128xi32, #tpu.memory_space<hbm>>
    tpu.wait_dma2 semaphore(%arg9 : memref<!tpu.dma_semaphore, #tpu.memory_space<semaphore_mem>>) src(%dma_wait3A_173 : memref<128xi32, #tpu.memory_space<hbm>>) dst(%dma_wait3A_170 : memref<128xi32, #tpu.memory_space<vmem>>)
    %dma_start3A_174 = arith.constant 1 : i32
    %dma_start3A_175 = arith.constant 1 : i32
    %dma_start3A_176 = arith.constant 0 : i32
    %dma_start3A_177 = arith.constant 0 : i32
    %dma_start3A_178 = tpu.memref_slice %arg7[%dma_start3A_175, %dma_start3A_176, %dma_start3A_177] : memref<3x128x128xf32, #tpu.memory_space<vmem>> -> memref<1x128x128xf32, #tpu.memory_space<vmem>>
    %dma_start3A_179 = tpu.memref_squeeze %dma_start3A_178 : memref<1x128x128xf32, #tpu.memory_space<vmem>> -> memref<128x128xf32, #tpu.memory_space<vmem>>
    %dma_start3A_180 = arith.constant 0 : i32
    %dma_start3A_181 = tpu.memref_slice %arg5[%dma_start3A_174, %dma_start3A_180] : memref<3x128xi32, #tpu.memory_space<vmem>> -> memref<1x128xi32, #tpu.memory_space<vmem>>
    %dma_start3A_182 = tpu.memref_squeeze %dma_start3A_181 : memref<1x128xi32, #tpu.memory_space<vmem>> -> memref<128xi32, #tpu.memory_space<vmem>>
    %dma_start3A_183 = arith.constant 0 : i32
    %dma_start3A_184 = arith.constant 0 : i32
    %dma_start3A_185 = tpu.memref_slice %arg2[%dma_start3A_183, %dma_start3A_184] : memref<10112x128xf32, #tpu.memory_space<hbm>> -> memref<10112x128xf32, #tpu.memory_space<hbm>>
    tpu.enqueue_indirect_dma source(%dma_start3A_185 : memref<10112x128xf32, #tpu.memory_space<hbm>>) target(%dma_start3A_179 : memref<128x128xf32, #tpu.memory_space<vmem>>) offsets(%dma_start3A_182 : memref<128xi32, #tpu.memory_space<vmem>>) semaphore(%arg10 : memref<!tpu.dma_semaphore, #tpu.memory_space<semaphore_mem>>)
    %barrier3A = arith.constant 0 : index
    tpu.barrier barrier_id(%barrier3A)
    %scan3A_186 = arith.constant 0 : i32
    %scan3A_187 = arith.constant 0 : i32
    %scan3A_188 = arith.constant 80 : i32
    %scan3A_189 = arith.addi %scan3A_187, %scan3A_188 : i32
    %scan3A_190 = arith.constant 1 : i32
    scf.for %scan3A_212 = %scan3A_187 to %scan3A_189 step %scan3A_190  : i32 {
      %jit3A = arith.constant 3 : i32
      %eq3A_213 = arith.constant 0 : i32
      %eq3A_214 = arith.cmpi eq, %jit3A, %eq3A_213 : i32
      %jit3A_215 = arith.constant 1 : i32
      %select_n3A = arith.select %eq3A_214, %jit3A_215, %jit3A : i32
      %rem3A = arith.remsi %scan3A_212, %select_n3A : i32
      %ne3A_216 = arith.constant 0 : i32
      %ne3A_217 = arith.cmpi ne, %rem3A, %ne3A_216 : i32
      %lt3A = arith.constant 0 : i32
      %lt3A_218 = arith.cmpi slt, %rem3A, %lt3A : i32
      %lt3A_219 = arith.constant 0 : i32
      %lt3A_220 = arith.cmpi slt, %select_n3A, %lt3A_219 : i32
      %ne3A_221 = arith.xori %lt3A_218, %lt3A_220 : i1
      %and3A = arith.andi %ne3A_221, %ne3A_217 : i1
      %add3A_222 = arith.addi %rem3A, %select_n3A : i32
      %select_n3A_223 = arith.select %and3A, %add3A_222, %rem3A : i32
      %dma_wait3A_224 = arith.constant 0 : i32
      %dma_wait3A_225 = arith.constant 0 : i32
      %dma_wait3A_226 = arith.constant 0 : i32
      %dma_wait3A_227 = tpu.memref_slice %arg7[%dma_wait3A_224, %dma_wait3A_225, %dma_wait3A_226] : memref<3x128x128xf32, #tpu.memory_space<vmem>> -> memref<1x128x128xf32, #tpu.memory_space<vmem>>
      %dma_wait3A_228 = tpu.memref_squeeze %dma_wait3A_227 : memref<1x128x128xf32, #tpu.memory_space<vmem>> -> memref<128x128xf32, #tpu.memory_space<vmem>>
      %dma_wait3A_229 = arith.constant 0 : i32
      %dma_wait3A_230 = arith.constant 0 : i32
      %dma_wait3A_231 = tpu.memref_slice %arg2[%dma_wait3A_229, %dma_wait3A_230] : memref<10112x128xf32, #tpu.memory_space<hbm>> -> memref<128x128xf32, #tpu.memory_space<hbm>>
      %dma_wait3A_232 = arith.constant 0 : i32
      %dma_wait3A_233 = arith.constant 0 : i32
      %dma_wait3A_234 = tpu.memref_slice %arg7[%dma_wait3A_224, %dma_wait3A_232, %dma_wait3A_233] : memref<3x128x128xf32, #tpu.memory_space<vmem>> -> memref<1x128x128xf32, #tpu.memory_space<vmem>>
      %dma_wait3A_235 = tpu.memref_squeeze %dma_wait3A_234 : memref<1x128x128xf32, #tpu.memory_space<vmem>> -> memref<128x128xf32, #tpu.memory_space<vmem>>
      %dma_wait3A_236 = arith.constant 0 : i32
      %dma_wait3A_237 = arith.constant 0 : i32
      %dma_wait3A_238 = tpu.memref_slice %arg2[%dma_wait3A_236, %dma_wait3A_237] : memref<10112x128xf32, #tpu.memory_space<hbm>> -> memref<128x128xf32, #tpu.memory_space<hbm>>
      tpu.wait_dma2 semaphore(%arg10 : memref<!tpu.dma_semaphore, #tpu.memory_space<semaphore_mem>>) src(%dma_wait3A_238 : memref<128x128xf32, #tpu.memory_space<hbm>>) dst(%dma_wait3A_235 : memref<128x128xf32, #tpu.memory_space<vmem>>)
      %gt3A = arith.constant 0 : i32
      %gt3A_239 = arith.cmpi sgt, %scan3A_212, %gt3A : i32
      %convert_element_type3A_240 = arith.extui %gt3A_239 : i1 to i32
      %cond3A_241 = arith.constant 0 : i32
      %cond3A_242 = arith.cmpi ne, %convert_element_type3A_240, %cond3A_241 : i32
      scf.if %cond3A_242 {
        %dma_wait3A_283 = arith.constant 0 : i32
        %dma_wait3A_284 = arith.constant 0 : i32
        %dma_wait3A_285 = arith.constant 0 : i32
        %dma_wait3A_286 = tpu.memref_slice %arg7[%dma_wait3A_283, %dma_wait3A_284, %dma_wait3A_285] : memref<3x128x128xf32, #tpu.memory_space<vmem>> -> memref<1x128x128xf32, #tpu.memory_space<vmem>>
        %dma_wait3A_287 = tpu.memref_squeeze %dma_wait3A_286 : memref<1x128x128xf32, #tpu.memory_space<vmem>> -> memref<128x128xf32, #tpu.memory_space<vmem>>
        %dma_wait3A_288 = arith.constant 0 : i32
        %dma_wait3A_289 = arith.constant 0 : i32
        %dma_wait3A_290 = tpu.memref_slice %arg2[%dma_wait3A_288, %dma_wait3A_289] : memref<10112x128xf32, #tpu.memory_space<hbm>> -> memref<128x128xf32, #tpu.memory_space<hbm>>
        %dma_wait3A_291 = arith.constant 0 : i32
        %dma_wait3A_292 = arith.constant 0 : i32
        %dma_wait3A_293 = tpu.memref_slice %arg7[%dma_wait3A_283, %dma_wait3A_291, %dma_wait3A_292] : memref<3x128x128xf32, #tpu.memory_space<vmem>> -> memref<1x128x128xf32, #tpu.memory_space<vmem>>
        %dma_wait3A_294 = tpu.memref_squeeze %dma_wait3A_293 : memref<1x128x128xf32, #tpu.memory_space<vmem>> -> memref<128x128xf32, #tpu.memory_space<vmem>>
        %dma_wait3A_295 = arith.constant 0 : i32
        %dma_wait3A_296 = arith.constant 0 : i32
        %dma_wait3A_297 = tpu.memref_slice %arg2[%dma_wait3A_295, %dma_wait3A_296] : memref<10112x128xf32, #tpu.memory_space<hbm>> -> memref<128x128xf32, #tpu.memory_space<hbm>>
        tpu.wait_dma2 semaphore(%arg11 : memref<!tpu.dma_semaphore, #tpu.memory_space<semaphore_mem>>) src(%dma_wait3A_297 : memref<128x128xf32, #tpu.memory_space<hbm>>) dst(%dma_wait3A_294 : memref<128x128xf32, #tpu.memory_space<vmem>>)
      } else {
      }
      %jit3A_243 = arith.constant 4 : i32
      %eq3A_244 = arith.constant 0 : i32
      %eq3A_245 = arith.cmpi eq, %jit3A_243, %eq3A_244 : i32
      %jit3A_246 = arith.constant 1 : i32
      %select_n3A_247 = arith.select %eq3A_245, %jit3A_246, %jit3A_243 : i32
      %rem3A_248 = arith.remsi %scan3A_212, %select_n3A_247 : i32
      %ne3A_249 = arith.constant 0 : i32
      %ne3A_250 = arith.cmpi ne, %rem3A_248, %ne3A_249 : i32
      %lt3A_251 = arith.constant 0 : i32
      %lt3A_252 = arith.cmpi slt, %rem3A_248, %lt3A_251 : i32
      %lt3A_253 = arith.constant 0 : i32
      %lt3A_254 = arith.cmpi slt, %select_n3A_247, %lt3A_253 : i32
      %ne3A_255 = arith.xori %lt3A_252, %lt3A_254 : i1
      %and3A_256 = arith.andi %ne3A_255, %ne3A_250 : i1
      %add3A_257 = arith.addi %rem3A_248, %select_n3A_247 : i32
      %select_n3A_258 = arith.select %and3A_256, %add3A_257, %rem3A_248 : i32
      %dma_start3A_259 = arith.constant 0 : i32
      %dma_start3A_260 = arith.constant 0 : i32
      %dma_start3A_261 = tpu.memref_slice %arg7[%select_n3A_223, %dma_start3A_259, %dma_start3A_260] : memref<3x128x128xf32, #tpu.memory_space<vmem>> -> memref<1x128x128xf32, #tpu.memory_space<vmem>>
      %dma_start3A_262 = tpu.memref_squeeze %dma_start3A_261 : memref<1x128x128xf32, #tpu.memory_space<vmem>> -> memref<128x128xf32, #tpu.memory_space<vmem>>
      %dma_start3A_263 = arith.constant 0 : i32
      %dma_start3A_264 = tpu.memref_slice %arg6[%select_n3A_258, %dma_start3A_263] : memref<4x128xi32, #tpu.memory_space<vmem>> -> memref<1x128xi32, #tpu.memory_space<vmem>>
      %dma_start3A_265 = tpu.memref_squeeze %dma_start3A_264 : memref<1x128xi32, #tpu.memory_space<vmem>> -> memref<128xi32, #tpu.memory_space<vmem>>
      %dma_start3A_266 = arith.constant 0 : i32
      %dma_start3A_267 = arith.constant 0 : i32
      %dma_start3A_268 = tpu.memref_slice %arg8[%dma_start3A_266, %dma_start3A_267] : memref<10112x128xf32, #tpu.memory_space<vmem_shared>> -> memref<10112x128xf32, #tpu.memory_space<vmem_shared>>
      tpu.enqueue_indirect_dma source(%dma_start3A_262 : memref<128x128xf32, #tpu.memory_space<vmem>>) target(%dma_start3A_268 : memref<10112x128xf32, #tpu.memory_space<vmem_shared>>) offsets(%dma_start3A_265 : memref<128xi32, #tpu.memory_space<vmem>>) semaphore(%arg11 : memref<!tpu.dma_semaphore, #tpu.memory_space<semaphore_mem>>) {add = true}
      %add3A_269 = arith.constant 2 : i32
      %add3A_270 = arith.addi %scan3A_212, %add3A_269 : i32
      %lt3A_271 = arith.constant 80 : i32
      %lt3A_272 = arith.cmpi slt, %add3A_270, %lt3A_271 : i32
      %convert_element_type3A_273 = arith.extui %lt3A_272 : i1 to i32
      %cond3A_274 = arith.constant 0 : i32
      %cond3A_275 = arith.cmpi ne, %convert_element_type3A_273, %cond3A_274 : i32
      scf.if %cond3A_275 {
        %dma_wait3A_283 = arith.constant 0 : i32
        %dma_wait3A_284 = arith.constant 0 : i32
        %dma_wait3A_285 = arith.constant 0 : i32
        %dma_wait3A_286 = arith.constant 0 : i32
        %dma_wait3A_287 = tpu.memref_slice %arg5[%dma_wait3A_285, %dma_wait3A_286] : memref<3x128xi32, #tpu.memory_space<vmem>> -> memref<1x128xi32, #tpu.memory_space<vmem>>
        %dma_wait3A_288 = tpu.memref_squeeze %dma_wait3A_287 : memref<1x128xi32, #tpu.memory_space<vmem>> -> memref<128xi32, #tpu.memory_space<vmem>>
        %dma_wait3A_289 = arith.constant 0 : i32
        %dma_wait3A_290 = tpu.memref_slice %arg3[%add3A, %dma_wait3A_283, %dma_wait3A_284, %dma_wait3A_289] : memref<32x2x80x128xi32, #tpu.memory_space<hbm>> -> memref<1x1x1x128xi32, #tpu.memory_space<hbm>>
        %dma_wait3A_291 = tpu.memref_squeeze %dma_wait3A_290 : memref<1x1x1x128xi32, #tpu.memory_space<hbm>> -> memref<128xi32, #tpu.memory_space<hbm>>
        %dma_wait3A_292 = arith.constant 0 : i32
        %dma_wait3A_293 = tpu.memref_slice %arg5[%dma_wait3A_285, %dma_wait3A_292] : memref<3x128xi32, #tpu.memory_space<vmem>> -> memref<1x128xi32, #tpu.memory_space<vmem>>
        %dma_wait3A_294 = tpu.memref_squeeze %dma_wait3A_293 : memref<1x128xi32, #tpu.memory_space<vmem>> -> memref<128xi32, #tpu.memory_space<vmem>>
        %dma_wait3A_295 = arith.constant 0 : i32
        %dma_wait3A_296 = tpu.memref_slice %arg3[%add3A, %dma_wait3A_283, %dma_wait3A_284, %dma_wait3A_295] : memref<32x2x80x128xi32, #tpu.memory_space<hbm>> -> memref<1x1x1x128xi32, #tpu.memory_space<hbm>>
        %dma_wait3A_297 = tpu.memref_squeeze %dma_wait3A_296 : memref<1x1x1x128xi32, #tpu.memory_space<hbm>> -> memref<128xi32, #tpu.memory_space<hbm>>
        tpu.wait_dma2 semaphore(%arg9 : memref<!tpu.dma_semaphore, #tpu.memory_space<semaphore_mem>>) src(%dma_wait3A_297 : memref<128xi32, #tpu.memory_space<hbm>>) dst(%dma_wait3A_294 : memref<128xi32, #tpu.memory_space<vmem>>)
        %dma_wait3A_298 = arith.constant 0 : i32
        %dma_wait3A_299 = arith.constant 0 : i32
        %dma_wait3A_300 = arith.constant 0 : i32
        %dma_wait3A_301 = arith.constant 0 : i32
        %dma_wait3A_302 = tpu.memref_slice %arg5[%dma_wait3A_300, %dma_wait3A_301] : memref<3x128xi32, #tpu.memory_space<vmem>> -> memref<1x128xi32, #tpu.memory_space<vmem>>
        %dma_wait3A_303 = tpu.memref_squeeze %dma_wait3A_302 : memref<1x128xi32, #tpu.memory_space<vmem>> -> memref<128xi32, #tpu.memory_space<vmem>>
        %dma_wait3A_304 = arith.constant 0 : i32
        %dma_wait3A_305 = tpu.memref_slice %arg3[%add3A, %dma_wait3A_298, %dma_wait3A_299, %dma_wait3A_304] : memref<32x2x80x128xi32, #tpu.memory_space<hbm>> -> memref<1x1x1x128xi32, #tpu.memory_space<hbm>>
        %dma_wait3A_306 = tpu.memref_squeeze %dma_wait3A_305 : memref<1x1x1x128xi32, #tpu.memory_space<hbm>> -> memref<128xi32, #tpu.memory_space<hbm>>
        %dma_wait3A_307 = arith.constant 0 : i32
        %dma_wait3A_308 = tpu.memref_slice %arg5[%dma_wait3A_300, %dma_wait3A_307] : memref<3x128xi32, #tpu.memory_space<vmem>> -> memref<1x128xi32, #tpu.memory_space<vmem>>
        %dma_wait3A_309 = tpu.memref_squeeze %dma_wait3A_308 : memref<1x128xi32, #tpu.memory_space<vmem>> -> memref<128xi32, #tpu.memory_space<vmem>>
        %dma_wait3A_310 = arith.constant 0 : i32
        %dma_wait3A_311 = tpu.memref_slice %arg3[%add3A, %dma_wait3A_298, %dma_wait3A_299, %dma_wait3A_310] : memref<32x2x80x128xi32, #tpu.memory_space<hbm>> -> memref<1x1x1x128xi32, #tpu.memory_space<hbm>>
        %dma_wait3A_312 = tpu.memref_squeeze %dma_wait3A_311 : memref<1x1x1x128xi32, #tpu.memory_space<hbm>> -> memref<128xi32, #tpu.memory_space<hbm>>
        tpu.wait_dma2 semaphore(%arg9 : memref<!tpu.dma_semaphore, #tpu.memory_space<semaphore_mem>>) src(%dma_wait3A_312 : memref<128xi32, #tpu.memory_space<hbm>>) dst(%dma_wait3A_309 : memref<128xi32, #tpu.memory_space<vmem>>)
        %add3A_313 = arith.constant 2 : i32
        %add3A_314 = arith.addi %scan3A_212, %add3A_313 : i32
        %jit3A_315 = arith.constant 3 : i32
        %eq3A_316 = arith.constant 0 : i32
        %eq3A_317 = arith.cmpi eq, %jit3A_315, %eq3A_316 : i32
        %jit3A_318 = arith.constant 1 : i32
        %select_n3A_319 = arith.select %eq3A_317, %jit3A_318, %jit3A_315 : i32
        %rem3A_320 = arith.remsi %add3A_314, %select_n3A_319 : i32
        %ne3A_321 = arith.constant 0 : i32
        %ne3A_322 = arith.cmpi ne, %rem3A_320, %ne3A_321 : i32
        %lt3A_323 = arith.constant 0 : i32
        %lt3A_324 = arith.cmpi slt, %rem3A_320, %lt3A_323 : i32
        %lt3A_325 = arith.constant 0 : i32
        %lt3A_326 = arith.cmpi slt, %select_n3A_319, %lt3A_325 : i32
        %ne3A_327 = arith.xori %lt3A_324, %lt3A_326 : i1
        %and3A_328 = arith.andi %ne3A_327, %ne3A_322 : i1
        %add3A_329 = arith.addi %rem3A_320, %select_n3A_319 : i32
        %select_n3A_330 = arith.select %and3A_328, %add3A_329, %rem3A_320 : i32
        %add3A_331 = arith.constant 2 : i32
        %add3A_332 = arith.addi %scan3A_212, %add3A_331 : i32
        %jit3A_333 = arith.constant 3 : i32
        %eq3A_334 = arith.constant 0 : i32
        %eq3A_335 = arith.cmpi eq, %jit3A_333, %eq3A_334 : i32
        %jit3A_336 = arith.constant 1 : i32
        %select_n3A_337 = arith.select %eq3A_335, %jit3A_336, %jit3A_333 : i32
        %rem3A_338 = arith.remsi %add3A_332, %select_n3A_337 : i32
        %ne3A_339 = arith.constant 0 : i32
        %ne3A_340 = arith.cmpi ne, %rem3A_338, %ne3A_339 : i32
        %lt3A_341 = arith.constant 0 : i32
        %lt3A_342 = arith.cmpi slt, %rem3A_338, %lt3A_341 : i32
        %lt3A_343 = arith.constant 0 : i32
        %lt3A_344 = arith.cmpi slt, %select_n3A_337, %lt3A_343 : i32
        %ne3A_345 = arith.xori %lt3A_342, %lt3A_344 : i1
        %and3A_346 = arith.andi %ne3A_345, %ne3A_340 : i1
        %add3A_347 = arith.addi %rem3A_338, %select_n3A_337 : i32
        %select_n3A_348 = arith.select %and3A_346, %add3A_347, %rem3A_338 : i32
        %dma_start3A_349 = arith.constant 0 : i32
        %dma_start3A_350 = arith.constant 0 : i32
        %dma_start3A_351 = tpu.memref_slice %arg7[%select_n3A_348, %dma_start3A_349, %dma_start3A_350] : memref<3x128x128xf32, #tpu.memory_space<vmem>> -> memref<1x128x128xf32, #tpu.memory_space<vmem>>
        %dma_start3A_352 = tpu.memref_squeeze %dma_start3A_351 : memref<1x128x128xf32, #tpu.memory_space<vmem>> -> memref<128x128xf32, #tpu.memory_space<vmem>>
        %dma_start3A_353 = arith.constant 0 : i32
        %dma_start3A_354 = tpu.memref_slice %arg5[%select_n3A_330, %dma_start3A_353] : memref<3x128xi32, #tpu.memory_space<vmem>> -> memref<1x128xi32, #tpu.memory_space<vmem>>
        %dma_start3A_355 = tpu.memref_squeeze %dma_start3A_354 : memref<1x128xi32, #tpu.memory_space<vmem>> -> memref<128xi32, #tpu.memory_space<vmem>>
        %dma_start3A_356 = arith.constant 0 : i32
        %dma_start3A_357 = arith.constant 0 : i32
        %dma_start3A_358 = tpu.memref_slice %arg2[%dma_start3A_356, %dma_start3A_357] : memref<10112x128xf32, #tpu.memory_space<hbm>> -> memref<10112x128xf32, #tpu.memory_space<hbm>>
        tpu.enqueue_indirect_dma source(%dma_start3A_358 : memref<10112x128xf32, #tpu.memory_space<hbm>>) target(%dma_start3A_352 : memref<128x128xf32, #tpu.memory_space<vmem>>) offsets(%dma_start3A_355 : memref<128xi32, #tpu.memory_space<vmem>>) semaphore(%arg10 : memref<!tpu.dma_semaphore, #tpu.memory_space<semaphore_mem>>)
      } else {
      }
      %add3A_276 = arith.constant 3 : i32
      %add3A_277 = arith.addi %scan3A_212, %add3A_276 : i32
      %lt3A_278 = arith.constant 80 : i32
      %lt3A_279 = arith.cmpi slt, %add3A_277, %lt3A_278 : i32
      %convert_element_type3A_280 = arith.extui %lt3A_279 : i1 to i32
      %cond3A_281 = arith.constant 0 : i32
      %cond3A_282 = arith.cmpi ne, %convert_element_type3A_280, %cond3A_281 : i32
      scf.if %cond3A_282 {
        %add3A_283 = arith.constant 3 : i32
        %add3A_284 = arith.addi %scan3A_212, %add3A_283 : i32
        %jit3A_285 = arith.constant 3 : i32
        %eq3A_286 = arith.constant 0 : i32
        %eq3A_287 = arith.cmpi eq, %jit3A_285, %eq3A_286 : i32
        %jit3A_288 = arith.constant 1 : i32
        %select_n3A_289 = arith.select %eq3A_287, %jit3A_288, %jit3A_285 : i32
        %rem3A_290 = arith.remsi %add3A_284, %select_n3A_289 : i32
        %ne3A_291 = arith.constant 0 : i32
        %ne3A_292 = arith.cmpi ne, %rem3A_290, %ne3A_291 : i32
        %lt3A_293 = arith.constant 0 : i32
        %lt3A_294 = arith.cmpi slt, %rem3A_290, %lt3A_293 : i32
        %lt3A_295 = arith.constant 0 : i32
        %lt3A_296 = arith.cmpi slt, %select_n3A_289, %lt3A_295 : i32
        %ne3A_297 = arith.xori %lt3A_294, %lt3A_296 : i1
        %and3A_298 = arith.andi %ne3A_297, %ne3A_292 : i1
        %add3A_299 = arith.addi %rem3A_290, %select_n3A_289 : i32
        %select_n3A_300 = arith.select %and3A_298, %add3A_299, %rem3A_290 : i32
        %dma_start3A_301 = arith.constant 0 : i32
        %dma_start3A_302 = arith.constant 0 : i32
        %dma_start3A_303 = tpu.memref_slice %arg5[%select_n3A_300, %dma_start3A_302] : memref<3x128xi32, #tpu.memory_space<vmem>> -> memref<1x128xi32, #tpu.memory_space<vmem>>
        %dma_start3A_304 = tpu.memref_squeeze %dma_start3A_303 : memref<1x128xi32, #tpu.memory_space<vmem>> -> memref<128xi32, #tpu.memory_space<vmem>>
        %dma_start3A_305 = arith.constant 0 : i32
        %dma_start3A_306 = tpu.memref_slice %arg3[%add3A, %dma_start3A_301, %add3A_284, %dma_start3A_305] : memref<32x2x80x128xi32, #tpu.memory_space<hbm>> -> memref<1x1x1x128xi32, #tpu.memory_space<hbm>>
        %dma_start3A_307 = tpu.memref_squeeze %dma_start3A_306 : memref<1x1x1x128xi32, #tpu.memory_space<hbm>> -> memref<128xi32, #tpu.memory_space<hbm>>
        %dma_start3A_308 = arith.constant 0 : i32
        %dma_start3A_309 = tpu.memref_slice %arg5[%select_n3A_300, %dma_start3A_308] : memref<3x128xi32, #tpu.memory_space<vmem>> -> memref<1x128xi32, #tpu.memory_space<vmem>>
        %dma_start3A_310 = tpu.memref_squeeze %dma_start3A_309 : memref<1x128xi32, #tpu.memory_space<vmem>> -> memref<128xi32, #tpu.memory_space<vmem>>
        %dma_start3A_311 = arith.constant 0 : i32
        %dma_start3A_312 = tpu.memref_slice %arg3[%add3A, %dma_start3A_301, %add3A_284, %dma_start3A_311] : memref<32x2x80x128xi32, #tpu.memory_space<hbm>> -> memref<1x1x1x128xi32, #tpu.memory_space<hbm>>
        %dma_start3A_313 = tpu.memref_squeeze %dma_start3A_312 : memref<1x1x1x128xi32, #tpu.memory_space<hbm>> -> memref<128xi32, #tpu.memory_space<hbm>>
        tpu.enqueue_dma source(%dma_start3A_313 : memref<128xi32, #tpu.memory_space<hbm>>) target(%dma_start3A_310 : memref<128xi32, #tpu.memory_space<vmem>>) target_semaphore(%arg9 : memref<!tpu.dma_semaphore, #tpu.memory_space<semaphore_mem>>)
        %jit3A_314 = arith.constant 4 : i32
        %eq3A_315 = arith.constant 0 : i32
        %eq3A_316 = arith.cmpi eq, %jit3A_314, %eq3A_315 : i32
        %jit3A_317 = arith.constant 1 : i32
        %select_n3A_318 = arith.select %eq3A_316, %jit3A_317, %jit3A_314 : i32
        %rem3A_319 = arith.remsi %add3A_284, %select_n3A_318 : i32
        %ne3A_320 = arith.constant 0 : i32
        %ne3A_321 = arith.cmpi ne, %rem3A_319, %ne3A_320 : i32
        %lt3A_322 = arith.constant 0 : i32
        %lt3A_323 = arith.cmpi slt, %rem3A_319, %lt3A_322 : i32
        %lt3A_324 = arith.constant 0 : i32
        %lt3A_325 = arith.cmpi slt, %select_n3A_318, %lt3A_324 : i32
        %ne3A_326 = arith.xori %lt3A_323, %lt3A_325 : i1
        %and3A_327 = arith.andi %ne3A_326, %ne3A_321 : i1
        %add3A_328 = arith.addi %rem3A_319, %select_n3A_318 : i32
        %select_n3A_329 = arith.select %and3A_327, %add3A_328, %rem3A_319 : i32
        %dma_start3A_330 = arith.constant 1 : i32
        %dma_start3A_331 = arith.constant 0 : i32
        %dma_start3A_332 = tpu.memref_slice %arg6[%select_n3A_329, %dma_start3A_331] : memref<4x128xi32, #tpu.memory_space<vmem>> -> memref<1x128xi32, #tpu.memory_space<vmem>>
        %dma_start3A_333 = tpu.memref_squeeze %dma_start3A_332 : memref<1x128xi32, #tpu.memory_space<vmem>> -> memref<128xi32, #tpu.memory_space<vmem>>
        %dma_start3A_334 = arith.constant 0 : i32
        %dma_start3A_335 = tpu.memref_slice %arg3[%add3A, %dma_start3A_330, %add3A_284, %dma_start3A_334] : memref<32x2x80x128xi32, #tpu.memory_space<hbm>> -> memref<1x1x1x128xi32, #tpu.memory_space<hbm>>
        %dma_start3A_336 = tpu.memref_squeeze %dma_start3A_335 : memref<1x1x1x128xi32, #tpu.memory_space<hbm>> -> memref<128xi32, #tpu.memory_space<hbm>>
        %dma_start3A_337 = arith.constant 0 : i32
        %dma_start3A_338 = tpu.memref_slice %arg6[%select_n3A_329, %dma_start3A_337] : memref<4x128xi32, #tpu.memory_space<vmem>> -> memref<1x128xi32, #tpu.memory_space<vmem>>
        %dma_start3A_339 = tpu.memref_squeeze %dma_start3A_338 : memref<1x128xi32, #tpu.memory_space<vmem>> -> memref<128xi32, #tpu.memory_space<vmem>>
        %dma_start3A_340 = arith.constant 0 : i32
        %dma_start3A_341 = tpu.memref_slice %arg3[%add3A, %dma_start3A_330, %add3A_284, %dma_start3A_340] : memref<32x2x80x128xi32, #tpu.memory_space<hbm>> -> memref<1x1x1x128xi32, #tpu.memory_space<hbm>>
        %dma_start3A_342 = tpu.memref_squeeze %dma_start3A_341 : memref<1x1x1x128xi32, #tpu.memory_space<hbm>> -> memref<128xi32, #tpu.memory_space<hbm>>
        tpu.enqueue_dma source(%dma_start3A_342 : memref<128xi32, #tpu.memory_space<hbm>>) target(%dma_start3A_339 : memref<128xi32, #tpu.memory_space<vmem>>) target_semaphore(%arg9 : memref<!tpu.dma_semaphore, #tpu.memory_space<semaphore_mem>>)
      } else {
      }
    }
    %scan3A_191 = arith.constant 80 : i32
    %dma_wait3A_192 = arith.constant 0 : i32
    %dma_wait3A_193 = arith.constant 0 : i32
    %dma_wait3A_194 = arith.constant 0 : i32
    %dma_wait3A_195 = tpu.memref_slice %arg7[%dma_wait3A_192, %dma_wait3A_193, %dma_wait3A_194] : memref<3x128x128xf32, #tpu.memory_space<vmem>> -> memref<1x128x128xf32, #tpu.memory_space<vmem>>
    %dma_wait3A_196 = tpu.memref_squeeze %dma_wait3A_195 : memref<1x128x128xf32, #tpu.memory_space<vmem>> -> memref<128x128xf32, #tpu.memory_space<vmem>>
    %dma_wait3A_197 = arith.constant 0 : i32
    %dma_wait3A_198 = arith.constant 0 : i32
    %dma_wait3A_199 = tpu.memref_slice %arg2[%dma_wait3A_197, %dma_wait3A_198] : memref<10112x128xf32, #tpu.memory_space<hbm>> -> memref<128x128xf32, #tpu.memory_space<hbm>>
    %dma_wait3A_200 = arith.constant 0 : i32
    %dma_wait3A_201 = arith.constant 0 : i32
    %dma_wait3A_202 = tpu.memref_slice %arg7[%dma_wait3A_192, %dma_wait3A_200, %dma_wait3A_201] : memref<3x128x128xf32, #tpu.memory_space<vmem>> -> memref<1x128x128xf32, #tpu.memory_space<vmem>>
    %dma_wait3A_203 = tpu.memref_squeeze %dma_wait3A_202 : memref<1x128x128xf32, #tpu.memory_space<vmem>> -> memref<128x128xf32, #tpu.memory_space<vmem>>
    %dma_wait3A_204 = arith.constant 0 : i32
    %dma_wait3A_205 = arith.constant 0 : i32
    %dma_wait3A_206 = tpu.memref_slice %arg2[%dma_wait3A_204, %dma_wait3A_205] : memref<10112x128xf32, #tpu.memory_space<hbm>> -> memref<128x128xf32, #tpu.memory_space<hbm>>
    tpu.wait_dma2 semaphore(%arg11 : memref<!tpu.dma_semaphore, #tpu.memory_space<semaphore_mem>>) src(%dma_wait3A_206 : memref<128x128xf32, #tpu.memory_space<hbm>>) dst(%dma_wait3A_203 : memref<128x128xf32, #tpu.memory_space<vmem>>)
    %barrier3A_207 = arith.constant 0 : index
    tpu.barrier barrier_id(%barrier3A_207)
    %mul3A_208 = arith.constant 632 : i32
    %mul3A_209 = arith.muli %arg1, %mul3A_208 : i32
    %mul3A_210 = arith.constant 632 : i32
    %mul3A_211 = arith.muli %arg1, %mul3A_210 : i32
    "tpu.region"() ({
      %run_scoped3A = tpu.sem_alloc : memref<!tpu.dma_semaphore, #tpu.memory_space<semaphore_mem>>
      %dma_start3A_212 = arith.constant 0 : i32
      %dma_start3A_213 = tpu.memref_slice %arg4[%arg0, %mul3A_211, %dma_start3A_212] : memref<2x10112x128xf32, #tpu.memory_space<hbm>> -> memref<1x632x128xf32, #tpu.memory_space<hbm>>
      %dma_start3A_214 = tpu.memref_squeeze %dma_start3A_213 : memref<1x632x128xf32, #tpu.memory_space<hbm>> -> memref<632x128xf32, #tpu.memory_space<hbm>>
      %dma_start3A_215 = arith.constant 0 : i32
      %dma_start3A_216 = tpu.memref_slice %arg8[%mul3A_209, %dma_start3A_215] : memref<10112x128xf32, #tpu.memory_space<vmem_shared>> -> memref<632x128xf32, #tpu.memory_space<vmem_shared>>
      tpu.enqueue_dma source(%dma_start3A_216 : memref<632x128xf32, #tpu.memory_space<vmem_shared>>) target(%dma_start3A_214 : memref<632x128xf32, #tpu.memory_space<hbm>>) target_semaphore(%run_scoped3A : memref<!tpu.dma_semaphore, #tpu.memory_space<semaphore_mem>>)
      %dma_wait3A_217 = arith.constant 0 : i32
      %dma_wait3A_218 = tpu.memref_slice %arg4[%arg0, %mul3A_211, %dma_wait3A_217] : memref<2x10112x128xf32, #tpu.memory_space<hbm>> -> memref<1x632x128xf32, #tpu.memory_space<hbm>>
      %dma_wait3A_219 = tpu.memref_squeeze %dma_wait3A_218 : memref<1x632x128xf32, #tpu.memory_space<hbm>> -> memref<632x128xf32, #tpu.memory_space<hbm>>
      %dma_wait3A_220 = arith.constant 0 : i32
      %dma_wait3A_221 = tpu.memref_slice %arg8[%mul3A_209, %dma_wait3A_220] : memref<10112x128xf32, #tpu.memory_space<vmem_shared>> -> memref<632x128xf32, #tpu.memory_space<vmem_shared>>
      tpu.wait_dma2 semaphore(%run_scoped3A : memref<!tpu.dma_semaphore, #tpu.memory_space<semaphore_mem>>) src(%dma_wait3A_221 : memref<632x128xf32, #tpu.memory_space<vmem_shared>>) dst(%dma_wait3A_219 : memref<632x128xf32, #tpu.memory_space<hbm>>)
      tpu.yield
    }) : () -> ()
    return
  }
}

#map = affine_map<(d0, d1) -> (0, 0)>
#map1 = affine_map<(d0, d1) -> (0, 0, 0, 0)>
#map2 = affine_map<(d0, d1) -> (0, 0, 0)>
module attributes {stable_mosaic.version = 14 : i64} {
  func.func @_scat_body(%arg0: i32, %arg1: i32, %arg2: memref<10112x128xf32, #tpu.memory_space<hbm>>, %arg3: memref<32x2x80x128xi32, #tpu.memory_space<hbm>>, %arg4: memref<2x10112x128xf32, #tpu.memory_space<hbm>>, %arg5: memref<3x128xi32, #tpu.memory_space<vmem>>, %arg6: memref<4x128xi32, #tpu.memory_space<vmem>>, %arg7: memref<3x128x128xf32, #tpu.memory_space<vmem>>, %arg8: memref<10112x128xf32, #tpu.memory_space<vmem_shared>>, %arg9: memref<!tpu.dma_semaphore, #tpu.memory_space<semaphore_mem>>, %arg10: memref<!tpu.dma_semaphore, #tpu.memory_space<semaphore_mem>>, %arg11: memref<!tpu.dma_semaphore, #tpu.memory_space<semaphore_mem>>) attributes {dimension_semantics = [#tpu.dimension_semantics<core_parallel>, #tpu.dimension_semantics<subcore_parallel>], iteration_bounds = array<i64: 2, 16>, scalar_prefetch = 0 : i64, scratch_operands = 7 : i64, tpu.core_type = #tpu.core_type<sc_vector_subcore>, window_params = [{transform_indices = #map}, {transform_indices = #map1}, {transform_indices = #map2}]} {
    %mul3A = arith.constant 2 : i32
    %mul3A_0 = arith.muli %arg1, %mul3A : i32
    %add3A = arith.addi %mul3A_0, %arg0 : i32
    %scan3A = arith.constant 0 : i32
    %scan3A_1 = arith.constant 0 : i32
    %scan3A_2 = arith.constant 128 : i32
    %scan3A_3 = arith.addi %scan3A_1, %scan3A_2 : i32
    %scan3A_4 = arith.constant 1 : i32
    scf.for %scan3A_212 = %scan3A_1 to %scan3A_3 step %scan3A_4  : i32 {
      %broadcast_in_dim3A = arith.constant 0.000000e+00 : f32
      %broadcast_in_dim3A_213 = vector.broadcast %broadcast_in_dim3A : f32 to vector<16xf32>
      %swap3A = arith.constant 0 : i32
      %swap3A_214 = arith.index_cast %swap3A : i32 to index
      %swap3A_215 = arith.index_cast %scan3A_212 : i32 to index
      %swap3A_216 = arith.constant 0 : index
      %swap3A_217 = tpu.vector_load %arg7[%swap3A_214, %swap3A_215, %swap3A_216] {strides = array<i32>} : memref<3x128x128xf32, #tpu.memory_space<vmem>>, vector<1x1x16xf32>,
      %swap3A_218 = vector.shape_cast %swap3A_217 : vector<1x1x16xf32> to vector<16xf32>
      %swap3A_219 = vector.shape_cast %broadcast_in_dim3A_213 : vector<16xf32> to vector<1x1x16xf32>
      tpu.vector_store %arg7[%swap3A_214, %swap3A_215, %swap3A_216], %swap3A_219 {strides = array<i32>} : memref<3x128x128xf32, #tpu.memory_space<vmem>>, vector<1x1x16xf32>,
      %broadcast_in_dim3A_220 = arith.constant 0.000000e+00 : f32
      %broadcast_in_dim3A_221 = vector.broadcast %broadcast_in_dim3A_220 : f32 to vector<16xf32>
      %swap3A_222 = arith.constant 0 : i32
      %swap3A_223 = arith.index_cast %swap3A_222 : i32 to index
      %swap3A_224 = arith.index_cast %scan3A_212 : i32 to index
      %swap3A_225 = arith.constant 16 : index
      %swap3A_226 = tpu.vector_load %arg7[%swap3A_223, %swap3A_224, %swap3A_225] {strides = array<i32>} : memref<3x128x128xf32, #tpu.memory_space<vmem>>, vector<1x1x16xf32>,
      %swap3A_227 = vector.shape_cast %swap3A_226 : vector<1x1x16xf32> to vector<16xf32>
      %swap3A_228 = vector.shape_cast %broadcast_in_dim3A_221 : vector<16xf32> to vector<1x1x16xf32>
      tpu.vector_store %arg7[%swap3A_223, %swap3A_224, %swap3A_225], %swap3A_228 {strides = array<i32>} : memref<3x128x128xf32, #tpu.memory_space<vmem>>, vector<1x1x16xf32>,
      %broadcast_in_dim3A_229 = arith.constant 0.000000e+00 : f32
      %broadcast_in_dim3A_230 = vector.broadcast %broadcast_in_dim3A_229 : f32 to vector<16xf32>
      %swap3A_231 = arith.constant 0 : i32
      %swap3A_232 = arith.index_cast %swap3A_231 : i32 to index
      %swap3A_233 = arith.index_cast %scan3A_212 : i32 to index
      %swap3A_234 = arith.constant 32 : index
      %swap3A_235 = tpu.vector_load %arg7[%swap3A_232, %swap3A_233, %swap3A_234] {strides = array<i32>} : memref<3x128x128xf32, #tpu.memory_space<vmem>>, vector<1x1x16xf32>,
      %swap3A_236 = vector.shape_cast %swap3A_235 : vector<1x1x16xf32> to vector<16xf32>
      %swap3A_237 = vector.shape_cast %broadcast_in_dim3A_230 : vector<16xf32> to vector<1x1x16xf32>
      tpu.vector_store %arg7[%swap3A_232, %swap3A_233, %swap3A_234], %swap3A_237 {strides = array<i32>} : memref<3x128x128xf32, #tpu.memory_space<vmem>>, vector<1x1x16xf32>,
      %broadcast_in_dim3A_238 = arith.constant 0.000000e+00 : f32
      %broadcast_in_dim3A_239 = vector.broadcast %broadcast_in_dim3A_238 : f32 to vector<16xf32>
      %swap3A_240 = arith.constant 0 : i32
      %swap3A_241 = arith.index_cast %swap3A_240 : i32 to index
      %swap3A_242 = arith.index_cast %scan3A_212 : i32 to index
      %swap3A_243 = arith.constant 48 : index
      %swap3A_244 = tpu.vector_load %arg7[%swap3A_241, %swap3A_242, %swap3A_243] {strides = array<i32>} : memref<3x128x128xf32, #tpu.memory_space<vmem>>, vector<1x1x16xf32>,
      %swap3A_245 = vector.shape_cast %swap3A_244 : vector<1x1x16xf32> to vector<16xf32>
      %swap3A_246 = vector.shape_cast %broadcast_in_dim3A_239 : vector<16xf32> to vector<1x1x16xf32>
      tpu.vector_store %arg7[%swap3A_241, %swap3A_242, %swap3A_243], %swap3A_246 {strides = array<i32>} : memref<3x128x128xf32, #tpu.memory_space<vmem>>, vector<1x1x16xf32>,
      %broadcast_in_dim3A_247 = arith.constant 0.000000e+00 : f32
      %broadcast_in_dim3A_248 = vector.broadcast %broadcast_in_dim3A_247 : f32 to vector<16xf32>
      %swap3A_249 = arith.constant 0 : i32
      %swap3A_250 = arith.index_cast %swap3A_249 : i32 to index
      %swap3A_251 = arith.index_cast %scan3A_212 : i32 to index
      %swap3A_252 = arith.constant 64 : index
      %swap3A_253 = tpu.vector_load %arg7[%swap3A_250, %swap3A_251, %swap3A_252] {strides = array<i32>} : memref<3x128x128xf32, #tpu.memory_space<vmem>>, vector<1x1x16xf32>,
      %swap3A_254 = vector.shape_cast %swap3A_253 : vector<1x1x16xf32> to vector<16xf32>
      %swap3A_255 = vector.shape_cast %broadcast_in_dim3A_248 : vector<16xf32> to vector<1x1x16xf32>
      tpu.vector_store %arg7[%swap3A_250, %swap3A_251, %swap3A_252], %swap3A_255 {strides = array<i32>} : memref<3x128x128xf32, #tpu.memory_space<vmem>>, vector<1x1x16xf32>,
      %broadcast_in_dim3A_256 = arith.constant 0.000000e+00 : f32
      %broadcast_in_dim3A_257 = vector.broadcast %broadcast_in_dim3A_256 : f32 to vector<16xf32>
      %swap3A_258 = arith.constant 0 : i32
      %swap3A_259 = arith.index_cast %swap3A_258 : i32 to index
      %swap3A_260 = arith.index_cast %scan3A_212 : i32 to index
      %swap3A_261 = arith.constant 80 : index
      %swap3A_262 = tpu.vector_load %arg7[%swap3A_259, %swap3A_260, %swap3A_261] {strides = array<i32>} : memref<3x128x128xf32, #tpu.memory_space<vmem>>, vector<1x1x16xf32>,
      %swap3A_263 = vector.shape_cast %swap3A_262 : vector<1x1x16xf32> to vector<16xf32>
      %swap3A_264 = vector.shape_cast %broadcast_in_dim3A_257 : vector<16xf32> to vector<1x1x16xf32>
      tpu.vector_store %arg7[%swap3A_259, %swap3A_260, %swap3A_261], %swap3A_264 {strides = array<i32>} : memref<3x128x128xf32, #tpu.memory_space<vmem>>, vector<1x1x16xf32>,
      %broadcast_in_dim3A_265 = arith.constant 0.000000e+00 : f32
      %broadcast_in_dim3A_266 = vector.broadcast %broadcast_in_dim3A_265 : f32 to vector<16xf32>
      %swap3A_267 = arith.constant 0 : i32
      %swap3A_268 = arith.index_cast %swap3A_267 : i32 to index
      %swap3A_269 = arith.index_cast %scan3A_212 : i32 to index
      %swap3A_270 = arith.constant 96 : index
      %swap3A_271 = tpu.vector_load %arg7[%swap3A_268, %swap3A_269, %swap3A_270] {strides = array<i32>} : memref<3x128x128xf32, #tpu.memory_space<vmem>>, vector<1x1x16xf32>,
      %swap3A_272 = vector.shape_cast %swap3A_271 : vector<1x1x16xf32> to vector<16xf32>
      %swap3A_273 = vector.shape_cast %broadcast_in_dim3A_266 : vector<16xf32> to vector<1x1x16xf32>
      tpu.vector_store %arg7[%swap3A_268, %swap3A_269, %swap3A_270], %swap3A_273 {strides = array<i32>} : memref<3x128x128xf32, #tpu.memory_space<vmem>>, vector<1x1x16xf32>,
      %broadcast_in_dim3A_274 = arith.constant 0.000000e+00 : f32
      %broadcast_in_dim3A_275 = vector.broadcast %broadcast_in_dim3A_274 : f32 to vector<16xf32>
      %swap3A_276 = arith.constant 0 : i32
      %swap3A_277 = arith.index_cast %swap3A_276 : i32 to index
      %swap3A_278 = arith.index_cast %scan3A_212 : i32 to index
      %swap3A_279 = arith.constant 112 : index
      %swap3A_280 = tpu.vector_load %arg7[%swap3A_277, %swap3A_278, %swap3A_279] {strides = array<i32>} : memref<3x128x128xf32, #tpu.memory_space<vmem>>, vector<1x1x16xf32>,
      %swap3A_281 = vector.shape_cast %swap3A_280 : vector<1x1x16xf32> to vector<16xf32>
      %swap3A_282 = vector.shape_cast %broadcast_in_dim3A_275 : vector<16xf32> to vector<1x1x16xf32>
      tpu.vector_store %arg7[%swap3A_277, %swap3A_278, %swap3A_279], %swap3A_282 {strides = array<i32>} : memref<3x128x128xf32, #tpu.memory_space<vmem>>, vector<1x1x16xf32>,
    }
    %scan3A_5 = arith.constant 128 : i32
    %mul3A_6 = arith.constant 632 : i32
    %mul3A_7 = arith.muli %arg1, %mul3A_6 : i32
    %eq3A = arith.constant 0 : i32
    %eq3A_8 = arith.cmpi eq, %arg0, %eq3A : i32
    %convert_element_type3A = arith.extui %eq3A_8 : i1 to i32
    %cond3A = arith.constant 0 : i32
    %cond3A_9 = arith.cmpi ne, %convert_element_type3A, %cond3A : i32
    scf.if %cond3A_9 {
      "tpu.region"() ({
        %run_scoped3A_222 = tpu.sem_alloc : memref<!tpu.dma_semaphore, #tpu.memory_space<semaphore_mem>>
        %dma_start3A_223 = arith.constant 0 : i32
        %dma_start3A_224 = tpu.memref_slice %arg8[%mul3A_7, %dma_start3A_223] : memref<10112x128xf32, #tpu.memory_space<vmem_shared>> -> memref<320x128xf32, #tpu.memory_space<vmem_shared>>
        %dma_start3A_225 = arith.constant 0 : i32
        %dma_start3A_226 = tpu.memref_slice %arg2[%mul3A_7, %dma_start3A_225] : memref<10112x128xf32, #tpu.memory_space<hbm>> -> memref<320x128xf32, #tpu.memory_space<hbm>>
        tpu.enqueue_dma source(%dma_start3A_226 : memref<320x128xf32, #tpu.memory_space<hbm>>) target(%dma_start3A_224 : memref<320x128xf32, #tpu.memory_space<vmem_shared>>) target_semaphore(%run_scoped3A_222 : memref<!tpu.dma_semaphore, #tpu.memory_space<semaphore_mem>>)
        %dma_wait3A_227 = arith.constant 0 : i32
        %dma_wait3A_228 = tpu.memref_slice %arg8[%mul3A_7, %dma_wait3A_227] : memref<10112x128xf32, #tpu.memory_space<vmem_shared>> -> memref<320x128xf32, #tpu.memory_space<vmem_shared>>
        %dma_wait3A_229 = arith.constant 0 : i32
        %dma_wait3A_230 = tpu.memref_slice %arg2[%mul3A_7, %dma_wait3A_229] : memref<10112x128xf32, #tpu.memory_space<hbm>> -> memref<320x128xf32, #tpu.memory_space<hbm>>
        tpu.wait_dma2 semaphore(%run_scoped3A_222 : memref<!tpu.dma_semaphore, #tpu.memory_space<semaphore_mem>>) src(%dma_wait3A_230 : memref<320x128xf32, #tpu.memory_space<hbm>>) dst(%dma_wait3A_228 : memref<320x128xf32, #tpu.memory_space<vmem_shared>>)
        tpu.yield
      }) : () -> ()
      %add3A_212 = arith.constant 320 : i32
      %add3A_213 = arith.addi %mul3A_7, %add3A_212 : i32
      %add3A_214 = arith.constant 0 : i32
      %add3A_215 = arith.addi %add3A_213, %add3A_214 : i32
      %run_scoped3A = arith.constant 0 : i32
      "tpu.region"() ({
        %run_scoped3A_222 = tpu.sem_alloc : memref<!tpu.dma_semaphore, #tpu.memory_space<semaphore_mem>>
        %dma_start3A_223 = arith.constant 0 : i32
        %dma_start3A_224 = arith.constant 0 : i32
        %dma_start3A_225 = tpu.memref_slice %arg7[%run_scoped3A, %dma_start3A_223, %dma_start3A_224] : memref<3x128x128xf32, #tpu.memory_space<vmem>> -> memref<1x128x128xf32, #tpu.memory_space<vmem>>
        %dma_start3A_226 = tpu.memref_squeeze %dma_start3A_225 : memref<1x128x128xf32, #tpu.memory_space<vmem>> -> memref<128x128xf32, #tpu.memory_space<vmem>>
        %dma_start3A_227 = arith.constant 0 : i32
        %dma_start3A_228 = tpu.memref_slice %arg8[%add3A_215, %dma_start3A_227] : memref<10112x128xf32, #tpu.memory_space<vmem_shared>> -> memref<128x128xf32, #tpu.memory_space<vmem_shared>>
        %dma_start3A_229 = arith.constant 0 : i32
        %dma_start3A_230 = tpu.memref_slice %arg8[%add3A_215, %dma_start3A_229] : memref<10112x128xf32, #tpu.memory_space<vmem_shared>> -> memref<128x128xf32, #tpu.memory_space<vmem_shared>>
        %dma_start3A_231 = arith.constant 0 : i32
        %dma_start3A_232 = arith.constant 0 : i32
        %dma_start3A_233 = tpu.memref_slice %arg7[%run_scoped3A, %dma_start3A_231, %dma_start3A_232] : memref<3x128x128xf32, #tpu.memory_space<vmem>> -> memref<1x128x128xf32, #tpu.memory_space<vmem>>
        %dma_start3A_234 = tpu.memref_squeeze %dma_start3A_233 : memref<1x128x128xf32, #tpu.memory_space<vmem>> -> memref<128x128xf32, #tpu.memory_space<vmem>>
        tpu.enqueue_dma source(%dma_start3A_234 : memref<128x128xf32, #tpu.memory_space<vmem>>) target(%dma_start3A_230 : memref<128x128xf32, #tpu.memory_space<vmem_shared>>) target_semaphore(%run_scoped3A_222 : memref<!tpu.dma_semaphore, #tpu.memory_space<semaphore_mem>>)
        %dma_wait3A_235 = arith.constant 0 : i32
        %dma_wait3A_236 = arith.constant 0 : i32
        %dma_wait3A_237 = tpu.memref_slice %arg7[%run_scoped3A, %dma_wait3A_235, %dma_wait3A_236] : memref<3x128x128xf32, #tpu.memory_space<vmem>> -> memref<1x128x128xf32, #tpu.memory_space<vmem>>
        %dma_wait3A_238 = tpu.memref_squeeze %dma_wait3A_237 : memref<1x128x128xf32, #tpu.memory_space<vmem>> -> memref<128x128xf32, #tpu.memory_space<vmem>>
        %dma_wait3A_239 = arith.constant 0 : i32
        %dma_wait3A_240 = tpu.memref_slice %arg8[%add3A_215, %dma_wait3A_239] : memref<10112x128xf32, #tpu.memory_space<vmem_shared>> -> memref<128x128xf32, #tpu.memory_space<vmem_shared>>
        %dma_wait3A_241 = arith.constant 0 : i32
        %dma_wait3A_242 = tpu.memref_slice %arg8[%add3A_215, %dma_wait3A_241] : memref<10112x128xf32, #tpu.memory_space<vmem_shared>> -> memref<128x128xf32, #tpu.memory_space<vmem_shared>>
        %dma_wait3A_243 = arith.constant 0 : i32
        %dma_wait3A_244 = arith.constant 0 : i32
        %dma_wait3A_245 = tpu.memref_slice %arg7[%run_scoped3A, %dma_wait3A_243, %dma_wait3A_244] : memref<3x128x128xf32, #tpu.memory_space<vmem>> -> memref<1x128x128xf32, #tpu.memory_space<vmem>>
        %dma_wait3A_246 = tpu.memref_squeeze %dma_wait3A_245 : memref<1x128x128xf32, #tpu.memory_space<vmem>> -> memref<128x128xf32, #tpu.memory_space<vmem>>
        tpu.wait_dma2 semaphore(%run_scoped3A_222 : memref<!tpu.dma_semaphore, #tpu.memory_space<semaphore_mem>>) src(%dma_wait3A_246 : memref<128x128xf32, #tpu.memory_space<vmem>>) dst(%dma_wait3A_242 : memref<128x128xf32, #tpu.memory_space<vmem_shared>>)
        tpu.yield
      }) : () -> ()
      %add3A_216 = arith.constant 128 : i32
      %add3A_217 = arith.addi %add3A_213, %add3A_216 : i32
      %run_scoped3A_218 = arith.constant 0 : i32
      "tpu.region"() ({
        %run_scoped3A_222 = tpu.sem_alloc : memref<!tpu.dma_semaphore, #tpu.memory_space<semaphore_mem>>
        %dma_start3A_223 = arith.constant 0 : i32
        %dma_start3A_224 = arith.constant 0 : i32
        %dma_start3A_225 = tpu.memref_slice %arg7[%run_scoped3A_218, %dma_start3A_223, %dma_start3A_224] : memref<3x128x128xf32, #tpu.memory_space<vmem>> -> memref<1x128x128xf32, #tpu.memory_space<vmem>>
        %dma_start3A_226 = tpu.memref_squeeze %dma_start3A_225 : memref<1x128x128xf32, #tpu.memory_space<vmem>> -> memref<128x128xf32, #tpu.memory_space<vmem>>
        %dma_start3A_227 = arith.constant 0 : i32
        %dma_start3A_228 = tpu.memref_slice %arg8[%add3A_217, %dma_start3A_227] : memref<10112x128xf32, #tpu.memory_space<vmem_shared>> -> memref<128x128xf32, #tpu.memory_space<vmem_shared>>
        %dma_start3A_229 = arith.constant 0 : i32
        %dma_start3A_230 = tpu.memref_slice %arg8[%add3A_217, %dma_start3A_229] : memref<10112x128xf32, #tpu.memory_space<vmem_shared>> -> memref<128x128xf32, #tpu.memory_space<vmem_shared>>
        %dma_start3A_231 = arith.constant 0 : i32
        %dma_start3A_232 = arith.constant 0 : i32
        %dma_start3A_233 = tpu.memref_slice %arg7[%run_scoped3A_218, %dma_start3A_231, %dma_start3A_232] : memref<3x128x128xf32, #tpu.memory_space<vmem>> -> memref<1x128x128xf32, #tpu.memory_space<vmem>>
        %dma_start3A_234 = tpu.memref_squeeze %dma_start3A_233 : memref<1x128x128xf32, #tpu.memory_space<vmem>> -> memref<128x128xf32, #tpu.memory_space<vmem>>
        tpu.enqueue_dma source(%dma_start3A_234 : memref<128x128xf32, #tpu.memory_space<vmem>>) target(%dma_start3A_230 : memref<128x128xf32, #tpu.memory_space<vmem_shared>>) target_semaphore(%run_scoped3A_222 : memref<!tpu.dma_semaphore, #tpu.memory_space<semaphore_mem>>)
        %dma_wait3A_235 = arith.constant 0 : i32
        %dma_wait3A_236 = arith.constant 0 : i32
        %dma_wait3A_237 = tpu.memref_slice %arg7[%run_scoped3A_218, %dma_wait3A_235, %dma_wait3A_236] : memref<3x128x128xf32, #tpu.memory_space<vmem>> -> memref<1x128x128xf32, #tpu.memory_space<vmem>>
        %dma_wait3A_238 = tpu.memref_squeeze %dma_wait3A_237 : memref<1x128x128xf32, #tpu.memory_space<vmem>> -> memref<128x128xf32, #tpu.memory_space<vmem>>
        %dma_wait3A_239 = arith.constant 0 : i32
        %dma_wait3A_240 = tpu.memref_slice %arg8[%add3A_217, %dma_wait3A_239] : memref<10112x128xf32, #tpu.memory_space<vmem_shared>> -> memref<128x128xf32, #tpu.memory_space<vmem_shared>>
        %dma_wait3A_241 = arith.constant 0 : i32
        %dma_wait3A_242 = tpu.memref_slice %arg8[%add3A_217, %dma_wait3A_241] : memref<10112x128xf32, #tpu.memory_space<vmem_shared>> -> memref<128x128xf32, #tpu.memory_space<vmem_shared>>
        %dma_wait3A_243 = arith.constant 0 : i32
        %dma_wait3A_244 = arith.constant 0 : i32
        %dma_wait3A_245 = tpu.memref_slice %arg7[%run_scoped3A_218, %dma_wait3A_243, %dma_wait3A_244] : memref<3x128x128xf32, #tpu.memory_space<vmem>> -> memref<1x128x128xf32, #tpu.memory_space<vmem>>
        %dma_wait3A_246 = tpu.memref_squeeze %dma_wait3A_245 : memref<1x128x128xf32, #tpu.memory_space<vmem>> -> memref<128x128xf32, #tpu.memory_space<vmem>>
        tpu.wait_dma2 semaphore(%run_scoped3A_222 : memref<!tpu.dma_semaphore, #tpu.memory_space<semaphore_mem>>) src(%dma_wait3A_246 : memref<128x128xf32, #tpu.memory_space<vmem>>) dst(%dma_wait3A_242 : memref<128x128xf32, #tpu.memory_space<vmem_shared>>)
        tpu.yield
      }) : () -> ()
      %add3A_219 = arith.constant 256 : i32
      %add3A_220 = arith.addi %add3A_213, %add3A_219 : i32
      %run_scoped3A_221 = arith.constant 0 : i32
      "tpu.region"() ({
        %run_scoped3A_222 = tpu.sem_alloc : memref<!tpu.dma_semaphore, #tpu.memory_space<semaphore_mem>>
        %dma_start3A_223 = arith.constant 0 : i32
        %dma_start3A_224 = arith.constant 0 : i32
        %dma_start3A_225 = tpu.memref_slice %arg7[%run_scoped3A_221, %dma_start3A_223, %dma_start3A_224] : memref<3x128x128xf32, #tpu.memory_space<vmem>> -> memref<1x56x128xf32, #tpu.memory_space<vmem>>
        %dma_start3A_226 = tpu.memref_squeeze %dma_start3A_225 : memref<1x56x128xf32, #tpu.memory_space<vmem>> -> memref<56x128xf32, #tpu.memory_space<vmem>>
        %dma_start3A_227 = arith.constant 0 : i32
        %dma_start3A_228 = tpu.memref_slice %arg8[%add3A_220, %dma_start3A_227] : memref<10112x128xf32, #tpu.memory_space<vmem_shared>> -> memref<56x128xf32, #tpu.memory_space<vmem_shared>>
        %dma_start3A_229 = arith.constant 0 : i32
        %dma_start3A_230 = tpu.memref_slice %arg8[%add3A_220, %dma_start3A_229] : memref<10112x128xf32, #tpu.memory_space<vmem_shared>> -> memref<56x128xf32, #tpu.memory_space<vmem_shared>>
        %dma_start3A_231 = arith.constant 0 : i32
        %dma_start3A_232 = arith.constant 0 : i32
        %dma_start3A_233 = tpu.memref_slice %arg7[%run_scoped3A_221, %dma_start3A_231, %dma_start3A_232] : memref<3x128x128xf32, #tpu.memory_space<vmem>> -> memref<1x56x128xf32, #tpu.memory_space<vmem>>
        %dma_start3A_234 = tpu.memref_squeeze %dma_start3A_233 : memref<1x56x128xf32, #tpu.memory_space<vmem>> -> memref<56x128xf32, #tpu.memory_space<vmem>>
        tpu.enqueue_dma source(%dma_start3A_234 : memref<56x128xf32, #tpu.memory_space<vmem>>) target(%dma_start3A_230 : memref<56x128xf32, #tpu.memory_space<vmem_shared>>) target_semaphore(%run_scoped3A_222 : memref<!tpu.dma_semaphore, #tpu.memory_space<semaphore_mem>>)
        %dma_wait3A_235 = arith.constant 0 : i32
        %dma_wait3A_236 = arith.constant 0 : i32
        %dma_wait3A_237 = tpu.memref_slice %arg7[%run_scoped3A_221, %dma_wait3A_235, %dma_wait3A_236] : memref<3x128x128xf32, #tpu.memory_space<vmem>> -> memref<1x56x128xf32, #tpu.memory_space<vmem>>
        %dma_wait3A_238 = tpu.memref_squeeze %dma_wait3A_237 : memref<1x56x128xf32, #tpu.memory_space<vmem>> -> memref<56x128xf32, #tpu.memory_space<vmem>>
        %dma_wait3A_239 = arith.constant 0 : i32
        %dma_wait3A_240 = tpu.memref_slice %arg8[%add3A_220, %dma_wait3A_239] : memref<10112x128xf32, #tpu.memory_space<vmem_shared>> -> memref<56x128xf32, #tpu.memory_space<vmem_shared>>
        %dma_wait3A_241 = arith.constant 0 : i32
        %dma_wait3A_242 = tpu.memref_slice %arg8[%add3A_220, %dma_wait3A_241] : memref<10112x128xf32, #tpu.memory_space<vmem_shared>> -> memref<56x128xf32, #tpu.memory_space<vmem_shared>>
        %dma_wait3A_243 = arith.constant 0 : i32
        %dma_wait3A_244 = arith.constant 0 : i32
        %dma_wait3A_245 = tpu.memref_slice %arg7[%run_scoped3A_221, %dma_wait3A_243, %dma_wait3A_244] : memref<3x128x128xf32, #tpu.memory_space<vmem>> -> memref<1x56x128xf32, #tpu.memory_space<vmem>>
        %dma_wait3A_246 = tpu.memref_squeeze %dma_wait3A_245 : memref<1x56x128xf32, #tpu.memory_space<vmem>> -> memref<56x128xf32, #tpu.memory_space<vmem>>
        tpu.wait_dma2 semaphore(%run_scoped3A_222 : memref<!tpu.dma_semaphore, #tpu.memory_space<semaphore_mem>>) src(%dma_wait3A_246 : memref<56x128xf32, #tpu.memory_space<vmem>>) dst(%dma_wait3A_242 : memref<56x128xf32, #tpu.memory_space<vmem_shared>>)
        tpu.yield
      }) : () -> ()
    } else {
    }
    %ne3A = arith.constant 0 : i32
    %ne3A_10 = arith.cmpi ne, %arg0, %ne3A : i32
    %convert_element_type3A_11 = arith.extui %ne3A_10 : i1 to i32
    %cond3A_12 = arith.constant 0 : i32
    %cond3A_13 = arith.cmpi ne, %convert_element_type3A_11, %cond3A_12 : i32
    scf.if %cond3A_13 {
      %add3A_212 = arith.constant 320 : i32
      %add3A_213 = arith.addi %mul3A_7, %add3A_212 : i32
      %add3A_214 = arith.constant 320 : i32
      %add3A_215 = arith.addi %mul3A_7, %add3A_214 : i32
      "tpu.region"() ({
        %run_scoped3A_224 = tpu.sem_alloc : memref<!tpu.dma_semaphore, #tpu.memory_space<semaphore_mem>>
        %dma_start3A_225 = arith.constant 0 : i32
        %dma_start3A_226 = tpu.memref_slice %arg8[%add3A_215, %dma_start3A_225] : memref<10112x128xf32, #tpu.memory_space<vmem_shared>> -> memref<312x128xf32, #tpu.memory_space<vmem_shared>>
        %dma_start3A_227 = arith.constant 0 : i32
        %dma_start3A_228 = tpu.memref_slice %arg2[%add3A_213, %dma_start3A_227] : memref<10112x128xf32, #tpu.memory_space<hbm>> -> memref<312x128xf32, #tpu.memory_space<hbm>>
        tpu.enqueue_dma source(%dma_start3A_228 : memref<312x128xf32, #tpu.memory_space<hbm>>) target(%dma_start3A_226 : memref<312x128xf32, #tpu.memory_space<vmem_shared>>) target_semaphore(%run_scoped3A_224 : memref<!tpu.dma_semaphore, #tpu.memory_space<semaphore_mem>>)
        %dma_wait3A_229 = arith.constant 0 : i32
        %dma_wait3A_230 = tpu.memref_slice %arg8[%add3A_215, %dma_wait3A_229] : memref<10112x128xf32, #tpu.memory_space<vmem_shared>> -> memref<312x128xf32, #tpu.memory_space<vmem_shared>>
        %dma_wait3A_231 = arith.constant 0 : i32
        %dma_wait3A_232 = tpu.memref_slice %arg2[%add3A_213, %dma_wait3A_231] : memref<10112x128xf32, #tpu.memory_space<hbm>> -> memref<312x128xf32, #tpu.memory_space<hbm>>
        tpu.wait_dma2 semaphore(%run_scoped3A_224 : memref<!tpu.dma_semaphore, #tpu.memory_space<semaphore_mem>>) src(%dma_wait3A_232 : memref<312x128xf32, #tpu.memory_space<hbm>>) dst(%dma_wait3A_230 : memref<312x128xf32, #tpu.memory_space<vmem_shared>>)
        tpu.yield
      }) : () -> ()
      %add3A_216 = arith.constant 0 : i32
      %add3A_217 = arith.addi %mul3A_7, %add3A_216 : i32
      %run_scoped3A = arith.constant 0 : i32
      "tpu.region"() ({
        %run_scoped3A_224 = tpu.sem_alloc : memref<!tpu.dma_semaphore, #tpu.memory_space<semaphore_mem>>
        %dma_start3A_225 = arith.constant 0 : i32
        %dma_start3A_226 = arith.constant 0 : i32
        %dma_start3A_227 = tpu.memref_slice %arg7[%run_scoped3A, %dma_start3A_225, %dma_start3A_226] : memref<3x128x128xf32, #tpu.memory_space<vmem>> -> memref<1x128x128xf32, #tpu.memory_space<vmem>>
        %dma_start3A_228 = tpu.memref_squeeze %dma_start3A_227 : memref<1x128x128xf32, #tpu.memory_space<vmem>> -> memref<128x128xf32, #tpu.memory_space<vmem>>
        %dma_start3A_229 = arith.constant 0 : i32
        %dma_start3A_230 = tpu.memref_slice %arg8[%add3A_217, %dma_start3A_229] : memref<10112x128xf32, #tpu.memory_space<vmem_shared>> -> memref<128x128xf32, #tpu.memory_space<vmem_shared>>
        %dma_start3A_231 = arith.constant 0 : i32
        %dma_start3A_232 = tpu.memref_slice %arg8[%add3A_217, %dma_start3A_231] : memref<10112x128xf32, #tpu.memory_space<vmem_shared>> -> memref<128x128xf32, #tpu.memory_space<vmem_shared>>
        %dma_start3A_233 = arith.constant 0 : i32
        %dma_start3A_234 = arith.constant 0 : i32
        %dma_start3A_235 = tpu.memref_slice %arg7[%run_scoped3A, %dma_start3A_233, %dma_start3A_234] : memref<3x128x128xf32, #tpu.memory_space<vmem>> -> memref<1x128x128xf32, #tpu.memory_space<vmem>>
        %dma_start3A_236 = tpu.memref_squeeze %dma_start3A_235 : memref<1x128x128xf32, #tpu.memory_space<vmem>> -> memref<128x128xf32, #tpu.memory_space<vmem>>
        tpu.enqueue_dma source(%dma_start3A_236 : memref<128x128xf32, #tpu.memory_space<vmem>>) target(%dma_start3A_232 : memref<128x128xf32, #tpu.memory_space<vmem_shared>>) target_semaphore(%run_scoped3A_224 : memref<!tpu.dma_semaphore, #tpu.memory_space<semaphore_mem>>)
        %dma_wait3A_237 = arith.constant 0 : i32
        %dma_wait3A_238 = arith.constant 0 : i32
        %dma_wait3A_239 = tpu.memref_slice %arg7[%run_scoped3A, %dma_wait3A_237, %dma_wait3A_238] : memref<3x128x128xf32, #tpu.memory_space<vmem>> -> memref<1x128x128xf32, #tpu.memory_space<vmem>>
        %dma_wait3A_240 = tpu.memref_squeeze %dma_wait3A_239 : memref<1x128x128xf32, #tpu.memory_space<vmem>> -> memref<128x128xf32, #tpu.memory_space<vmem>>
        %dma_wait3A_241 = arith.constant 0 : i32
        %dma_wait3A_242 = tpu.memref_slice %arg8[%add3A_217, %dma_wait3A_241] : memref<10112x128xf32, #tpu.memory_space<vmem_shared>> -> memref<128x128xf32, #tpu.memory_space<vmem_shared>>
        %dma_wait3A_243 = arith.constant 0 : i32
        %dma_wait3A_244 = tpu.memref_slice %arg8[%add3A_217, %dma_wait3A_243] : memref<10112x128xf32, #tpu.memory_space<vmem_shared>> -> memref<128x128xf32, #tpu.memory_space<vmem_shared>>
        %dma_wait3A_245 = arith.constant 0 : i32
        %dma_wait3A_246 = arith.constant 0 : i32
        %dma_wait3A_247 = tpu.memref_slice %arg7[%run_scoped3A, %dma_wait3A_245, %dma_wait3A_246] : memref<3x128x128xf32, #tpu.memory_space<vmem>> -> memref<1x128x128xf32, #tpu.memory_space<vmem>>
        %dma_wait3A_248 = tpu.memref_squeeze %dma_wait3A_247 : memref<1x128x128xf32, #tpu.memory_space<vmem>> -> memref<128x128xf32, #tpu.memory_space<vmem>>
        tpu.wait_dma2 semaphore(%run_scoped3A_224 : memref<!tpu.dma_semaphore, #tpu.memory_space<semaphore_mem>>) src(%dma_wait3A_248 : memref<128x128xf32, #tpu.memory_space<vmem>>) dst(%dma_wait3A_244 : memref<128x128xf32, #tpu.memory_space<vmem_shared>>)
        tpu.yield
      }) : () -> ()
      %add3A_218 = arith.constant 128 : i32
      %add3A_219 = arith.addi %mul3A_7, %add3A_218 : i32
      %run_scoped3A_220 = arith.constant 0 : i32
      "tpu.region"() ({
        %run_scoped3A_224 = tpu.sem_alloc : memref<!tpu.dma_semaphore, #tpu.memory_space<semaphore_mem>>
        %dma_start3A_225 = arith.constant 0 : i32
        %dma_start3A_226 = arith.constant 0 : i32
        %dma_start3A_227 = tpu.memref_slice %arg7[%run_scoped3A_220, %dma_start3A_225, %dma_start3A_226] : memref<3x128x128xf32, #tpu.memory_space<vmem>> -> memref<1x128x128xf32, #tpu.memory_space<vmem>>
        %dma_start3A_228 = tpu.memref_squeeze %dma_start3A_227 : memref<1x128x128xf32, #tpu.memory_space<vmem>> -> memref<128x128xf32, #tpu.memory_space<vmem>>
        %dma_start3A_229 = arith.constant 0 : i32
        %dma_start3A_230 = tpu.memref_slice %arg8[%add3A_219, %dma_start3A_229] : memref<10112x128xf32, #tpu.memory_space<vmem_shared>> -> memref<128x128xf32, #tpu.memory_space<vmem_shared>>
        %dma_start3A_231 = arith.constant 0 : i32
        %dma_start3A_232 = tpu.memref_slice %arg8[%add3A_219, %dma_start3A_231] : memref<10112x128xf32, #tpu.memory_space<vmem_shared>> -> memref<128x128xf32, #tpu.memory_space<vmem_shared>>
        %dma_start3A_233 = arith.constant 0 : i32
        %dma_start3A_234 = arith.constant 0 : i32
        %dma_start3A_235 = tpu.memref_slice %arg7[%run_scoped3A_220, %dma_start3A_233, %dma_start3A_234] : memref<3x128x128xf32, #tpu.memory_space<vmem>> -> memref<1x128x128xf32, #tpu.memory_space<vmem>>
        %dma_start3A_236 = tpu.memref_squeeze %dma_start3A_235 : memref<1x128x128xf32, #tpu.memory_space<vmem>> -> memref<128x128xf32, #tpu.memory_space<vmem>>
        tpu.enqueue_dma source(%dma_start3A_236 : memref<128x128xf32, #tpu.memory_space<vmem>>) target(%dma_start3A_232 : memref<128x128xf32, #tpu.memory_space<vmem_shared>>) target_semaphore(%run_scoped3A_224 : memref<!tpu.dma_semaphore, #tpu.memory_space<semaphore_mem>>)
        %dma_wait3A_237 = arith.constant 0 : i32
        %dma_wait3A_238 = arith.constant 0 : i32
        %dma_wait3A_239 = tpu.memref_slice %arg7[%run_scoped3A_220, %dma_wait3A_237, %dma_wait3A_238] : memref<3x128x128xf32, #tpu.memory_space<vmem>> -> memref<1x128x128xf32, #tpu.memory_space<vmem>>
        %dma_wait3A_240 = tpu.memref_squeeze %dma_wait3A_239 : memref<1x128x128xf32, #tpu.memory_space<vmem>> -> memref<128x128xf32, #tpu.memory_space<vmem>>
        %dma_wait3A_241 = arith.constant 0 : i32
        %dma_wait3A_242 = tpu.memref_slice %arg8[%add3A_219, %dma_wait3A_241] : memref<10112x128xf32, #tpu.memory_space<vmem_shared>> -> memref<128x128xf32, #tpu.memory_space<vmem_shared>>
        %dma_wait3A_243 = arith.constant 0 : i32
        %dma_wait3A_244 = tpu.memref_slice %arg8[%add3A_219, %dma_wait3A_243] : memref<10112x128xf32, #tpu.memory_space<vmem_shared>> -> memref<128x128xf32, #tpu.memory_space<vmem_shared>>
        %dma_wait3A_245 = arith.constant 0 : i32
        %dma_wait3A_246 = arith.constant 0 : i32
        %dma_wait3A_247 = tpu.memref_slice %arg7[%run_scoped3A_220, %dma_wait3A_245, %dma_wait3A_246] : memref<3x128x128xf32, #tpu.memory_space<vmem>> -> memref<1x128x128xf32, #tpu.memory_space<vmem>>
        %dma_wait3A_248 = tpu.memref_squeeze %dma_wait3A_247 : memref<1x128x128xf32, #tpu.memory_space<vmem>> -> memref<128x128xf32, #tpu.memory_space<vmem>>
        tpu.wait_dma2 semaphore(%run_scoped3A_224 : memref<!tpu.dma_semaphore, #tpu.memory_space<semaphore_mem>>) src(%dma_wait3A_248 : memref<128x128xf32, #tpu.memory_space<vmem>>) dst(%dma_wait3A_244 : memref<128x128xf32, #tpu.memory_space<vmem_shared>>)
        tpu.yield
      }) : () -> ()
      %add3A_221 = arith.constant 256 : i32
      %add3A_222 = arith.addi %mul3A_7, %add3A_221 : i32
      %run_scoped3A_223 = arith.constant 0 : i32
      "tpu.region"() ({
        %run_scoped3A_224 = tpu.sem_alloc : memref<!tpu.dma_semaphore, #tpu.memory_space<semaphore_mem>>
        %dma_start3A_225 = arith.constant 0 : i32
        %dma_start3A_226 = arith.constant 0 : i32
        %dma_start3A_227 = tpu.memref_slice %arg7[%run_scoped3A_223, %dma_start3A_225, %dma_start3A_226] : memref<3x128x128xf32, #tpu.memory_space<vmem>> -> memref<1x64x128xf32, #tpu.memory_space<vmem>>
        %dma_start3A_228 = tpu.memref_squeeze %dma_start3A_227 : memref<1x64x128xf32, #tpu.memory_space<vmem>> -> memref<64x128xf32, #tpu.memory_space<vmem>>
        %dma_start3A_229 = arith.constant 0 : i32
        %dma_start3A_230 = tpu.memref_slice %arg8[%add3A_222, %dma_start3A_229] : memref<10112x128xf32, #tpu.memory_space<vmem_shared>> -> memref<64x128xf32, #tpu.memory_space<vmem_shared>>
        %dma_start3A_231 = arith.constant 0 : i32
        %dma_start3A_232 = tpu.memref_slice %arg8[%add3A_222, %dma_start3A_231] : memref<10112x128xf32, #tpu.memory_space<vmem_shared>> -> memref<64x128xf32, #tpu.memory_space<vmem_shared>>
        %dma_start3A_233 = arith.constant 0 : i32
        %dma_start3A_234 = arith.constant 0 : i32
        %dma_start3A_235 = tpu.memref_slice %arg7[%run_scoped3A_223, %dma_start3A_233, %dma_start3A_234] : memref<3x128x128xf32, #tpu.memory_space<vmem>> -> memref<1x64x128xf32, #tpu.memory_space<vmem>>
        %dma_start3A_236 = tpu.memref_squeeze %dma_start3A_235 : memref<1x64x128xf32, #tpu.memory_space<vmem>> -> memref<64x128xf32, #tpu.memory_space<vmem>>
        tpu.enqueue_dma source(%dma_start3A_236 : memref<64x128xf32, #tpu.memory_space<vmem>>) target(%dma_start3A_232 : memref<64x128xf32, #tpu.memory_space<vmem_shared>>) target_semaphore(%run_scoped3A_224 : memref<!tpu.dma_semaphore, #tpu.memory_space<semaphore_mem>>)
        %dma_wait3A_237 = arith.constant 0 : i32
        %dma_wait3A_238 = arith.constant 0 : i32
        %dma_wait3A_239 = tpu.memref_slice %arg7[%run_scoped3A_223, %dma_wait3A_237, %dma_wait3A_238] : memref<3x128x128xf32, #tpu.memory_space<vmem>> -> memref<1x64x128xf32, #tpu.memory_space<vmem>>
        %dma_wait3A_240 = tpu.memref_squeeze %dma_wait3A_239 : memref<1x64x128xf32, #tpu.memory_space<vmem>> -> memref<64x128xf32, #tpu.memory_space<vmem>>
        %dma_wait3A_241 = arith.constant 0 : i32
        %dma_wait3A_242 = tpu.memref_slice %arg8[%add3A_222, %dma_wait3A_241] : memref<10112x128xf32, #tpu.memory_space<vmem_shared>> -> memref<64x128xf32, #tpu.memory_space<vmem_shared>>
        %dma_wait3A_243 = arith.constant 0 : i32
        %dma_wait3A_244 = tpu.memref_slice %arg8[%add3A_222, %dma_wait3A_243] : memref<10112x128xf32, #tpu.memory_space<vmem_shared>> -> memref<64x128xf32, #tpu.memory_space<vmem_shared>>
        %dma_wait3A_245 = arith.constant 0 : i32
        %dma_wait3A_246 = arith.constant 0 : i32
        %dma_wait3A_247 = tpu.memref_slice %arg7[%run_scoped3A_223, %dma_wait3A_245, %dma_wait3A_246] : memref<3x128x128xf32, #tpu.memory_space<vmem>> -> memref<1x64x128xf32, #tpu.memory_space<vmem>>
        %dma_wait3A_248 = tpu.memref_squeeze %dma_wait3A_247 : memref<1x64x128xf32, #tpu.memory_space<vmem>> -> memref<64x128xf32, #tpu.memory_space<vmem>>
        tpu.wait_dma2 semaphore(%run_scoped3A_224 : memref<!tpu.dma_semaphore, #tpu.memory_space<semaphore_mem>>) src(%dma_wait3A_248 : memref<64x128xf32, #tpu.memory_space<vmem>>) dst(%dma_wait3A_244 : memref<64x128xf32, #tpu.memory_space<vmem_shared>>)
        tpu.yield
      }) : () -> ()
    } else {
    }
    %dma_start3A = arith.constant 0 : i32
    %dma_start3A_14 = arith.constant 0 : i32
    %dma_start3A_15 = arith.constant 0 : i32
    %dma_start3A_16 = arith.constant 0 : i32
    %dma_start3A_17 = tpu.memref_slice %arg5[%dma_start3A_15, %dma_start3A_16] : memref<3x128xi32, #tpu.memory_space<vmem>> -> memref<1x128xi32, #tpu.memory_space<vmem>>
    %dma_start3A_18 = tpu.memref_squeeze %dma_start3A_17 : memref<1x128xi32, #tpu.memory_space<vmem>> -> memref<128xi32, #tpu.memory_space<vmem>>
    %dma_start3A_19 = arith.constant 0 : i32
    %dma_start3A_20 = tpu.memref_slice %arg3[%add3A, %dma_start3A, %dma_start3A_14, %dma_start3A_19] : memref<32x2x80x128xi32, #tpu.memory_space<hbm>> -> memref<1x1x1x128xi32, #tpu.memory_space<hbm>>
    %dma_start3A_21 = tpu.memref_squeeze %dma_start3A_20 : memref<1x1x1x128xi32, #tpu.memory_space<hbm>> -> memref<128xi32, #tpu.memory_space<hbm>>
    %dma_start3A_22 = arith.constant 0 : i32
    %dma_start3A_23 = tpu.memref_slice %arg5[%dma_start3A_15, %dma_start3A_22] : memref<3x128xi32, #tpu.memory_space<vmem>> -> memref<1x128xi32, #tpu.memory_space<vmem>>
    %dma_start3A_24 = tpu.memref_squeeze %dma_start3A_23 : memref<1x128xi32, #tpu.memory_space<vmem>> -> memref<128xi32, #tpu.memory_space<vmem>>
    %dma_start3A_25 = arith.constant 0 : i32
    %dma_start3A_26 = tpu.memref_slice %arg3[%add3A, %dma_start3A, %dma_start3A_14, %dma_start3A_25] : memref<32x2x80x128xi32, #tpu.memory_space<hbm>> -> memref<1x1x1x128xi32, #tpu.memory_space<hbm>>
    %dma_start3A_27 = tpu.memref_squeeze %dma_start3A_26 : memref<1x1x1x128xi32, #tpu.memory_space<hbm>> -> memref<128xi32, #tpu.memory_space<hbm>>
    tpu.enqueue_dma source(%dma_start3A_27 : memref<128xi32, #tpu.memory_space<hbm>>) target(%dma_start3A_24 : memref<128xi32, #tpu.memory_space<vmem>>) target_semaphore(%arg9 : memref<!tpu.dma_semaphore, #tpu.memory_space<semaphore_mem>>)
    %dma_start3A_28 = arith.constant 1 : i32
    %dma_start3A_29 = arith.constant 0 : i32
    %dma_start3A_30 = arith.constant 0 : i32
    %dma_start3A_31 = arith.constant 0 : i32
    %dma_start3A_32 = tpu.memref_slice %arg6[%dma_start3A_30, %dma_start3A_31] : memref<4x128xi32, #tpu.memory_space<vmem>> -> memref<1x128xi32, #tpu.memory_space<vmem>>
    %dma_start3A_33 = tpu.memref_squeeze %dma_start3A_32 : memref<1x128xi32, #tpu.memory_space<vmem>> -> memref<128xi32, #tpu.memory_space<vmem>>
    %dma_start3A_34 = arith.constant 0 : i32
    %dma_start3A_35 = tpu.memref_slice %arg3[%add3A, %dma_start3A_28, %dma_start3A_29, %dma_start3A_34] : memref<32x2x80x128xi32, #tpu.memory_space<hbm>> -> memref<1x1x1x128xi32, #tpu.memory_space<hbm>>
    %dma_start3A_36 = tpu.memref_squeeze %dma_start3A_35 : memref<1x1x1x128xi32, #tpu.memory_space<hbm>> -> memref<128xi32, #tpu.memory_space<hbm>>
    %dma_start3A_37 = arith.constant 0 : i32
    %dma_start3A_38 = tpu.memref_slice %arg6[%dma_start3A_30, %dma_start3A_37] : memref<4x128xi32, #tpu.memory_space<vmem>> -> memref<1x128xi32, #tpu.memory_space<vmem>>
    %dma_start3A_39 = tpu.memref_squeeze %dma_start3A_38 : memref<1x128xi32, #tpu.memory_space<vmem>> -> memref<128xi32, #tpu.memory_space<vmem>>
    %dma_start3A_40 = arith.constant 0 : i32
    %dma_start3A_41 = tpu.memref_slice %arg3[%add3A, %dma_start3A_28, %dma_start3A_29, %dma_start3A_40] : memref<32x2x80x128xi32, #tpu.memory_space<hbm>> -> memref<1x1x1x128xi32, #tpu.memory_space<hbm>>
    %dma_start3A_42 = tpu.memref_squeeze %dma_start3A_41 : memref<1x1x1x128xi32, #tpu.memory_space<hbm>> -> memref<128xi32, #tpu.memory_space<hbm>>
    tpu.enqueue_dma source(%dma_start3A_42 : memref<128xi32, #tpu.memory_space<hbm>>) target(%dma_start3A_39 : memref<128xi32, #tpu.memory_space<vmem>>) target_semaphore(%arg9 : memref<!tpu.dma_semaphore, #tpu.memory_space<semaphore_mem>>)
    %dma_start3A_43 = arith.constant 0 : i32
    %dma_start3A_44 = arith.constant 1 : i32
    %dma_start3A_45 = arith.constant 1 : i32
    %dma_start3A_46 = arith.constant 0 : i32
    %dma_start3A_47 = tpu.memref_slice %arg5[%dma_start3A_45, %dma_start3A_46] : memref<3x128xi32, #tpu.memory_space<vmem>> -> memref<1x128xi32, #tpu.memory_space<vmem>>
    %dma_start3A_48 = tpu.memref_squeeze %dma_start3A_47 : memref<1x128xi32, #tpu.memory_space<vmem>> -> memref<128xi32, #tpu.memory_space<vmem>>
    %dma_start3A_49 = arith.constant 0 : i32
    %dma_start3A_50 = tpu.memref_slice %arg3[%add3A, %dma_start3A_43, %dma_start3A_44, %dma_start3A_49] : memref<32x2x80x128xi32, #tpu.memory_space<hbm>> -> memref<1x1x1x128xi32, #tpu.memory_space<hbm>>
    %dma_start3A_51 = tpu.memref_squeeze %dma_start3A_50 : memref<1x1x1x128xi32, #tpu.memory_space<hbm>> -> memref<128xi32, #tpu.memory_space<hbm>>
    %dma_start3A_52 = arith.constant 0 : i32
    %dma_start3A_53 = tpu.memref_slice %arg5[%dma_start3A_45, %dma_start3A_52] : memref<3x128xi32, #tpu.memory_space<vmem>> -> memref<1x128xi32, #tpu.memory_space<vmem>>
    %dma_start3A_54 = tpu.memref_squeeze %dma_start3A_53 : memref<1x128xi32, #tpu.memory_space<vmem>> -> memref<128xi32, #tpu.memory_space<vmem>>
    %dma_start3A_55 = arith.constant 0 : i32
    %dma_start3A_56 = tpu.memref_slice %arg3[%add3A, %dma_start3A_43, %dma_start3A_44, %dma_start3A_55] : memref<32x2x80x128xi32, #tpu.memory_space<hbm>> -> memref<1x1x1x128xi32, #tpu.memory_space<hbm>>
    %dma_start3A_57 = tpu.memref_squeeze %dma_start3A_56 : memref<1x1x1x128xi32, #tpu.memory_space<hbm>> -> memref<128xi32, #tpu.memory_space<hbm>>
    tpu.enqueue_dma source(%dma_start3A_57 : memref<128xi32, #tpu.memory_space<hbm>>) target(%dma_start3A_54 : memref<128xi32, #tpu.memory_space<vmem>>) target_semaphore(%arg9 : memref<!tpu.dma_semaphore, #tpu.memory_space<semaphore_mem>>)
    %dma_start3A_58 = arith.constant 1 : i32
    %dma_start3A_59 = arith.constant 1 : i32
    %dma_start3A_60 = arith.constant 1 : i32
    %dma_start3A_61 = arith.constant 0 : i32
    %dma_start3A_62 = tpu.memref_slice %arg6[%dma_start3A_60, %dma_start3A_61] : memref<4x128xi32, #tpu.memory_space<vmem>> -> memref<1x128xi32, #tpu.memory_space<vmem>>
    %dma_start3A_63 = tpu.memref_squeeze %dma_start3A_62 : memref<1x128xi32, #tpu.memory_space<vmem>> -> memref<128xi32, #tpu.memory_space<vmem>>
    %dma_start3A_64 = arith.constant 0 : i32
    %dma_start3A_65 = tpu.memref_slice %arg3[%add3A, %dma_start3A_58, %dma_start3A_59, %dma_start3A_64] : memref<32x2x80x128xi32, #tpu.memory_space<hbm>> -> memref<1x1x1x128xi32, #tpu.memory_space<hbm>>
    %dma_start3A_66 = tpu.memref_squeeze %dma_start3A_65 : memref<1x1x1x128xi32, #tpu.memory_space<hbm>> -> memref<128xi32, #tpu.memory_space<hbm>>
    %dma_start3A_67 = arith.constant 0 : i32
    %dma_start3A_68 = tpu.memref_slice %arg6[%dma_start3A_60, %dma_start3A_67] : memref<4x128xi32, #tpu.memory_space<vmem>> -> memref<1x128xi32, #tpu.memory_space<vmem>>
    %dma_start3A_69 = tpu.memref_squeeze %dma_start3A_68 : memref<1x128xi32, #tpu.memory_space<vmem>> -> memref<128xi32, #tpu.memory_space<vmem>>
    %dma_start3A_70 = arith.constant 0 : i32
    %dma_start3A_71 = tpu.memref_slice %arg3[%add3A, %dma_start3A_58, %dma_start3A_59, %dma_start3A_70] : memref<32x2x80x128xi32, #tpu.memory_space<hbm>> -> memref<1x1x1x128xi32, #tpu.memory_space<hbm>>
    %dma_start3A_72 = tpu.memref_squeeze %dma_start3A_71 : memref<1x1x1x128xi32, #tpu.memory_space<hbm>> -> memref<128xi32, #tpu.memory_space<hbm>>
    tpu.enqueue_dma source(%dma_start3A_72 : memref<128xi32, #tpu.memory_space<hbm>>) target(%dma_start3A_69 : memref<128xi32, #tpu.memory_space<vmem>>) target_semaphore(%arg9 : memref<!tpu.dma_semaphore, #tpu.memory_space<semaphore_mem>>)
    %dma_start3A_73 = arith.constant 0 : i32
    %dma_start3A_74 = arith.constant 2 : i32
    %dma_start3A_75 = arith.constant 2 : i32
    %dma_start3A_76 = arith.constant 0 : i32
    %dma_start3A_77 = tpu.memref_slice %arg5[%dma_start3A_75, %dma_start3A_76] : memref<3x128xi32, #tpu.memory_space<vmem>> -> memref<1x128xi32, #tpu.memory_space<vmem>>
    %dma_start3A_78 = tpu.memref_squeeze %dma_start3A_77 : memref<1x128xi32, #tpu.memory_space<vmem>> -> memref<128xi32, #tpu.memory_space<vmem>>
    %dma_start3A_79 = arith.constant 0 : i32
    %dma_start3A_80 = tpu.memref_slice %arg3[%add3A, %dma_start3A_73, %dma_start3A_74, %dma_start3A_79] : memref<32x2x80x128xi32, #tpu.memory_space<hbm>> -> memref<1x1x1x128xi32, #tpu.memory_space<hbm>>
    %dma_start3A_81 = tpu.memref_squeeze %dma_start3A_80 : memref<1x1x1x128xi32, #tpu.memory_space<hbm>> -> memref<128xi32, #tpu.memory_space<hbm>>
    %dma_start3A_82 = arith.constant 0 : i32
    %dma_start3A_83 = tpu.memref_slice %arg5[%dma_start3A_75, %dma_start3A_82] : memref<3x128xi32, #tpu.memory_space<vmem>> -> memref<1x128xi32, #tpu.memory_space<vmem>>
    %dma_start3A_84 = tpu.memref_squeeze %dma_start3A_83 : memref<1x128xi32, #tpu.memory_space<vmem>> -> memref<128xi32, #tpu.memory_space<vmem>>
    %dma_start3A_85 = arith.constant 0 : i32
    %dma_start3A_86 = tpu.memref_slice %arg3[%add3A, %dma_start3A_73, %dma_start3A_74, %dma_start3A_85] : memref<32x2x80x128xi32, #tpu.memory_space<hbm>> -> memref<1x1x1x128xi32, #tpu.memory_space<hbm>>
    %dma_start3A_87 = tpu.memref_squeeze %dma_start3A_86 : memref<1x1x1x128xi32, #tpu.memory_space<hbm>> -> memref<128xi32, #tpu.memory_space<hbm>>
    tpu.enqueue_dma source(%dma_start3A_87 : memref<128xi32, #tpu.memory_space<hbm>>) target(%dma_start3A_84 : memref<128xi32, #tpu.memory_space<vmem>>) target_semaphore(%arg9 : memref<!tpu.dma_semaphore, #tpu.memory_space<semaphore_mem>>)
    %dma_start3A_88 = arith.constant 1 : i32
    %dma_start3A_89 = arith.constant 2 : i32
    %dma_start3A_90 = arith.constant 2 : i32
    %dma_start3A_91 = arith.constant 0 : i32
    %dma_start3A_92 = tpu.memref_slice %arg6[%dma_start3A_90, %dma_start3A_91] : memref<4x128xi32, #tpu.memory_space<vmem>> -> memref<1x128xi32, #tpu.memory_space<vmem>>
    %dma_start3A_93 = tpu.memref_squeeze %dma_start3A_92 : memref<1x128xi32, #tpu.memory_space<vmem>> -> memref<128xi32, #tpu.memory_space<vmem>>
    %dma_start3A_94 = arith.constant 0 : i32
    %dma_start3A_95 = tpu.memref_slice %arg3[%add3A, %dma_start3A_88, %dma_start3A_89, %dma_start3A_94] : memref<32x2x80x128xi32, #tpu.memory_space<hbm>> -> memref<1x1x1x128xi32, #tpu.memory_space<hbm>>
    %dma_start3A_96 = tpu.memref_squeeze %dma_start3A_95 : memref<1x1x1x128xi32, #tpu.memory_space<hbm>> -> memref<128xi32, #tpu.memory_space<hbm>>
    %dma_start3A_97 = arith.constant 0 : i32
    %dma_start3A_98 = tpu.memref_slice %arg6[%dma_start3A_90, %dma_start3A_97] : memref<4x128xi32, #tpu.memory_space<vmem>> -> memref<1x128xi32, #tpu.memory_space<vmem>>
    %dma_start3A_99 = tpu.memref_squeeze %dma_start3A_98 : memref<1x128xi32, #tpu.memory_space<vmem>> -> memref<128xi32, #tpu.memory_space<vmem>>
    %dma_start3A_100 = arith.constant 0 : i32
    %dma_start3A_101 = tpu.memref_slice %arg3[%add3A, %dma_start3A_88, %dma_start3A_89, %dma_start3A_100] : memref<32x2x80x128xi32, #tpu.memory_space<hbm>> -> memref<1x1x1x128xi32, #tpu.memory_space<hbm>>
    %dma_start3A_102 = tpu.memref_squeeze %dma_start3A_101 : memref<1x1x1x128xi32, #tpu.memory_space<hbm>> -> memref<128xi32, #tpu.memory_space<hbm>>
    tpu.enqueue_dma source(%dma_start3A_102 : memref<128xi32, #tpu.memory_space<hbm>>) target(%dma_start3A_99 : memref<128xi32, #tpu.memory_space<vmem>>) target_semaphore(%arg9 : memref<!tpu.dma_semaphore, #tpu.memory_space<semaphore_mem>>)
    %dma_wait3A = arith.constant 0 : i32
    %dma_wait3A_103 = arith.constant 0 : i32
    %dma_wait3A_104 = arith.constant 0 : i32
    %dma_wait3A_105 = arith.constant 0 : i32
    %dma_wait3A_106 = tpu.memref_slice %arg5[%dma_wait3A_104, %dma_wait3A_105] : memref<3x128xi32, #tpu.memory_space<vmem>> -> memref<1x128xi32, #tpu.memory_space<vmem>>
    %dma_wait3A_107 = tpu.memref_squeeze %dma_wait3A_106 : memref<1x128xi32, #tpu.memory_space<vmem>> -> memref<128xi32, #tpu.memory_space<vmem>>
    %dma_wait3A_108 = arith.constant 0 : i32
    %dma_wait3A_109 = tpu.memref_slice %arg3[%add3A, %dma_wait3A, %dma_wait3A_103, %dma_wait3A_108] : memref<32x2x80x128xi32, #tpu.memory_space<hbm>> -> memref<1x1x1x128xi32, #tpu.memory_space<hbm>>
    %dma_wait3A_110 = tpu.memref_squeeze %dma_wait3A_109 : memref<1x1x1x128xi32, #tpu.memory_space<hbm>> -> memref<128xi32, #tpu.memory_space<hbm>>
    %dma_wait3A_111 = arith.constant 0 : i32
    %dma_wait3A_112 = tpu.memref_slice %arg5[%dma_wait3A_104, %dma_wait3A_111] : memref<3x128xi32, #tpu.memory_space<vmem>> -> memref<1x128xi32, #tpu.memory_space<vmem>>
    %dma_wait3A_113 = tpu.memref_squeeze %dma_wait3A_112 : memref<1x128xi32, #tpu.memory_space<vmem>> -> memref<128xi32, #tpu.memory_space<vmem>>
    %dma_wait3A_114 = arith.constant 0 : i32
    %dma_wait3A_115 = tpu.memref_slice %arg3[%add3A, %dma_wait3A, %dma_wait3A_103, %dma_wait3A_114] : memref<32x2x80x128xi32, #tpu.memory_space<hbm>> -> memref<1x1x1x128xi32, #tpu.memory_space<hbm>>
    %dma_wait3A_116 = tpu.memref_squeeze %dma_wait3A_115 : memref<1x1x1x128xi32, #tpu.memory_space<hbm>> -> memref<128xi32, #tpu.memory_space<hbm>>
    tpu.wait_dma2 semaphore(%arg9 : memref<!tpu.dma_semaphore, #tpu.memory_space<semaphore_mem>>) src(%dma_wait3A_116 : memref<128xi32, #tpu.memory_space<hbm>>) dst(%dma_wait3A_113 : memref<128xi32, #tpu.memory_space<vmem>>)
    %dma_wait3A_117 = arith.constant 0 : i32
    %dma_wait3A_118 = arith.constant 0 : i32
    %dma_wait3A_119 = arith.constant 0 : i32
    %dma_wait3A_120 = arith.constant 0 : i32
    %dma_wait3A_121 = tpu.memref_slice %arg5[%dma_wait3A_119, %dma_wait3A_120] : memref<3x128xi32, #tpu.memory_space<vmem>> -> memref<1x128xi32, #tpu.memory_space<vmem>>
    %dma_wait3A_122 = tpu.memref_squeeze %dma_wait3A_121 : memref<1x128xi32, #tpu.memory_space<vmem>> -> memref<128xi32, #tpu.memory_space<vmem>>
    %dma_wait3A_123 = arith.constant 0 : i32
    %dma_wait3A_124 = tpu.memref_slice %arg3[%add3A, %dma_wait3A_117, %dma_wait3A_118, %dma_wait3A_123] : memref<32x2x80x128xi32, #tpu.memory_space<hbm>> -> memref<1x1x1x128xi32, #tpu.memory_space<hbm>>
    %dma_wait3A_125 = tpu.memref_squeeze %dma_wait3A_124 : memref<1x1x1x128xi32, #tpu.memory_space<hbm>> -> memref<128xi32, #tpu.memory_space<hbm>>
    %dma_wait3A_126 = arith.constant 0 : i32
    %dma_wait3A_127 = tpu.memref_slice %arg5[%dma_wait3A_119, %dma_wait3A_126] : memref<3x128xi32, #tpu.memory_space<vmem>> -> memref<1x128xi32, #tpu.memory_space<vmem>>
    %dma_wait3A_128 = tpu.memref_squeeze %dma_wait3A_127 : memref<1x128xi32, #tpu.memory_space<vmem>> -> memref<128xi32, #tpu.memory_space<vmem>>
    %dma_wait3A_129 = arith.constant 0 : i32
    %dma_wait3A_130 = tpu.memref_slice %arg3[%add3A, %dma_wait3A_117, %dma_wait3A_118, %dma_wait3A_129] : memref<32x2x80x128xi32, #tpu.memory_space<hbm>> -> memref<1x1x1x128xi32, #tpu.memory_space<hbm>>
    %dma_wait3A_131 = tpu.memref_squeeze %dma_wait3A_130 : memref<1x1x1x128xi32, #tpu.memory_space<hbm>> -> memref<128xi32, #tpu.memory_space<hbm>>
    tpu.wait_dma2 semaphore(%arg9 : memref<!tpu.dma_semaphore, #tpu.memory_space<semaphore_mem>>) src(%dma_wait3A_131 : memref<128xi32, #tpu.memory_space<hbm>>) dst(%dma_wait3A_128 : memref<128xi32, #tpu.memory_space<vmem>>)
    %dma_start3A_132 = arith.constant 0 : i32
    %dma_start3A_133 = arith.constant 0 : i32
    %dma_start3A_134 = arith.constant 0 : i32
    %dma_start3A_135 = arith.constant 0 : i32
    %dma_start3A_136 = tpu.memref_slice %arg7[%dma_start3A_133, %dma_start3A_134, %dma_start3A_135] : memref<3x128x128xf32, #tpu.memory_space<vmem>> -> memref<1x128x128xf32, #tpu.memory_space<vmem>>
    %dma_start3A_137 = tpu.memref_squeeze %dma_start3A_136 : memref<1x128x128xf32, #tpu.memory_space<vmem>> -> memref<128x128xf32, #tpu.memory_space<vmem>>
    %dma_start3A_138 = arith.constant 0 : i32
    %dma_start3A_139 = tpu.memref_slice %arg5[%dma_start3A_132, %dma_start3A_138] : memref<3x128xi32, #tpu.memory_space<vmem>> -> memref<1x128xi32, #tpu.memory_space<vmem>>
    %dma_start3A_140 = tpu.memref_squeeze %dma_start3A_139 : memref<1x128xi32, #tpu.memory_space<vmem>> -> memref<128xi32, #tpu.memory_space<vmem>>
    %dma_start3A_141 = arith.constant 0 : i32
    %dma_start3A_142 = arith.constant 0 : i32
    %dma_start3A_143 = tpu.memref_slice %arg2[%dma_start3A_141, %dma_start3A_142] : memref<10112x128xf32, #tpu.memory_space<hbm>> -> memref<10112x128xf32, #tpu.memory_space<hbm>>
    tpu.enqueue_indirect_dma source(%dma_start3A_143 : memref<10112x128xf32, #tpu.memory_space<hbm>>) target(%dma_start3A_137 : memref<128x128xf32, #tpu.memory_space<vmem>>) offsets(%dma_start3A_140 : memref<128xi32, #tpu.memory_space<vmem>>) semaphore(%arg10 : memref<!tpu.dma_semaphore, #tpu.memory_space<semaphore_mem>>)
    %dma_wait3A_144 = arith.constant 0 : i32
    %dma_wait3A_145 = arith.constant 0 : i32
    %dma_wait3A_146 = arith.constant 0 : i32
    %dma_wait3A_147 = arith.constant 0 : i32
    %dma_wait3A_148 = tpu.memref_slice %arg5[%dma_wait3A_146, %dma_wait3A_147] : memref<3x128xi32, #tpu.memory_space<vmem>> -> memref<1x128xi32, #tpu.memory_space<vmem>>
    %dma_wait3A_149 = tpu.memref_squeeze %dma_wait3A_148 : memref<1x128xi32, #tpu.memory_space<vmem>> -> memref<128xi32, #tpu.memory_space<vmem>>
    %dma_wait3A_150 = arith.constant 0 : i32
    %dma_wait3A_151 = tpu.memref_slice %arg3[%add3A, %dma_wait3A_144, %dma_wait3A_145, %dma_wait3A_150] : memref<32x2x80x128xi32, #tpu.memory_space<hbm>> -> memref<1x1x1x128xi32, #tpu.memory_space<hbm>>
    %dma_wait3A_152 = tpu.memref_squeeze %dma_wait3A_151 : memref<1x1x1x128xi32, #tpu.memory_space<hbm>> -> memref<128xi32, #tpu.memory_space<hbm>>
    %dma_wait3A_153 = arith.constant 0 : i32
    %dma_wait3A_154 = tpu.memref_slice %arg5[%dma_wait3A_146, %dma_wait3A_153] : memref<3x128xi32, #tpu.memory_space<vmem>> -> memref<1x128xi32, #tpu.memory_space<vmem>>
    %dma_wait3A_155 = tpu.memref_squeeze %dma_wait3A_154 : memref<1x128xi32, #tpu.memory_space<vmem>> -> memref<128xi32, #tpu.memory_space<vmem>>
    %dma_wait3A_156 = arith.constant 0 : i32
    %dma_wait3A_157 = tpu.memref_slice %arg3[%add3A, %dma_wait3A_144, %dma_wait3A_145, %dma_wait3A_156] : memref<32x2x80x128xi32, #tpu.memory_space<hbm>> -> memref<1x1x1x128xi32, #tpu.memory_space<hbm>>
    %dma_wait3A_158 = tpu.memref_squeeze %dma_wait3A_157 : memref<1x1x1x128xi32, #tpu.memory_space<hbm>> -> memref<128xi32, #tpu.memory_space<hbm>>
    tpu.wait_dma2 semaphore(%arg9 : memref<!tpu.dma_semaphore, #tpu.memory_space<semaphore_mem>>) src(%dma_wait3A_158 : memref<128xi32, #tpu.memory_space<hbm>>) dst(%dma_wait3A_155 : memref<128xi32, #tpu.memory_space<vmem>>)
    %dma_wait3A_159 = arith.constant 0 : i32
    %dma_wait3A_160 = arith.constant 0 : i32
    %dma_wait3A_161 = arith.constant 0 : i32
    %dma_wait3A_162 = arith.constant 0 : i32
    %dma_wait3A_163 = tpu.memref_slice %arg5[%dma_wait3A_161, %dma_wait3A_162] : memref<3x128xi32, #tpu.memory_space<vmem>> -> memref<1x128xi32, #tpu.memory_space<vmem>>
    %dma_wait3A_164 = tpu.memref_squeeze %dma_wait3A_163 : memref<1x128xi32, #tpu.memory_space<vmem>> -> memref<128xi32, #tpu.memory_space<vmem>>
    %dma_wait3A_165 = arith.constant 0 : i32
    %dma_wait3A_166 = tpu.memref_slice %arg3[%add3A, %dma_wait3A_159, %dma_wait3A_160, %dma_wait3A_165] : memref<32x2x80x128xi32, #tpu.memory_space<hbm>> -> memref<1x1x1x128xi32, #tpu.memory_space<hbm>>
    %dma_wait3A_167 = tpu.memref_squeeze %dma_wait3A_166 : memref<1x1x1x128xi32, #tpu.memory_space<hbm>> -> memref<128xi32, #tpu.memory_space<hbm>>
    %dma_wait3A_168 = arith.constant 0 : i32
    %dma_wait3A_169 = tpu.memref_slice %arg5[%dma_wait3A_161, %dma_wait3A_168] : memref<3x128xi32, #tpu.memory_space<vmem>> -> memref<1x128xi32, #tpu.memory_space<vmem>>
    %dma_wait3A_170 = tpu.memref_squeeze %dma_wait3A_169 : memref<1x128xi32, #tpu.memory_space<vmem>> -> memref<128xi32, #tpu.memory_space<vmem>>
    %dma_wait3A_171 = arith.constant 0 : i32
    %dma_wait3A_172 = tpu.memref_slice %arg3[%add3A, %dma_wait3A_159, %dma_wait3A_160, %dma_wait3A_171] : memref<32x2x80x128xi32, #tpu.memory_space<hbm>> -> memref<1x1x1x128xi32, #tpu.memory_space<hbm>>
    %dma_wait3A_173 = tpu.memref_squeeze %dma_wait3A_172 : memref<1x1x1x128xi32, #tpu.memory_space<hbm>> -> memref<128xi32, #tpu.memory_space<hbm>>
    tpu.wait_dma2 semaphore(%arg9 : memref<!tpu.dma_semaphore, #tpu.memory_space<semaphore_mem>>) src(%dma_wait3A_173 : memref<128xi32, #tpu.memory_space<hbm>>) dst(%dma_wait3A_170 : memref<128xi32, #tpu.memory_space<vmem>>)
    %dma_start3A_174 = arith.constant 1 : i32
    %dma_start3A_175 = arith.constant 1 : i32
    %dma_start3A_176 = arith.constant 0 : i32
    %dma_start3A_177 = arith.constant 0 : i32
    %dma_start3A_178 = tpu.memref_slice %arg7[%dma_start3A_175, %dma_start3A_176, %dma_start3A_177] : memref<3x128x128xf32, #tpu.memory_space<vmem>> -> memref<1x128x128xf32, #tpu.memory_space<vmem>>
    %dma_start3A_179 = tpu.memref_squeeze %dma_start3A_178 : memref<1x128x128xf32, #tpu.memory_space<vmem>> -> memref<128x128xf32, #tpu.memory_space<vmem>>
    %dma_start3A_180 = arith.constant 0 : i32
    %dma_start3A_181 = tpu.memref_slice %arg5[%dma_start3A_174, %dma_start3A_180] : memref<3x128xi32, #tpu.memory_space<vmem>> -> memref<1x128xi32, #tpu.memory_space<vmem>>
    %dma_start3A_182 = tpu.memref_squeeze %dma_start3A_181 : memref<1x128xi32, #tpu.memory_space<vmem>> -> memref<128xi32, #tpu.memory_space<vmem>>
    %dma_start3A_183 = arith.constant 0 : i32
    %dma_start3A_184 = arith.constant 0 : i32
    %dma_start3A_185 = tpu.memref_slice %arg2[%dma_start3A_183, %dma_start3A_184] : memref<10112x128xf32, #tpu.memory_space<hbm>> -> memref<10112x128xf32, #tpu.memory_space<hbm>>
    tpu.enqueue_indirect_dma source(%dma_start3A_185 : memref<10112x128xf32, #tpu.memory_space<hbm>>) target(%dma_start3A_179 : memref<128x128xf32, #tpu.memory_space<vmem>>) offsets(%dma_start3A_182 : memref<128xi32, #tpu.memory_space<vmem>>) semaphore(%arg10 : memref<!tpu.dma_semaphore, #tpu.memory_space<semaphore_mem>>)
    %barrier3A = arith.constant 0 : index
    tpu.barrier barrier_id(%barrier3A)
    %scan3A_186 = arith.constant 0 : i32
    %scan3A_187 = arith.constant 0 : i32
    %scan3A_188 = arith.constant 80 : i32
    %scan3A_189 = arith.addi %scan3A_187, %scan3A_188 : i32
    %scan3A_190 = arith.constant 1 : i32
    scf.for %scan3A_212 = %scan3A_187 to %scan3A_189 step %scan3A_190  : i32 {
      %jit3A = arith.constant 3 : i32
      %eq3A_213 = arith.constant 0 : i32
      %eq3A_214 = arith.cmpi eq, %jit3A, %eq3A_213 : i32
      %jit3A_215 = arith.constant 1 : i32
      %select_n3A = arith.select %eq3A_214, %jit3A_215, %jit3A : i32
      %rem3A = arith.remsi %scan3A_212, %select_n3A : i32
      %ne3A_216 = arith.constant 0 : i32
      %ne3A_217 = arith.cmpi ne, %rem3A, %ne3A_216 : i32
      %lt3A = arith.constant 0 : i32
      %lt3A_218 = arith.cmpi slt, %rem3A, %lt3A : i32
      %lt3A_219 = arith.constant 0 : i32
      %lt3A_220 = arith.cmpi slt, %select_n3A, %lt3A_219 : i32
      %ne3A_221 = arith.xori %lt3A_218, %lt3A_220 : i1
      %and3A = arith.andi %ne3A_221, %ne3A_217 : i1
      %add3A_222 = arith.addi %rem3A, %select_n3A : i32
      %select_n3A_223 = arith.select %and3A, %add3A_222, %rem3A : i32
      %dma_wait3A_224 = arith.constant 0 : i32
      %dma_wait3A_225 = arith.constant 0 : i32
      %dma_wait3A_226 = arith.constant 0 : i32
      %dma_wait3A_227 = tpu.memref_slice %arg7[%dma_wait3A_224, %dma_wait3A_225, %dma_wait3A_226] : memref<3x128x128xf32, #tpu.memory_space<vmem>> -> memref<1x128x128xf32, #tpu.memory_space<vmem>>
      %dma_wait3A_228 = tpu.memref_squeeze %dma_wait3A_227 : memref<1x128x128xf32, #tpu.memory_space<vmem>> -> memref<128x128xf32, #tpu.memory_space<vmem>>
      %dma_wait3A_229 = arith.constant 0 : i32
      %dma_wait3A_230 = arith.constant 0 : i32
      %dma_wait3A_231 = tpu.memref_slice %arg2[%dma_wait3A_229, %dma_wait3A_230] : memref<10112x128xf32, #tpu.memory_space<hbm>> -> memref<128x128xf32, #tpu.memory_space<hbm>>
      %dma_wait3A_232 = arith.constant 0 : i32
      %dma_wait3A_233 = arith.constant 0 : i32
      %dma_wait3A_234 = tpu.memref_slice %arg7[%dma_wait3A_224, %dma_wait3A_232, %dma_wait3A_233] : memref<3x128x128xf32, #tpu.memory_space<vmem>> -> memref<1x128x128xf32, #tpu.memory_space<vmem>>
      %dma_wait3A_235 = tpu.memref_squeeze %dma_wait3A_234 : memref<1x128x128xf32, #tpu.memory_space<vmem>> -> memref<128x128xf32, #tpu.memory_space<vmem>>
      %dma_wait3A_236 = arith.constant 0 : i32
      %dma_wait3A_237 = arith.constant 0 : i32
      %dma_wait3A_238 = tpu.memref_slice %arg2[%dma_wait3A_236, %dma_wait3A_237] : memref<10112x128xf32, #tpu.memory_space<hbm>> -> memref<128x128xf32, #tpu.memory_space<hbm>>
      tpu.wait_dma2 semaphore(%arg10 : memref<!tpu.dma_semaphore, #tpu.memory_space<semaphore_mem>>) src(%dma_wait3A_238 : memref<128x128xf32, #tpu.memory_space<hbm>>) dst(%dma_wait3A_235 : memref<128x128xf32, #tpu.memory_space<vmem>>)
      %gt3A = arith.constant 0 : i32
      %gt3A_239 = arith.cmpi sgt, %scan3A_212, %gt3A : i32
      %convert_element_type3A_240 = arith.extui %gt3A_239 : i1 to i32
      %cond3A_241 = arith.constant 0 : i32
      %cond3A_242 = arith.cmpi ne, %convert_element_type3A_240, %cond3A_241 : i32
      scf.if %cond3A_242 {
        %dma_wait3A_283 = arith.constant 0 : i32
        %dma_wait3A_284 = arith.constant 0 : i32
        %dma_wait3A_285 = arith.constant 0 : i32
        %dma_wait3A_286 = tpu.memref_slice %arg7[%dma_wait3A_283, %dma_wait3A_284, %dma_wait3A_285] : memref<3x128x128xf32, #tpu.memory_space<vmem>> -> memref<1x128x128xf32, #tpu.memory_space<vmem>>
        %dma_wait3A_287 = tpu.memref_squeeze %dma_wait3A_286 : memref<1x128x128xf32, #tpu.memory_space<vmem>> -> memref<128x128xf32, #tpu.memory_space<vmem>>
        %dma_wait3A_288 = arith.constant 0 : i32
        %dma_wait3A_289 = arith.constant 0 : i32
        %dma_wait3A_290 = tpu.memref_slice %arg2[%dma_wait3A_288, %dma_wait3A_289] : memref<10112x128xf32, #tpu.memory_space<hbm>> -> memref<128x128xf32, #tpu.memory_space<hbm>>
        %dma_wait3A_291 = arith.constant 0 : i32
        %dma_wait3A_292 = arith.constant 0 : i32
        %dma_wait3A_293 = tpu.memref_slice %arg7[%dma_wait3A_283, %dma_wait3A_291, %dma_wait3A_292] : memref<3x128x128xf32, #tpu.memory_space<vmem>> -> memref<1x128x128xf32, #tpu.memory_space<vmem>>
        %dma_wait3A_294 = tpu.memref_squeeze %dma_wait3A_293 : memref<1x128x128xf32, #tpu.memory_space<vmem>> -> memref<128x128xf32, #tpu.memory_space<vmem>>
        %dma_wait3A_295 = arith.constant 0 : i32
        %dma_wait3A_296 = arith.constant 0 : i32
        %dma_wait3A_297 = tpu.memref_slice %arg2[%dma_wait3A_295, %dma_wait3A_296] : memref<10112x128xf32, #tpu.memory_space<hbm>> -> memref<128x128xf32, #tpu.memory_space<hbm>>
        tpu.wait_dma2 semaphore(%arg11 : memref<!tpu.dma_semaphore, #tpu.memory_space<semaphore_mem>>) src(%dma_wait3A_297 : memref<128x128xf32, #tpu.memory_space<hbm>>) dst(%dma_wait3A_294 : memref<128x128xf32, #tpu.memory_space<vmem>>)
      } else {
      }
      %jit3A_243 = arith.constant 4 : i32
      %eq3A_244 = arith.constant 0 : i32
      %eq3A_245 = arith.cmpi eq, %jit3A_243, %eq3A_244 : i32
      %jit3A_246 = arith.constant 1 : i32
      %select_n3A_247 = arith.select %eq3A_245, %jit3A_246, %jit3A_243 : i32
      %rem3A_248 = arith.remsi %scan3A_212, %select_n3A_247 : i32
      %ne3A_249 = arith.constant 0 : i32
      %ne3A_250 = arith.cmpi ne, %rem3A_248, %ne3A_249 : i32
      %lt3A_251 = arith.constant 0 : i32
      %lt3A_252 = arith.cmpi slt, %rem3A_248, %lt3A_251 : i32
      %lt3A_253 = arith.constant 0 : i32
      %lt3A_254 = arith.cmpi slt, %select_n3A_247, %lt3A_253 : i32
      %ne3A_255 = arith.xori %lt3A_252, %lt3A_254 : i1
      %and3A_256 = arith.andi %ne3A_255, %ne3A_250 : i1
      %add3A_257 = arith.addi %rem3A_248, %select_n3A_247 : i32
      %select_n3A_258 = arith.select %and3A_256, %add3A_257, %rem3A_248 : i32
      %dma_start3A_259 = arith.constant 0 : i32
      %dma_start3A_260 = arith.constant 0 : i32
      %dma_start3A_261 = tpu.memref_slice %arg7[%select_n3A_223, %dma_start3A_259, %dma_start3A_260] : memref<3x128x128xf32, #tpu.memory_space<vmem>> -> memref<1x128x128xf32, #tpu.memory_space<vmem>>
      %dma_start3A_262 = tpu.memref_squeeze %dma_start3A_261 : memref<1x128x128xf32, #tpu.memory_space<vmem>> -> memref<128x128xf32, #tpu.memory_space<vmem>>
      %dma_start3A_263 = arith.constant 0 : i32
      %dma_start3A_264 = tpu.memref_slice %arg6[%select_n3A_258, %dma_start3A_263] : memref<4x128xi32, #tpu.memory_space<vmem>> -> memref<1x128xi32, #tpu.memory_space<vmem>>
      %dma_start3A_265 = tpu.memref_squeeze %dma_start3A_264 : memref<1x128xi32, #tpu.memory_space<vmem>> -> memref<128xi32, #tpu.memory_space<vmem>>
      %dma_start3A_266 = arith.constant 0 : i32
      %dma_start3A_267 = arith.constant 0 : i32
      %dma_start3A_268 = tpu.memref_slice %arg8[%dma_start3A_266, %dma_start3A_267] : memref<10112x128xf32, #tpu.memory_space<vmem_shared>> -> memref<10112x128xf32, #tpu.memory_space<vmem_shared>>
      tpu.enqueue_indirect_dma source(%dma_start3A_262 : memref<128x128xf32, #tpu.memory_space<vmem>>) target(%dma_start3A_268 : memref<10112x128xf32, #tpu.memory_space<vmem_shared>>) offsets(%dma_start3A_265 : memref<128xi32, #tpu.memory_space<vmem>>) semaphore(%arg11 : memref<!tpu.dma_semaphore, #tpu.memory_space<semaphore_mem>>) {add = true}
      %add3A_269 = arith.constant 2 : i32
      %add3A_270 = arith.addi %scan3A_212, %add3A_269 : i32
      %lt3A_271 = arith.constant 80 : i32
      %lt3A_272 = arith.cmpi slt, %add3A_270, %lt3A_271 : i32
      %convert_element_type3A_273 = arith.extui %lt3A_272 : i1 to i32
      %cond3A_274 = arith.constant 0 : i32
      %cond3A_275 = arith.cmpi ne, %convert_element_type3A_273, %cond3A_274 : i32
      scf.if %cond3A_275 {
        %dma_wait3A_283 = arith.constant 0 : i32
        %dma_wait3A_284 = arith.constant 0 : i32
        %dma_wait3A_285 = arith.constant 0 : i32
        %dma_wait3A_286 = arith.constant 0 : i32
        %dma_wait3A_287 = tpu.memref_slice %arg5[%dma_wait3A_285, %dma_wait3A_286] : memref<3x128xi32, #tpu.memory_space<vmem>> -> memref<1x128xi32, #tpu.memory_space<vmem>>
        %dma_wait3A_288 = tpu.memref_squeeze %dma_wait3A_287 : memref<1x128xi32, #tpu.memory_space<vmem>> -> memref<128xi32, #tpu.memory_space<vmem>>
        %dma_wait3A_289 = arith.constant 0 : i32
        %dma_wait3A_290 = tpu.memref_slice %arg3[%add3A, %dma_wait3A_283, %dma_wait3A_284, %dma_wait3A_289] : memref<32x2x80x128xi32, #tpu.memory_space<hbm>> -> memref<1x1x1x128xi32, #tpu.memory_space<hbm>>
        %dma_wait3A_291 = tpu.memref_squeeze %dma_wait3A_290 : memref<1x1x1x128xi32, #tpu.memory_space<hbm>> -> memref<128xi32, #tpu.memory_space<hbm>>
        %dma_wait3A_292 = arith.constant 0 : i32
        %dma_wait3A_293 = tpu.memref_slice %arg5[%dma_wait3A_285, %dma_wait3A_292] : memref<3x128xi32, #tpu.memory_space<vmem>> -> memref<1x128xi32, #tpu.memory_space<vmem>>
        %dma_wait3A_294 = tpu.memref_squeeze %dma_wait3A_293 : memref<1x128xi32, #tpu.memory_space<vmem>> -> memref<128xi32, #tpu.memory_space<vmem>>
        %dma_wait3A_295 = arith.constant 0 : i32
        %dma_wait3A_296 = tpu.memref_slice %arg3[%add3A, %dma_wait3A_283, %dma_wait3A_284, %dma_wait3A_295] : memref<32x2x80x128xi32, #tpu.memory_space<hbm>> -> memref<1x1x1x128xi32, #tpu.memory_space<hbm>>
        %dma_wait3A_297 = tpu.memref_squeeze %dma_wait3A_296 : memref<1x1x1x128xi32, #tpu.memory_space<hbm>> -> memref<128xi32, #tpu.memory_space<hbm>>
        tpu.wait_dma2 semaphore(%arg9 : memref<!tpu.dma_semaphore, #tpu.memory_space<semaphore_mem>>) src(%dma_wait3A_297 : memref<128xi32, #tpu.memory_space<hbm>>) dst(%dma_wait3A_294 : memref<128xi32, #tpu.memory_space<vmem>>)
        %dma_wait3A_298 = arith.constant 0 : i32
        %dma_wait3A_299 = arith.constant 0 : i32
        %dma_wait3A_300 = arith.constant 0 : i32
        %dma_wait3A_301 = arith.constant 0 : i32
        %dma_wait3A_302 = tpu.memref_slice %arg5[%dma_wait3A_300, %dma_wait3A_301] : memref<3x128xi32, #tpu.memory_space<vmem>> -> memref<1x128xi32, #tpu.memory_space<vmem>>
        %dma_wait3A_303 = tpu.memref_squeeze %dma_wait3A_302 : memref<1x128xi32, #tpu.memory_space<vmem>> -> memref<128xi32, #tpu.memory_space<vmem>>
        %dma_wait3A_304 = arith.constant 0 : i32
        %dma_wait3A_305 = tpu.memref_slice %arg3[%add3A, %dma_wait3A_298, %dma_wait3A_299, %dma_wait3A_304] : memref<32x2x80x128xi32, #tpu.memory_space<hbm>> -> memref<1x1x1x128xi32, #tpu.memory_space<hbm>>
        %dma_wait3A_306 = tpu.memref_squeeze %dma_wait3A_305 : memref<1x1x1x128xi32, #tpu.memory_space<hbm>> -> memref<128xi32, #tpu.memory_space<hbm>>
        %dma_wait3A_307 = arith.constant 0 : i32
        %dma_wait3A_308 = tpu.memref_slice %arg5[%dma_wait3A_300, %dma_wait3A_307] : memref<3x128xi32, #tpu.memory_space<vmem>> -> memref<1x128xi32, #tpu.memory_space<vmem>>
        %dma_wait3A_309 = tpu.memref_squeeze %dma_wait3A_308 : memref<1x128xi32, #tpu.memory_space<vmem>> -> memref<128xi32, #tpu.memory_space<vmem>>
        %dma_wait3A_310 = arith.constant 0 : i32
        %dma_wait3A_311 = tpu.memref_slice %arg3[%add3A, %dma_wait3A_298, %dma_wait3A_299, %dma_wait3A_310] : memref<32x2x80x128xi32, #tpu.memory_space<hbm>> -> memref<1x1x1x128xi32, #tpu.memory_space<hbm>>
        %dma_wait3A_312 = tpu.memref_squeeze %dma_wait3A_311 : memref<1x1x1x128xi32, #tpu.memory_space<hbm>> -> memref<128xi32, #tpu.memory_space<hbm>>
        tpu.wait_dma2 semaphore(%arg9 : memref<!tpu.dma_semaphore, #tpu.memory_space<semaphore_mem>>) src(%dma_wait3A_312 : memref<128xi32, #tpu.memory_space<hbm>>) dst(%dma_wait3A_309 : memref<128xi32, #tpu.memory_space<vmem>>)
        %add3A_313 = arith.constant 2 : i32
        %add3A_314 = arith.addi %scan3A_212, %add3A_313 : i32
        %jit3A_315 = arith.constant 3 : i32
        %eq3A_316 = arith.constant 0 : i32
        %eq3A_317 = arith.cmpi eq, %jit3A_315, %eq3A_316 : i32
        %jit3A_318 = arith.constant 1 : i32
        %select_n3A_319 = arith.select %eq3A_317, %jit3A_318, %jit3A_315 : i32
        %rem3A_320 = arith.remsi %add3A_314, %select_n3A_319 : i32
        %ne3A_321 = arith.constant 0 : i32
        %ne3A_322 = arith.cmpi ne, %rem3A_320, %ne3A_321 : i32
        %lt3A_323 = arith.constant 0 : i32
        %lt3A_324 = arith.cmpi slt, %rem3A_320, %lt3A_323 : i32
        %lt3A_325 = arith.constant 0 : i32
        %lt3A_326 = arith.cmpi slt, %select_n3A_319, %lt3A_325 : i32
        %ne3A_327 = arith.xori %lt3A_324, %lt3A_326 : i1
        %and3A_328 = arith.andi %ne3A_327, %ne3A_322 : i1
        %add3A_329 = arith.addi %rem3A_320, %select_n3A_319 : i32
        %select_n3A_330 = arith.select %and3A_328, %add3A_329, %rem3A_320 : i32
        %add3A_331 = arith.constant 2 : i32
        %add3A_332 = arith.addi %scan3A_212, %add3A_331 : i32
        %jit3A_333 = arith.constant 3 : i32
        %eq3A_334 = arith.constant 0 : i32
        %eq3A_335 = arith.cmpi eq, %jit3A_333, %eq3A_334 : i32
        %jit3A_336 = arith.constant 1 : i32
        %select_n3A_337 = arith.select %eq3A_335, %jit3A_336, %jit3A_333 : i32
        %rem3A_338 = arith.remsi %add3A_332, %select_n3A_337 : i32
        %ne3A_339 = arith.constant 0 : i32
        %ne3A_340 = arith.cmpi ne, %rem3A_338, %ne3A_339 : i32
        %lt3A_341 = arith.constant 0 : i32
        %lt3A_342 = arith.cmpi slt, %rem3A_338, %lt3A_341 : i32
        %lt3A_343 = arith.constant 0 : i32
        %lt3A_344 = arith.cmpi slt, %select_n3A_337, %lt3A_343 : i32
        %ne3A_345 = arith.xori %lt3A_342, %lt3A_344 : i1
        %and3A_346 = arith.andi %ne3A_345, %ne3A_340 : i1
        %add3A_347 = arith.addi %rem3A_338, %select_n3A_337 : i32
        %select_n3A_348 = arith.select %and3A_346, %add3A_347, %rem3A_338 : i32
        %dma_start3A_349 = arith.constant 0 : i32
        %dma_start3A_350 = arith.constant 0 : i32
        %dma_start3A_351 = tpu.memref_slice %arg7[%select_n3A_348, %dma_start3A_349, %dma_start3A_350] : memref<3x128x128xf32, #tpu.memory_space<vmem>> -> memref<1x128x128xf32, #tpu.memory_space<vmem>>
        %dma_start3A_352 = tpu.memref_squeeze %dma_start3A_351 : memref<1x128x128xf32, #tpu.memory_space<vmem>> -> memref<128x128xf32, #tpu.memory_space<vmem>>
        %dma_start3A_353 = arith.constant 0 : i32
        %dma_start3A_354 = tpu.memref_slice %arg5[%select_n3A_330, %dma_start3A_353] : memref<3x128xi32, #tpu.memory_space<vmem>> -> memref<1x128xi32, #tpu.memory_space<vmem>>
        %dma_start3A_355 = tpu.memref_squeeze %dma_start3A_354 : memref<1x128xi32, #tpu.memory_space<vmem>> -> memref<128xi32, #tpu.memory_space<vmem>>
        %dma_start3A_356 = arith.constant 0 : i32
        %dma_start3A_357 = arith.constant 0 : i32
        %dma_start3A_358 = tpu.memref_slice %arg2[%dma_start3A_356, %dma_start3A_357] : memref<10112x128xf32, #tpu.memory_space<hbm>> -> memref<10112x128xf32, #tpu.memory_space<hbm>>
        tpu.enqueue_indirect_dma source(%dma_start3A_358 : memref<10112x128xf32, #tpu.memory_space<hbm>>) target(%dma_start3A_352 : memref<128x128xf32, #tpu.memory_space<vmem>>) offsets(%dma_start3A_355 : memref<128xi32, #tpu.memory_space<vmem>>) semaphore(%arg10 : memref<!tpu.dma_semaphore, #tpu.memory_space<semaphore_mem>>)
      } else {
      }
      %add3A_276 = arith.constant 3 : i32
      %add3A_277 = arith.addi %scan3A_212, %add3A_276 : i32
      %lt3A_278 = arith.constant 80 : i32
      %lt3A_279 = arith.cmpi slt, %add3A_277, %lt3A_278 : i32
      %convert_element_type3A_280 = arith.extui %lt3A_279 : i1 to i32
      %cond3A_281 = arith.constant 0 : i32
      %cond3A_282 = arith.cmpi ne, %convert_element_type3A_280, %cond3A_281 : i32
      scf.if %cond3A_282 {
        %add3A_283 = arith.constant 3 : i32
        %add3A_284 = arith.addi %scan3A_212, %add3A_283 : i32
        %jit3A_285 = arith.constant 3 : i32
        %eq3A_286 = arith.constant 0 : i32
        %eq3A_287 = arith.cmpi eq, %jit3A_285, %eq3A_286 : i32
        %jit3A_288 = arith.constant 1 : i32
        %select_n3A_289 = arith.select %eq3A_287, %jit3A_288, %jit3A_285 : i32
        %rem3A_290 = arith.remsi %add3A_284, %select_n3A_289 : i32
        %ne3A_291 = arith.constant 0 : i32
        %ne3A_292 = arith.cmpi ne, %rem3A_290, %ne3A_291 : i32
        %lt3A_293 = arith.constant 0 : i32
        %lt3A_294 = arith.cmpi slt, %rem3A_290, %lt3A_293 : i32
        %lt3A_295 = arith.constant 0 : i32
        %lt3A_296 = arith.cmpi slt, %select_n3A_289, %lt3A_295 : i32
        %ne3A_297 = arith.xori %lt3A_294, %lt3A_296 : i1
        %and3A_298 = arith.andi %ne3A_297, %ne3A_292 : i1
        %add3A_299 = arith.addi %rem3A_290, %select_n3A_289 : i32
        %select_n3A_300 = arith.select %and3A_298, %add3A_299, %rem3A_290 : i32
        %dma_start3A_301 = arith.constant 0 : i32
        %dma_start3A_302 = arith.constant 0 : i32
        %dma_start3A_303 = tpu.memref_slice %arg5[%select_n3A_300, %dma_start3A_302] : memref<3x128xi32, #tpu.memory_space<vmem>> -> memref<1x128xi32, #tpu.memory_space<vmem>>
        %dma_start3A_304 = tpu.memref_squeeze %dma_start3A_303 : memref<1x128xi32, #tpu.memory_space<vmem>> -> memref<128xi32, #tpu.memory_space<vmem>>
        %dma_start3A_305 = arith.constant 0 : i32
        %dma_start3A_306 = tpu.memref_slice %arg3[%add3A, %dma_start3A_301, %add3A_284, %dma_start3A_305] : memref<32x2x80x128xi32, #tpu.memory_space<hbm>> -> memref<1x1x1x128xi32, #tpu.memory_space<hbm>>
        %dma_start3A_307 = tpu.memref_squeeze %dma_start3A_306 : memref<1x1x1x128xi32, #tpu.memory_space<hbm>> -> memref<128xi32, #tpu.memory_space<hbm>>
        %dma_start3A_308 = arith.constant 0 : i32
        %dma_start3A_309 = tpu.memref_slice %arg5[%select_n3A_300, %dma_start3A_308] : memref<3x128xi32, #tpu.memory_space<vmem>> -> memref<1x128xi32, #tpu.memory_space<vmem>>
        %dma_start3A_310 = tpu.memref_squeeze %dma_start3A_309 : memref<1x128xi32, #tpu.memory_space<vmem>> -> memref<128xi32, #tpu.memory_space<vmem>>
        %dma_start3A_311 = arith.constant 0 : i32
        %dma_start3A_312 = tpu.memref_slice %arg3[%add3A, %dma_start3A_301, %add3A_284, %dma_start3A_311] : memref<32x2x80x128xi32, #tpu.memory_space<hbm>> -> memref<1x1x1x128xi32, #tpu.memory_space<hbm>>
        %dma_start3A_313 = tpu.memref_squeeze %dma_start3A_312 : memref<1x1x1x128xi32, #tpu.memory_space<hbm>> -> memref<128xi32, #tpu.memory_space<hbm>>
        tpu.enqueue_dma source(%dma_start3A_313 : memref<128xi32, #tpu.memory_space<hbm>>) target(%dma_start3A_310 : memref<128xi32, #tpu.memory_space<vmem>>) target_semaphore(%arg9 : memref<!tpu.dma_semaphore, #tpu.memory_space<semaphore_mem>>)
        %jit3A_314 = arith.constant 4 : i32
        %eq3A_315 = arith.constant 0 : i32
        %eq3A_316 = arith.cmpi eq, %jit3A_314, %eq3A_315 : i32
        %jit3A_317 = arith.constant 1 : i32
        %select_n3A_318 = arith.select %eq3A_316, %jit3A_317, %jit3A_314 : i32
        %rem3A_319 = arith.remsi %add3A_284, %select_n3A_318 : i32
        %ne3A_320 = arith.constant 0 : i32
        %ne3A_321 = arith.cmpi ne, %rem3A_319, %ne3A_320 : i32
        %lt3A_322 = arith.constant 0 : i32
        %lt3A_323 = arith.cmpi slt, %rem3A_319, %lt3A_322 : i32
        %lt3A_324 = arith.constant 0 : i32
        %lt3A_325 = arith.cmpi slt, %select_n3A_318, %lt3A_324 : i32
        %ne3A_326 = arith.xori %lt3A_323, %lt3A_325 : i1
        %and3A_327 = arith.andi %ne3A_326, %ne3A_321 : i1
        %add3A_328 = arith.addi %rem3A_319, %select_n3A_318 : i32
        %select_n3A_329 = arith.select %and3A_327, %add3A_328, %rem3A_319 : i32
        %dma_start3A_330 = arith.constant 1 : i32
        %dma_start3A_331 = arith.constant 0 : i32
        %dma_start3A_332 = tpu.memref_slice %arg6[%select_n3A_329, %dma_start3A_331] : memref<4x128xi32, #tpu.memory_space<vmem>> -> memref<1x128xi32, #tpu.memory_space<vmem>>
        %dma_start3A_333 = tpu.memref_squeeze %dma_start3A_332 : memref<1x128xi32, #tpu.memory_space<vmem>> -> memref<128xi32, #tpu.memory_space<vmem>>
        %dma_start3A_334 = arith.constant 0 : i32
        %dma_start3A_335 = tpu.memref_slice %arg3[%add3A, %dma_start3A_330, %add3A_284, %dma_start3A_334] : memref<32x2x80x128xi32, #tpu.memory_space<hbm>> -> memref<1x1x1x128xi32, #tpu.memory_space<hbm>>
        %dma_start3A_336 = tpu.memref_squeeze %dma_start3A_335 : memref<1x1x1x128xi32, #tpu.memory_space<hbm>> -> memref<128xi32, #tpu.memory_space<hbm>>
        %dma_start3A_337 = arith.constant 0 : i32
        %dma_start3A_338 = tpu.memref_slice %arg6[%select_n3A_329, %dma_start3A_337] : memref<4x128xi32, #tpu.memory_space<vmem>> -> memref<1x128xi32, #tpu.memory_space<vmem>>
        %dma_start3A_339 = tpu.memref_squeeze %dma_start3A_338 : memref<1x128xi32, #tpu.memory_space<vmem>> -> memref<128xi32, #tpu.memory_space<vmem>>
        %dma_start3A_340 = arith.constant 0 : i32
        %dma_start3A_341 = tpu.memref_slice %arg3[%add3A, %dma_start3A_330, %add3A_284, %dma_start3A_340] : memref<32x2x80x128xi32, #tpu.memory_space<hbm>> -> memref<1x1x1x128xi32, #tpu.memory_space<hbm>>
        %dma_start3A_342 = tpu.memref_squeeze %dma_start3A_341 : memref<1x1x1x128xi32, #tpu.memory_space<hbm>> -> memref<128xi32, #tpu.memory_space<hbm>>
        tpu.enqueue_dma source(%dma_start3A_342 : memref<128xi32, #tpu.memory_space<hbm>>) target(%dma_start3A_339 : memref<128xi32, #tpu.memory_space<vmem>>) target_semaphore(%arg9 : memref<!tpu.dma_semaphore, #tpu.memory_space<semaphore_mem>>)
      } else {
      }
    }
    %scan3A_191 = arith.constant 80 : i32
    %dma_wait3A_192 = arith.constant 0 : i32
    %dma_wait3A_193 = arith.constant 0 : i32
    %dma_wait3A_194 = arith.constant 0 : i32
    %dma_wait3A_195 = tpu.memref_slice %arg7[%dma_wait3A_192, %dma_wait3A_193, %dma_wait3A_194] : memref<3x128x128xf32, #tpu.memory_space<vmem>> -> memref<1x128x128xf32, #tpu.memory_space<vmem>>
    %dma_wait3A_196 = tpu.memref_squeeze %dma_wait3A_195 : memref<1x128x128xf32, #tpu.memory_space<vmem>> -> memref<128x128xf32, #tpu.memory_space<vmem>>
    %dma_wait3A_197 = arith.constant 0 : i32
    %dma_wait3A_198 = arith.constant 0 : i32
    %dma_wait3A_199 = tpu.memref_slice %arg2[%dma_wait3A_197, %dma_wait3A_198] : memref<10112x128xf32, #tpu.memory_space<hbm>> -> memref<128x128xf32, #tpu.memory_space<hbm>>
    %dma_wait3A_200 = arith.constant 0 : i32
    %dma_wait3A_201 = arith.constant 0 : i32
    %dma_wait3A_202 = tpu.memref_slice %arg7[%dma_wait3A_192, %dma_wait3A_200, %dma_wait3A_201] : memref<3x128x128xf32, #tpu.memory_space<vmem>> -> memref<1x128x128xf32, #tpu.memory_space<vmem>>
    %dma_wait3A_203 = tpu.memref_squeeze %dma_wait3A_202 : memref<1x128x128xf32, #tpu.memory_space<vmem>> -> memref<128x128xf32, #tpu.memory_space<vmem>>
    %dma_wait3A_204 = arith.constant 0 : i32
    %dma_wait3A_205 = arith.constant 0 : i32
    %dma_wait3A_206 = tpu.memref_slice %arg2[%dma_wait3A_204, %dma_wait3A_205] : memref<10112x128xf32, #tpu.memory_space<hbm>> -> memref<128x128xf32, #tpu.memory_space<hbm>>
    tpu.wait_dma2 semaphore(%arg11 : memref<!tpu.dma_semaphore, #tpu.memory_space<semaphore_mem>>) src(%dma_wait3A_206 : memref<128x128xf32, #tpu.memory_space<hbm>>) dst(%dma_wait3A_203 : memref<128x128xf32, #tpu.memory_space<vmem>>)
    %barrier3A_207 = arith.constant 0 : index
    tpu.barrier barrier_id(%barrier3A_207)
    %mul3A_208 = arith.constant 632 : i32
    %mul3A_209 = arith.muli %arg1, %mul3A_208 : i32
    %mul3A_210 = arith.constant 632 : i32
    %mul3A_211 = arith.muli %arg1, %mul3A_210 : i32
    "tpu.region"() ({
      %run_scoped3A = tpu.sem_alloc : memref<!tpu.dma_semaphore, #tpu.memory_space<semaphore_mem>>
      %dma_start3A_212 = arith.constant 0 : i32
      %dma_start3A_213 = tpu.memref_slice %arg4[%arg0, %mul3A_211, %dma_start3A_212] : memref<2x10112x128xf32, #tpu.memory_space<hbm>> -> memref<1x632x128xf32, #tpu.memory_space<hbm>>
      %dma_start3A_214 = tpu.memref_squeeze %dma_start3A_213 : memref<1x632x128xf32, #tpu.memory_space<hbm>> -> memref<632x128xf32, #tpu.memory_space<hbm>>
      %dma_start3A_215 = arith.constant 0 : i32
      %dma_start3A_216 = tpu.memref_slice %arg8[%mul3A_209, %dma_start3A_215] : memref<10112x128xf32, #tpu.memory_space<vmem_shared>> -> memref<632x128xf32, #tpu.memory_space<vmem_shared>>
      tpu.enqueue_dma source(%dma_start3A_216 : memref<632x128xf32, #tpu.memory_space<vmem_shared>>) target(%dma_start3A_214 : memref<632x128xf32, #tpu.memory_space<hbm>>) target_semaphore(%run_scoped3A : memref<!tpu.dma_semaphore, #tpu.memory_space<semaphore_mem>>)
      %dma_wait3A_217 = arith.constant 0 : i32
      %dma_wait3A_218 = tpu.memref_slice %arg4[%arg0, %mul3A_211, %dma_wait3A_217] : memref<2x10112x128xf32, #tpu.memory_space<hbm>> -> memref<1x632x128xf32, #tpu.memory_space<hbm>>
      %dma_wait3A_219 = tpu.memref_squeeze %dma_wait3A_218 : memref<1x632x128xf32, #tpu.memory_space<hbm>> -> memref<632x128xf32, #tpu.memory_space<hbm>>
      %dma_wait3A_220 = arith.constant 0 : i32
      %dma_wait3A_221 = tpu.memref_slice %arg8[%mul3A_209, %dma_wait3A_220] : memref<10112x128xf32, #tpu.memory_space<vmem_shared>> -> memref<632x128xf32, #tpu.memory_space<vmem_shared>>
      tpu.wait_dma2 semaphore(%run_scoped3A : memref<!tpu.dma_semaphore, #tpu.memory_space<semaphore_mem>>) src(%dma_wait3A_221 : memref<632x128xf32, #tpu.memory_space<vmem_shared>>) dst(%dma_wait3A_219 : memref<632x128xf32, #tpu.memory_space<hbm>>)
      tpu.yield
    }) : () -> ()
    return
  }
}

module attributes {stable_mosaic.version = 14 : i64} {
  func.func @_tc1_body(%arg0: memref<10112x128xf32, #tpu.memory_space<vmem>>, %arg1: memref<128x128xf32, #tpu.memory_space<vmem>>, %arg2: memref<2x10240xf32, #tpu.memory_space<vmem>>, %arg3: memref<10112x128xf32, #tpu.memory_space<vmem>>, %arg4: memref<10112x1xf32, #tpu.memory_space<vmem>>) attributes {dimension_semantics = [], scalar_prefetch = 0 : i64, scratch_operands = 0 : i64, tpu.core_type = #tpu.core_type<tc>} {
    %get3A = arith.constant 0 : index
    %get3A_0 = arith.constant 0 : index
    %get3A_1 = vector.load %arg2[%get3A, %get3A_0] : memref<2x10240xf32, #tpu.memory_space<vmem>>, vector<1x10112xf32>
    %get3A_2 = vector.shape_cast %get3A_1 : vector<1x10112xf32> to vector<10112xf32>
    %get3A_3 = arith.constant 1 : index
    %get3A_4 = arith.constant 0 : index
    %get3A_5 = vector.load %arg2[%get3A_3, %get3A_4] : memref<2x10240xf32, #tpu.memory_space<vmem>>, vector<1x10112xf32>
    %get3A_6 = vector.shape_cast %get3A_5 : vector<1x10112xf32> to vector<10112xf32>
    %add3A = arith.addf %get3A_2, %get3A_6 : vector<10112xf32>
    %add3A_7 = arith.constant 1.000000e+00 : f32
    %add3A_8 = vector.broadcast %add3A_7 : f32 to vector<10112xf32>
    %add3A_9 = arith.addf %add3A, %add3A_8 : vector<10112xf32>
    %rsqrt3A = math.rsqrt %add3A_9 : vector<10112xf32>
    %broadcast_in_dim3A = vector.shape_cast %rsqrt3A : vector<10112xf32> to vector<10112x1xf32>
    %get3A_10 = arith.constant 0 : index
    %get3A_11 = arith.constant 0 : index
    %get3A_12 = vector.load %arg0[%get3A_10, %get3A_11] : memref<10112x128xf32, #tpu.memory_space<vmem>>, vector<10112x128xf32>
    %get3A_13 = arith.constant 0 : index
    %get3A_14 = arith.constant 0 : index
    %get3A_15 = vector.load %arg1[%get3A_13, %get3A_14] : memref<128x128xf32, #tpu.memory_space<vmem>>, vector<128x128xf32>
    %dot_general3A = arith.constant dense<0.000000e+00> : vector<10112x128xf32>
    %dot_general3A_16 = tpu.matmul %get3A_12, %get3A_15, %dot_general3A {dimension_numbers = #tpu.dot_dimension_numbers<[1], [0], [0], [1], [0, 0, 1, 1], [], []>, transpose_lhs_hint = false} : vector<10112x128xf32>, vector<128x128xf32>, vector<10112x128xf32> -> vector<10112x128xf32>
    %mul3A = vector.broadcast %broadcast_in_dim3A : vector<10112x1xf32> to vector<10112x128xf32>
    %mul3A_17 = arith.mulf %dot_general3A_16, %mul3A : vector<10112x128xf32>
    %swap3A = arith.constant 0 : index
    %swap3A_18 = arith.constant 0 : index
    %swap3A_19 = vector.load %arg3[%swap3A, %swap3A_18] : memref<10112x128xf32, #tpu.memory_space<vmem>>, vector<10112x128xf32>
    tpu.vector_store %arg3[%swap3A, %swap3A_18], %mul3A_17 {strides = array<i32>} : memref<10112x128xf32, #tpu.memory_space<vmem>>, vector<10112x128xf32>,
    %swap3A_20 = arith.constant 0 : index
    %swap3A_21 = arith.constant 0 : index
    %swap3A_22 = vector.load %arg4[%swap3A_20, %swap3A_21] : memref<10112x1xf32, #tpu.memory_space<vmem>>, vector<10112x1xf32>
    tpu.vector_store %arg4[%swap3A_20, %swap3A_21], %broadcast_in_dim3A {strides = array<i32>} : memref<10112x1xf32, #tpu.memory_space<vmem>>, vector<10112x1xf32>,
    return
  }
}

module attributes {stable_mosaic.version = 14 : i64} {
  func.func @_tc2_body(%arg0: memref<2x10112x128xf32, #tpu.memory_space<vmem>>, %arg1: memref<10112x1xf32, #tpu.memory_space<vmem>>, %arg2: memref<1x128xf32, #tpu.memory_space<vmem>>, %arg3: memref<128x128xf32, #tpu.memory_space<vmem>>, %arg4: memref<10112x128xf32, #tpu.memory_space<vmem>>) attributes {dimension_semantics = [], scalar_prefetch = 0 : i64, scratch_operands = 0 : i64, tpu.core_type = #tpu.core_type<tc>} {
    %get3A = arith.constant 0 : index
    %get3A_0 = arith.constant 0 : index
    %get3A_1 = arith.constant 0 : index
    %get3A_2 = vector.load %arg0[%get3A, %get3A_0, %get3A_1] : memref<2x10112x128xf32, #tpu.memory_space<vmem>>, vector<1x10112x128xf32>
    %get3A_3 = vector.shape_cast %get3A_2 : vector<1x10112x128xf32> to vector<10112x128xf32>
    %get3A_4 = arith.constant 1 : index
    %get3A_5 = arith.constant 0 : index
    %get3A_6 = arith.constant 0 : index
    %get3A_7 = vector.load %arg0[%get3A_4, %get3A_5, %get3A_6] : memref<2x10112x128xf32, #tpu.memory_space<vmem>>, vector<1x10112x128xf32>
    %get3A_8 = vector.shape_cast %get3A_7 : vector<1x10112x128xf32> to vector<10112x128xf32>
    %add3A = arith.addf %get3A_3, %get3A_8 : vector<10112x128xf32>
    %get3A_9 = arith.constant 0 : index
    %get3A_10 = arith.constant 0 : index
    %get3A_11 = vector.load %arg1[%get3A_9, %get3A_10] : memref<10112x1xf32, #tpu.memory_space<vmem>>, vector<10112x1xf32>
    %mul3A = vector.broadcast %get3A_11 : vector<10112x1xf32> to vector<10112x128xf32>
    %mul3A_12 = arith.mulf %add3A, %mul3A : vector<10112x128xf32>
    %get3A_13 = arith.constant 0 : index
    %get3A_14 = arith.constant 0 : index
    %get3A_15 = vector.load %arg2[%get3A_13, %get3A_14] : memref<1x128xf32, #tpu.memory_space<vmem>>, vector<1x128xf32>
    %add3A_16 = vector.broadcast %get3A_15 : vector<1x128xf32> to vector<10112x128xf32>
    %add3A_17 = arith.addf %mul3A_12, %add3A_16 : vector<10112x128xf32>
    %max3A = arith.constant 0.000000e+00 : f32
    %max3A_18 = vector.broadcast %max3A : f32 to vector<10112x128xf32>
    %max3A_19 = arith.maximumf %add3A_17, %max3A_18 : vector<10112x128xf32>
    %get3A_20 = arith.constant 0 : index
    %get3A_21 = arith.constant 0 : index
    %get3A_22 = vector.load %arg3[%get3A_20, %get3A_21] : memref<128x128xf32, #tpu.memory_space<vmem>>, vector<128x128xf32>
    %dot_general3A = arith.constant dense<0.000000e+00> : vector<10112x128xf32>
    %dot_general3A_23 = tpu.matmul %max3A_19, %get3A_22, %dot_general3A {dimension_numbers = #tpu.dot_dimension_numbers<[1], [0], [0], [1], [0, 0, 1, 1], [], []>, transpose_lhs_hint = false} : vector<10112x128xf32>, vector<128x128xf32>, vector<10112x128xf32> -> vector<10112x128xf32>
    %mul3A_24 = vector.broadcast %get3A_11 : vector<10112x1xf32> to vector<10112x128xf32>
    %mul3A_25 = arith.mulf %dot_general3A_23, %mul3A_24 : vector<10112x128xf32>
    %swap3A = arith.constant 0 : index
    %swap3A_26 = arith.constant 0 : index
    %swap3A_27 = vector.load %arg4[%swap3A, %swap3A_26] : memref<10112x128xf32, #tpu.memory_space<vmem>>, vector<10112x128xf32>
    tpu.vector_store %arg4[%swap3A, %swap3A_26], %mul3A_25 {strides = array<i32>} : memref<10112x128xf32, #tpu.memory_space<vmem>>, vector<10112x128xf32>,
    return
  }
}

module attributes {stable_mosaic.version = 14 : i64} {
  func.func @_tc3_body(%arg0: memref<2x10112x128xf32, #tpu.memory_space<vmem>>, %arg1: memref<10112x1xf32, #tpu.memory_space<vmem>>, %arg2: memref<1x128xf32, #tpu.memory_space<vmem>>, %arg3: memref<128x128xf32, #tpu.memory_space<vmem>>, %arg4: memref<1x128xf32, #tpu.memory_space<vmem>>, %arg5: memref<128x16xf32, #tpu.memory_space<vmem>>, %arg6: memref<1x16xf32, #tpu.memory_space<vmem>>, %arg7: memref<128x8xf32, #tpu.memory_space<vmem>>, %arg8: memref<1x8xf32, #tpu.memory_space<vmem>>, %arg9: memref<128x6xf32, #tpu.memory_space<vmem>>, %arg10: memref<1x6xf32, #tpu.memory_space<vmem>>, %arg11: memref<128x15xf32, #tpu.memory_space<vmem>>, %arg12: memref<1x15xf32, #tpu.memory_space<vmem>>, %arg13: memref<1x16xf32, #tpu.memory_space<vmem>>, %arg14: memref<1x8xf32, #tpu.memory_space<vmem>>, %arg15: memref<1x6xf32, #tpu.memory_space<vmem>>, %arg16: memref<1x15xf32, #tpu.memory_space<vmem>>) attributes {dimension_semantics = [], scalar_prefetch = 0 : i64, scratch_operands = 0 : i64, tpu.core_type = #tpu.core_type<tc>} {
    %get3A = arith.constant 0 : index
    %get3A_0 = arith.constant 0 : index
    %get3A_1 = arith.constant 0 : index
    %get3A_2 = vector.load %arg0[%get3A, %get3A_0, %get3A_1] : memref<2x10112x128xf32, #tpu.memory_space<vmem>>, vector<1x10112x128xf32>
    %get3A_3 = vector.shape_cast %get3A_2 : vector<1x10112x128xf32> to vector<10112x128xf32>
    %get3A_4 = arith.constant 1 : index
    %get3A_5 = arith.constant 0 : index
    %get3A_6 = arith.constant 0 : index
    %get3A_7 = vector.load %arg0[%get3A_4, %get3A_5, %get3A_6] : memref<2x10112x128xf32, #tpu.memory_space<vmem>>, vector<1x10112x128xf32>
    %get3A_8 = vector.shape_cast %get3A_7 : vector<1x10112x128xf32> to vector<10112x128xf32>
    %add3A = arith.addf %get3A_3, %get3A_8 : vector<10112x128xf32>
    %get3A_9 = arith.constant 0 : index
    %get3A_10 = arith.constant 0 : index
    %get3A_11 = vector.load %arg1[%get3A_9, %get3A_10] : memref<10112x1xf32, #tpu.memory_space<vmem>>, vector<10112x1xf32>
    %mul3A = vector.broadcast %get3A_11 : vector<10112x1xf32> to vector<10112x128xf32>
    %mul3A_12 = arith.mulf %add3A, %mul3A : vector<10112x128xf32>
    %get3A_13 = arith.constant 0 : index
    %get3A_14 = arith.constant 0 : index
    %get3A_15 = vector.load %arg2[%get3A_13, %get3A_14] : memref<1x128xf32, #tpu.memory_space<vmem>>, vector<1x128xf32>
    %add3A_16 = vector.broadcast %get3A_15 : vector<1x128xf32> to vector<10112x128xf32>
    %add3A_17 = arith.addf %mul3A_12, %add3A_16 : vector<10112x128xf32>
    %max3A = arith.constant 0.000000e+00 : f32
    %max3A_18 = vector.broadcast %max3A : f32 to vector<10112x128xf32>
    %max3A_19 = arith.maximumf %add3A_17, %max3A_18 : vector<10112x128xf32>
    %slice3A = vector.extract_strided_slice %max3A_19 {offsets = [0, 0], sizes = [10000, 128], strides = [1, 1]} : vector<10112x128xf32> to vector<10000x128xf32>
    %reduce_sum3A = arith.constant dense<0.000000e+00> : vector<128xf32>
    %reduce_sum3A_20 = vector.multi_reduction <add>, %slice3A, %reduce_sum3A [0] : vector<10000x128xf32> to vector<128xf32>
    %broadcast_in_dim3A = vector.shape_cast %reduce_sum3A_20 : vector<128xf32> to vector<1x128xf32>
    %mul3A_21 = arith.constant 9.99999974E-5 : f32
    %mul3A_22 = vector.broadcast %mul3A_21 : f32 to vector<1x128xf32>
    %mul3A_23 = arith.mulf %broadcast_in_dim3A, %mul3A_22 : vector<1x128xf32>
    %get3A_24 = arith.constant 0 : index
    %get3A_25 = arith.constant 0 : index
    %get3A_26 = vector.load %arg3[%get3A_24, %get3A_25] : memref<128x128xf32, #tpu.memory_space<vmem>>, vector<128x128xf32>
    %dot_general3A = arith.constant dense<0.000000e+00> : vector<1x128xf32>
    %dot_general3A_27 = tpu.matmul %mul3A_23, %get3A_26, %dot_general3A {dimension_numbers = #tpu.dot_dimension_numbers<[1], [0], [0], [1], [0, 0, 1, 1], [], []>, transpose_lhs_hint = false} : vector<1x128xf32>, vector<128x128xf32>, vector<1x128xf32> -> vector<1x128xf32>
    %get3A_28 = arith.constant 0 : index
    %get3A_29 = arith.constant 0 : index
    %get3A_30 = vector.load %arg4[%get3A_28, %get3A_29] : memref<1x128xf32, #tpu.memory_space<vmem>>, vector<1x128xf32>
    %add3A_31 = arith.addf %dot_general3A_27, %get3A_30 : vector<1x128xf32>
    %max3A_32 = arith.constant 0.000000e+00 : f32
    %max3A_33 = vector.broadcast %max3A_32 : f32 to vector<1x128xf32>
    %max3A_34 = arith.maximumf %add3A_31, %max3A_33 : vector<1x128xf32>
    %get3A_35 = arith.constant 0 : index
    %get3A_36 = arith.constant 0 : index
    %get3A_37 = vector.load %arg5[%get3A_35, %get3A_36] : memref<128x16xf32, #tpu.memory_space<vmem>>, vector<128x16xf32>
    %dot_general3A_38 = arith.constant dense<0.000000e+00> : vector<1x16xf32>
    %dot_general3A_39 = tpu.matmul %max3A_34, %get3A_37, %dot_general3A_38 {dimension_numbers = #tpu.dot_dimension_numbers<[1], [0], [0], [1], [0, 0, 1, 1], [], []>, transpose_lhs_hint = false} : vector<1x128xf32>, vector<128x16xf32>, vector<1x16xf32> -> vector<1x16xf32>
    %get3A_40 = arith.constant 0 : index
    %get3A_41 = arith.constant 0 : index
    %get3A_42 = vector.load %arg6[%get3A_40, %get3A_41] : memref<1x16xf32, #tpu.memory_space<vmem>>, vector<1x16xf32>
    %add3A_43 = arith.addf %dot_general3A_39, %get3A_42 : vector<1x16xf32>
    %swap3A = arith.constant 0 : index
    %swap3A_44 = arith.constant 0 : index
    %swap3A_45 = vector.load %arg13[%swap3A, %swap3A_44] : memref<1x16xf32, #tpu.memory_space<vmem>>, vector<1x16xf32>
    tpu.vector_store %arg13[%swap3A, %swap3A_44], %add3A_43 {strides = array<i32>} : memref<1x16xf32, #tpu.memory_space<vmem>>, vector<1x16xf32>,
    %get3A_46 = arith.constant 0 : index
    %get3A_47 = arith.constant 0 : index
    %get3A_48 = vector.load %arg7[%get3A_46, %get3A_47] : memref<128x8xf32, #tpu.memory_space<vmem>>, vector<128x8xf32>
    %dot_general3A_49 = arith.constant dense<0.000000e+00> : vector<1x8xf32>
    %dot_general3A_50 = tpu.matmul %max3A_34, %get3A_48, %dot_general3A_49 {dimension_numbers = #tpu.dot_dimension_numbers<[1], [0], [0], [1], [0, 0, 1, 1], [], []>, transpose_lhs_hint = false} : vector<1x128xf32>, vector<128x8xf32>, vector<1x8xf32> -> vector<1x8xf32>
    %get3A_51 = arith.constant 0 : index
    %get3A_52 = arith.constant 0 : index
    %get3A_53 = vector.load %arg8[%get3A_51, %get3A_52] : memref<1x8xf32, #tpu.memory_space<vmem>>, vector<1x8xf32>
    %add3A_54 = arith.addf %dot_general3A_50, %get3A_53 : vector<1x8xf32>
    %swap3A_55 = arith.constant 0 : index
    %swap3A_56 = arith.constant 0 : index
    %swap3A_57 = vector.load %arg14[%swap3A_55, %swap3A_56] : memref<1x8xf32, #tpu.memory_space<vmem>>, vector<1x8xf32>
    tpu.vector_store %arg14[%swap3A_55, %swap3A_56], %add3A_54 {strides = array<i32>} : memref<1x8xf32, #tpu.memory_space<vmem>>, vector<1x8xf32>,
    %get3A_58 = arith.constant 0 : index
    %get3A_59 = arith.constant 0 : index
    %get3A_60 = vector.load %arg9[%get3A_58, %get3A_59] : memref<128x6xf32, #tpu.memory_space<vmem>>, vector<128x6xf32>
    %dot_general3A_61 = arith.constant dense<0.000000e+00> : vector<1x6xf32>
    %dot_general3A_62 = tpu.matmul %max3A_34, %get3A_60, %dot_general3A_61 {dimension_numbers = #tpu.dot_dimension_numbers<[1], [0], [0], [1], [0, 0, 1, 1], [], []>, transpose_lhs_hint = false} : vector<1x128xf32>, vector<128x6xf32>, vector<1x6xf32> -> vector<1x6xf32>
    %get3A_63 = arith.constant 0 : index
    %get3A_64 = arith.constant 0 : index
    %get3A_65 = vector.load %arg10[%get3A_63, %get3A_64] : memref<1x6xf32, #tpu.memory_space<vmem>>, vector<1x6xf32>
    %add3A_66 = arith.addf %dot_general3A_62, %get3A_65 : vector<1x6xf32>
    %swap3A_67 = arith.constant 0 : index
    %swap3A_68 = arith.constant 0 : index
    %swap3A_69 = vector.load %arg15[%swap3A_67, %swap3A_68] : memref<1x6xf32, #tpu.memory_space<vmem>>, vector<1x6xf32>
    tpu.vector_store %arg15[%swap3A_67, %swap3A_68], %add3A_66 {strides = array<i32>} : memref<1x6xf32, #tpu.memory_space<vmem>>, vector<1x6xf32>,
    %get3A_70 = arith.constant 0 : index
    %get3A_71 = arith.constant 0 : index
    %get3A_72 = vector.load %arg11[%get3A_70, %get3A_71] : memref<128x15xf32, #tpu.memory_space<vmem>>, vector<128x15xf32>
    %dot_general3A_73 = arith.constant dense<0.000000e+00> : vector<1x15xf32>
    %dot_general3A_74 = tpu.matmul %max3A_34, %get3A_72, %dot_general3A_73 {dimension_numbers = #tpu.dot_dimension_numbers<[1], [0], [0], [1], [0, 0, 1, 1], [], []>, transpose_lhs_hint = false} : vector<1x128xf32>, vector<128x15xf32>, vector<1x15xf32> -> vector<1x15xf32>
    %get3A_75 = arith.constant 0 : index
    %get3A_76 = arith.constant 0 : index
    %get3A_77 = vector.load %arg12[%get3A_75, %get3A_76] : memref<1x15xf32, #tpu.memory_space<vmem>>, vector<1x15xf32>
    %add3A_78 = arith.addf %dot_general3A_74, %get3A_77 : vector<1x15xf32>
    %swap3A_79 = arith.constant 0 : index
    %swap3A_80 = arith.constant 0 : index
    %swap3A_81 = vector.load %arg16[%swap3A_79, %swap3A_80] : memref<1x15xf32, #tpu.memory_space<vmem>>, vector<1x15xf32>
    tpu.vector_store %arg16[%swap3A_79, %swap3A_80], %add3A_78 {strides = array<i32>} : memref<1x15xf32, #tpu.memory_space<vmem>>, vector<1x15xf32>,
    return
  }
}

</mosaic_0001>

<sc_bundles>
// kernel: kernel.11.cloned.1.call-start
scs
__scs_entry_jumppad:
0x0: {  	(pc) =	sbr.rel $0x88, $3  }
0x1: {  	(tag) =	ssettag $0x0;
	lr =	simm.s32 $0x1  }
0x2: {  	[smem:$0x3F91] =	sst lr;
	_ =	strace $0xD0000000  }
0x3: {  	_ = 	snop  }
0x4: {  	_ = 	snop  }
0x5: {  	_ = 	snop  }
0x6: {  	_ = 	snop  }
0x7: {  	_ = 	snop  }
__scs_overlays_trampoline_lowered:
0x8: {  	[smem:$0x3FA0] =	sst s0  }
0x9: {  	[smem:$0x3FA1] =	sst s1  }
0xa: {  	[smem:$0x3FA2] =	sst s2  }
0xb: {  	[smem:$0x3FA3] =	sst s3  }
0xc: {  	[smem:$0x3FA4] =	sst s4  }
0xd: {  	[smem:$0x3FA5] =	sst s5  }
0xe: {  	[smem:$0x3FA6] =	sst s6  }
0xf: {  	[smem:$0x3FA7] =	sst s7  }
0x10: {  	[smem:$0x3FA8] =	sst s8  }
0x11: {  	[smem:$0x3FA9] =	sst s9;
	s0 =	simm.s32 @!p0 $0x0  }
0x12: {  	s1 =	sld [smem:$0x3F8F];
	s0 =	simm.s32 @p0 $0x1  }
0x13: {  	[smem:$0x3FAA] =	sst s0;
	s0 =	simm.s32 @!p1 $0x0  }
0x14: {  	s2 =	sld [smem:$0x3F8E];
	s0 =	simm.s32 @p1 $0x1  }
0x15: {  	[smem:$0x3FAB] =	sst s0;
	s0 =	simm.s32 @!p2 $0x0  }
0x16: {  	s3 =	sld [smem:$0x3FDB];
	s0 =	simm.s32 @p2 $0x1  }
0x17: {  	s4 =	simm.s32 $0x1BF5;
	[smem:$0x3FAD] =	sst s0  }
0x18: {  	s0 =	sld [smem:$0x3F90];
	_ =	swait.ge [sflag:s4], $0x0  }
0x19: {  	s7 =	sld [smem:$0x3F91]  }
0x1a: {  	s8 =	sadd.s32 $0xFFFFE003, lr  }
0x1b: {  	s9 =	sadd.s32 $0xFFFFFEF7, lr;
	s5 =	simm.s32 $0xFFFFFFFF;
	p2 =	slt.u32 s8, $0xFFFFF086  }
0x1c: {  	p1 =	slt.u32 s9, $0xF7A;
	s5 =	simm.s32 @!p2 $0x0  }
0x1d: {  	s5 =	simm.s32 @p1 $0x1;
	p0 =	seq.s32 s7, s2  }
0x1e: {  	s7 =	smul.u32 @!p0 $0xF7A, s2;
	p2 =	seq.s32 @!p0 s5, $0x0  }
0x1f: {  	s9 =	smul.u32 $0xF7A, s1;
	s8 =	simm.s32 @!p0 $0x1BF5;
	p2 =	por !p2, p0  }
0x20: {  	[sflag:s8] =	ssyncset.s32 @!p0 $0xFFFFF086;
	s6 =	sadd.s32 @!p0 s3, s7;
	s7 =	simm.s32 @!p0 $0x108  }
0x21: {  	s3 =	sadd.s32 s3, s9;
	s6 =	sadd.s32 @!p0 $0x88, s6;
	s7 =	simm.s32 @p2 $0x1082  }
0x22: {  	[simem:s7], [sflag:s8] =	dma.local @!p0 [hbm:s6], $0xF7A  }
0x23: {  	s9 =	sor.u32 $0xD0000000, s2;
	s6 =	simm.s32 $0x108;
	_ =	swait.ge @!p0 [sflag:s8], $0x0  }
0x24: {  	s3 =	sadd.s32 $0x88, s3;
	s6 =	simm.s32 @!p1 $0x1082;
	[sflag:s4] =	ssyncset.s32 $0xFFFFF086  }
0x25: {  	[simem:s6], [sflag:s4] =	dma.local [hbm:s3], $0xF7A  }
0x26: {  	[smem:$0x3F91] =	sst s1;
	(tag) =	ssettag s2;
	_ =	strace s9  }
0x27: {  	s1 =	sld [smem:$0x3FA1]  }
0x28: {  	s2 =	sld [smem:$0x3FA2]  }
0x29: {  	s4 =	sld [smem:$0x3FA4]  }
0x2a: {  	p0 =	seq.s32 s5, $0x0;
	s5 =	sld [smem:$0x3FA5]  }
0x2b: {  	s6 =	sld [smem:$0x3FA6]  }
0x2c: {  	s7 =	sld [smem:$0x3FA7]  }
0x2d: {  	s3 =	simm.s32 $0x108;
	s8 =	sld [smem:$0x3FA8]  }
0x2e: {  	s3 =	simm.s32 @!p0 $0x1082;
	s9 =	sld [smem:$0x3FA9]  }
0x2f: {  	lr =	sadd.s32 s0, s3;
	s0 =	sld [smem:$0x3FA0]  }
0x30: {  	s3 =	sld [smem:$0x3FA3]  }
0x31: {  	[smem:$0x3FAC] =	sst s10  }
0x32: {  	s10 =	sld [smem:$0x3FAA];
	_ =	sdelay $0x3  }
0x33: {  	p0 =	seq.s32 s10, $0x1;
	s10 =	sld [smem:$0x3FAC];
	_ =	sdelay $0x3  }
0x34: {  	[smem:$0x3FAC] =	sst s10  }
0x35: {  	s10 =	sld [smem:$0x3FAB];
	_ =	sdelay $0x3  }
0x36: {  	p1 =	seq.s32 s10, $0x1;
	s10 =	sld [smem:$0x3FAC];
	_ =	sdelay $0x3  }
0x37: {  	[smem:$0x3FAC] =	sst s10  }
0x38: {  	s10 =	sld [smem:$0x3FAD]  }
0x39: {  	_ = 	snop;
	(pc) =	sbr.ind lr, $3  }
0x3a: {  	_ = 	snop  }
0x3b: {  	_ = 	snop  }
0x3c: {  	p2 =	seq.s32 s10, $0x1;
	s10 =	sld [smem:$0x3FAC]  }
0x3d: {  	_ =	shalt  }
0x3e: {  	_ =	shalt  }
0x3f: {  	_ =	shalt  }
0x40: {  	_ =	shalt  }
0x41: {  	_ =	shalt  }
0x42: {  	_ =	shalt  }
0x43: {  	_ =	shalt  }
0x44: {  	_ =	shalt  }
0x45: {  	_ =	shalt  }
0x46: {  	_ =	shalt  }
0x47: {  	_ =	shalt  }
0x48: {  	_ =	shalt  }
0x49: {  	_ =	shalt  }
0x4a: {  	_ =	shalt  }
0x4b: {  	_ =	shalt  }
0x4c: {  	_ =	shalt  }
0x4d: {  	_ =	shalt  }
0x4e: {  	_ =	shalt  }
0x4f: {  	_ =	shalt  }
0x50: {  	_ =	shalt  }
0x51: {  	_ =	shalt  }
0x52: {  	_ =	shalt  }
0x53: {  	_ =	shalt  }
0x54: {  	_ =	shalt  }
0x55: {  	_ =	shalt  }
0x56: {  	_ =	shalt  }
0x57: {  	_ =	shalt  }
0x58: {  	_ =	shalt  }
0x59: {  	_ =	shalt  }
0x5a: {  	_ =	shalt  }
0x5b: {  	_ =	shalt  }
0x5c: {  	_ =	shalt  }
0x5d: {  	_ =	shalt  }
0x5e: {  	_ =	shalt  }
0x5f: {  	_ =	shalt  }
0x60: {  	_ =	shalt  }
0x61: {  	_ =	shalt  }
0x62: {  	_ =	shalt  }
0x63: {  	_ =	shalt  }
0x64: {  	_ =	shalt  }
0x65: {  	_ =	shalt  }
0x66: {  	_ =	shalt  }
0x67: {  	_ =	shalt  }
0x68: {  	_ =	shalt  }
0x69: {  	_ =	shalt  }
0x6a: {  	_ =	shalt  }
0x6b: {  	_ =	shalt  }
0x6c: {  	_ =	shalt  }
0x6d: {  	_ =	shalt  }
0x6e: {  	_ =	shalt  }
0x6f: {  	_ =	shalt  }
0x70: {  	_ =	shalt  }
0x71: {  	_ =	shalt  }
0x72: {  	_ =	shalt  }
0x73: {  	_ =	shalt  }
0x74: {  	_ =	shalt  }
0x75: {  	_ =	shalt  }
0x76: {  	_ =	shalt  }
0x77: {  	_ =	shalt  }
0x78: {  	_ =	shalt  }
0x79: {  	_ =	shalt  }
0x7a: {  	_ =	shalt  }
0x7b: {  	_ =	shalt  }
0x7c: {  	_ =	shalt  }
0x7d: {  	_ =	shalt  }
0x7e: {  	_ =	shalt  }
0x7f: {  	_ =	shalt  }
0x80: {  	_ =	shalt  }
0x81: {  	_ =	shalt  }
0x82: {  	_ =	shalt  }
0x83: {  	_ =	shalt  }
0x84: {  	_ =	shalt  }
0x85: {  	_ =	shalt  }
0x86: {  	_ =	shalt  }
0x87: {  	_ =	shalt  }
.Lfunc_end0:
.L_simem_size_0:
called_computation.1_lowered:
.L_overlay_start_0:
0x88: {  	s2 =	sld [smem:$0x3FD9]  }
0x89: {  	s3 =	sld [smem:$0x3FFE];
	_ =	sdelay $0x1  }
0x8a: {  	s1 =	srdreg.scid  }
0x8b: {  	s0 =	sand.u32 $0x1, s1  }
0x8c: {  	s16 =	sshll.u32 s0, $0xA;
	s2 =	sadd.s32 s3, s2  }
0x8d: {  	s2 =	sadd.s32 s2, s16  }
0x8e: {  	[smem:$0x3FB8] =	sst s2  }
0x8f: {  	_ = 	snop  }
0x90: {  	(tm) =	ssettm $0x1  }
0x91: {  	s17 =	sld [smem:$0x3FFB];
	_ =	sdelay $0x3  }
0x92: {  	_ =	strace s17  }
0x93: {  	s2 =	sld [smem:$0x3FFC];
	_ =	sdelay $0x3  }
0x94: {  	_ =	strace s2  }
0x95: {  	s2 =	sld [smem:$0x3FFD];
	_ =	sdelay $0x3  }
0x96: {  	_ =	strace s2  }
0x97: {  	_ =	strace $0x8FFFFFFF  }
0x98: {  	s18 =	sld [smem:$0x3FDB];
	_ =	sdelay $0x1  }
0x99: {  	s19 =	simm.s32 $_scs_section_size  }
0x9a: {  	s4 =	simm.s32 $_size__tile_overlayer_lowered;
	s5 =	simm.s32 $_tile_overlayer_lowered  }
0x9b: {  	s22 =	simm.s32 $0x1BFF;
	s21 =	sshll.u32 s5, $0x1;
	s2 =	sadd.s32 s19, s18  }
0x9c: {  	s6 =	simm.s32 $0x0;
	s20 =	sshll.u32 s4, $0x1;
	s4 =	sadd.s32 s21, s2  }
0x9d: {  	[timem:s6], [sflag:s22] =	dma.local [hbm:s4], s20  }
0x9e: {  	_ =	swait.ge [sflag:s22], s20  }
0x9f: {  	s3 =	ssub.s32 $0x0, s20;
	[sflag:s22] =	ssyncset.done $0x0  }
0xa0: {  	[sflag:s22] =	ssyncadd.s32 s3;
	_ =	sdelay $0x1  }
0xa1: {  	s23 =	simm.s32 $0x1B8B  }
0xa2: {  	_ =	swait.ge [sflag:s23], $0x1  }
0xa3: {  	[sflag:s23] =	ssyncset.done $0x0  }
0xa4: {  	s25 =	simm.s32 $0x1B8E;
	s24 =	sld [smem:$0x3FFE];
	[sflag:s23] =	ssyncadd.s32 $0xFFFFFFFF  }
0xa5: {  	s26 =	simm.s32 $execute0_lowered;
	[smem:$0x3FD2] =	sst s25  }
0xa6: {  	s4 =	sshll.u32 s26, $0x1;
	_ =	strace $0x80000049;
	[dreg:$0x1] =	wrdreg $0xFFFFFFFF  }
0xa7: {  	s28 =	simm.s32 $_size_execute0_lowered;
	s2 =	sadd.s32 s2, s4;
	[dreg:$0x0] =	wrdreg $0x0  }
0xa8: {  	s4 =	sshll.u32 s28, $0x1;
	[dreg:$0x2] =	wrdreg s2  }
0xa9: {  	[dreg:$0x3] =	wrdreg s4  }
0xaa: {  	[dreg:$0x4] =	wrdreg $0xC0  }
0xab: {  	_ =	task [dreg:s6], $0x5FFFF  }
0xac: {  	[dreg:$0x1] =	wrdreg $0xFFFFFFFF  }
0xad: {  	[dreg:$0x0] =	wrdreg $0x60  }
0xae: {  	[dreg:$0x2] =	wrdreg s24  }
0xaf: {  	[dreg:$0x3] =	wrdreg $0xC4000  }
0xb0: {  	[dreg:$0x4] =	wrdreg $0x9  }
0xb1: {  	_ =	task.clear_ibuf [dreg:s6], $0x5FFFF;
	_ =	strace $0x90000049  }
0xb2: {  	s29 =	simm.s32 $0x9;
	_ =	strace $0x8000004B  }
0xb3: {  	_ =	swait.ge [sflag:s29], $0x1  }
0xb4: {  	[sflag:s29] =	ssyncadd.s32 $0xFFFFFFFF  }
0xb5: {  	_ =	strace $0x9000004B  }
0xb6: {  	_ =	sfence  }
0xb7: {  	s30 =	sld [smem:$0x0];
	_ =	sdelay $0x2  }
0xb8: {  	s31 =	sshll.u32 s1, $0xD;
	s1 =	sshrl.u32 s1, $0x2  }
0xb9: {  	s3 =	sand.u32 $0x4000, s31;
	s1 =	sadd.s32 s1, s30  }
0xba: {  	s0 =	sor.u32 s3, s0;
	s1 =	sshll.u32 s1, $0x11  }
0xbb: {  	s0 =	sor.u32 s1, s0  }
0xbc: {  	s0 =	sadd.s32 $0x8F2B, s0  }
0xbd: {  	[sflag:s0] =	ssyncadd.remote.s32 $0x1  }
0xbe: {  	_ =	sfence.sel $0xFFFF  }
0xbf: {  	[dreg:$0x0] =	wrdreg $0xFFFFFFFF;
	(pc) =	sbr.abs _section_cstart, $3  }
0xc0: {  	[dreg:$0x1] =	wrdreg $0xFFFFFFFF  }
0xc1: {  	_ =	task.clear_ibuf [dreg:s6], $0x2FFFF;
	_ =	strace $0x9FFFFFFF  }
0xc2: {  	(tm) =	ssettm $0x7FFFFFFF  }
0xc3: {  	_ =	shalt  }
tec
execute0_lowered:
.L_overlay_start_1:
0x0: {  	(tag) =	ssettag $0x1  }
0x1: {  	s0 =	rddreg [dreg:$0x0];
	s1 =	srdreg.scid  }
0x2: {  	s2 =	rddreg [dreg:$0x1];
	s7 =	sand.u32 $0x1, s1  }
0x3: {  	s3 =	simm.s32 $0x0;
	s1 =	stileid.u32;
	s4 =	smul.u32 $0x13C000, s7  }
0x4: {  	s31 =	simm.s32 $0x1;
	s28 =	simm.s32 $0x2;
	s5 =	smul.u32 $0x13C00, s1  }
0x5: {  	s29 =	simm.s32 $0x3;
	[smem:$0x7FF] =	sst s3;
	s8 =	smul.u32 $0x278, s1  }
0x6: {  	s30 =	simm.s32 $0x4;
	_ =	strace $0x8000004A;
	s10 =	smul.u32 $0x4F000, s1  }
0x7: {  	s11 =	ssub.s32 $0x2, s7;
	s12 =	sshll.u32 s1, $0x1;
	s15 =	smul.u32 $0x2780, s1  }
0x8: {  	p0 =	sne.s32 s7, $0x0;
	s9 =	sshrl.u32 s11, $0x1;
	s5 =	sadd.s32 s5, s4  }
0x9: {  	s4 =	sadd.s32 $0x22200, s0;
	s8 =	sadd.s32 $0x140, s8;
	s14 =	sshrl.u32 s10, $0x2  }
0xa: {  	s6 =	sshrl.u32 s5, $0x3;
	s5 =	sadd.s32 $0xE200, s0;
	s13 =	sshll.u32 s8, $0x7  }
0xb: {  	s8 =	sshll.u32 s8, $0x4;
	s18 =	sadd.s32 s4, s15;
	s0 =	sadd.s32 s6, s0  }
0xc: {  	s6 =	sadd.s32 s14, s2;
	s8 =	sadd.s32 s4, s8;
	[dreg:$0x6] =	wrdreg s18  }
0xd: {  	s12 =	sor.u32 s7, s12;
	[dreg:$0x3] =	wrdreg s8;
	s16 =	sadd.s32 $0x4000, s6  }
0xe: {  	s11 =	ssub.s32 s11, s9;
	s17 =	sadd.s32 $0x8000, s6;
	[dreg:$0x4] =	wrdreg s16  }
0xf: {  	s9 =	smul.u32 $0x5000, s12;
	s19 =	sadd.s32 $0xA000, s6;
	[dreg:$0x5] =	wrdreg s17  }
0x10: {  	s13 =	sadd.s32 s13, s2;
	s20 =	sadd.s32 $0xE000, s6;
	[dreg:$0x7] =	wrdreg s19  }
0x11: {  	s14 =	sadd.s32 $0x2800, s9;
	s22 =	sadd.s32 $0x12000, s6;
	[dreg:$0x8] =	wrdreg s20  }
0x12: {  	s21 =	sshrl.u32 s9, $0x3;
	s23 =	sshrl.u32 s14, $0x3;
	[dreg:$0x9] =	wrdreg s22  }
0x13: {  	s16 =	sadd.s32 s5, s21;
	s8 =	sadd.s32 s5, s23;
	s22 =	sadd.s32 $0x49A00, s0  }
0x14: {  	s23 =	smax.u32 s11, $0x1;
	[dreg:$0xa] =	wrdreg s8;
	s24 =	sadd.s32 $0x10, s16  }
0x15: {  	s0 =	simm.s32 $0x0;
	s25 =	sadd.s32 $0x510, s16;
	[dreg:$0xb] =	wrdreg s24  }
0x16: {  	s26 =	sadd.s32 $0x20, s16;
	s21 =	sadd.s32 $0x520, s16;
	[dreg:$0xc] =	wrdreg s25  }
0x17: {  	v0 =	vimm.f32 $0.0e+00;
	[dreg:$0xd] =	wrdreg s26;
	s24 =	sshrl.u32 @p0 s13, $0x3;
	s26 =	simm.s32 $0x80  }
.LBB2_1:
0x18: {  	s7 =	simm.s32 $0x0;
	s8 =	simm.s32 $0x200  }
.LBB2_2:
0x19: {  	p1 =	sne.s32 s8, $0xFE00;
	[tilespmem:s7+$0x470] =	vst v0  }
0x1a: {  	[tilespmem:s7+$0x400] =	vst v0  }
0x1b: {  	[tilespmem:s7+$0x410] =	vst v0  }
.Ltmp0:
0x1c: {  	[tilespmem:s7+$0x420] =	vst v0;
	(pc) =	sbr.rel @p1 .LBB2_2-.Ltmp0, $4  }
0x1d: {  	[tilespmem:s7+$0x430] =	vst v0  }
0x1e: {  	[tilespmem:s7+$0x440] =	vst v0  }
0x1f: {  	[tilespmem:s7+$0x450] =	vst v0  }
0x20: {  	[tilespmem:s7+$0x460] =	vst v0;
	s7 =	sshra.s32 s8, $0x2;
	s8 =	sadd.s32 $0x200, s8  }
0x21: {  	[tilespmem:s7+$0x470] =	vst v0  }
0x22: {  	[tilespmem:s7+$0x400] =	vst v0  }
0x23: {  	[tilespmem:s7+$0x410] =	vst v0  }
0x24: {  	[tilespmem:s7+$0x420] =	vst v0  }
0x25: {  	[tilespmem:s7+$0x430] =	vst v0  }
0x26: {  	[tilespmem:s7+$0x440] =	vst v0  }
0x27: {  	[tilespmem:s7+$0x450] =	vst v0;
	s8 =	sshll.u32 @p0 s1, $0x6  }
0x28: {  	[tilespmem:s7+$0x460] =	vst v0;
	s7 =	sor.u32 @p0 $0x1C04, s8;
	s8 =	rddreg [dreg:$0x3]  }
0x29: {  	[spmem:s24], [sflag:s7] =	dma.local @p0 [hbm:s8], $0x1380  }
0x2a: {  	s7 =	simm.s32 @p0 $0x4  }
0x2b: {  	_ =	swait.ge @p0 [sflag:s7], $0x1380  }
0x2c: {  	[sflag:s7] =	ssyncset.done @p0 $0x0  }
0x2d: {  	s8 =	simm.s32 @p0 $0x400;
	[sflag:s7] =	ssyncadd.s32 @p0 $0xFFFFEC80  }
0x2e: {  	[spmem:s6] =	stream.linear.scatter @p0 [tilespmem:s8], [sflag:$0x4], $0x4000, $0x38;
	v63 =	vld [tilespmem:$0x0]  }
0x2f: {  	_ =	swait.ge @p0 [sflag:s7], $0x4000  }
0x30: {  	[sflag:s7] =	ssyncset.done @p0 $0x0  }
0x31: {  	s10 =	rddreg [dreg:$0x4];
	[sflag:s7] =	ssyncadd.s32 @p0 $0xFFFFC000  }
0x32: {  	[spmem:s10] =	stream.linear.scatter @p0 [tilespmem:s8], [sflag:$0x4], $0x4000, $0x38;
	v63 =	vld [tilespmem:$0x0]  }
0x33: {  	_ =	swait.ge @p0 [sflag:s7], $0x4000  }
0x34: {  	[sflag:s7] =	ssyncset.done @p0 $0x0  }
0x35: {  	s10 =	rddreg [dreg:$0x5];
	[sflag:s7] =	ssyncadd.s32 @p0 $0xFFFFC000  }
0x36: {  	[spmem:s10] =	stream.linear.scatter @p0 [tilespmem:s8], [sflag:$0x4], $0x2000, $0x38;
	v63 =	vld [tilespmem:$0x0]  }
0x37: {  	_ =	swait.ge @p0 [sflag:s7], $0x2000  }
0x38: {  	s8 =	sshll.u32 @!p0 s1, $0x6;
	[sflag:s7] =	ssyncset.done @p0 $0x0;
	s10 =	rddreg [dreg:$0x6]  }
0x39: {  	[sflag:s7] =	ssyncadd.s32 @p0 $0xFFFFE000;
	s7 =	sor.u32 @!p0 $0x1C04, s8;
	s8 =	sshrl.u32 @!p0 s6, $0x3  }
0x3a: {  	[spmem:s8], [sflag:s7] =	dma.local @!p0 [hbm:s10], $0x1400  }
0x3b: {  	s7 =	simm.s32 @!p0 $0x4  }
0x3c: {  	_ =	swait.ge @!p0 [sflag:s7], $0x1400  }
0x3d: {  	[sflag:s7] =	ssyncset.done @!p0 $0x0  }
0x3e: {  	s8 =	simm.s32 @!p0 $0x400;
	s10 =	rddreg [dreg:$0x7];
	[sflag:s7] =	ssyncadd.s32 @!p0 $0xFFFFEC00  }
0x3f: {  	[spmem:s10] =	stream.linear.scatter @!p0 [tilespmem:s8], [sflag:$0x4], $0x4000, $0x38;
	v63 =	vld [tilespmem:$0x0]  }
0x40: {  	_ =	swait.ge @!p0 [sflag:s7], $0x4000  }
0x41: {  	[sflag:s7] =	ssyncset.done @!p0 $0x0  }
0x42: {  	s10 =	rddreg [dreg:$0x8];
	[sflag:s7] =	ssyncadd.s32 @!p0 $0xFFFFC000  }
0x43: {  	[spmem:s10] =	stream.linear.scatter @!p0 [tilespmem:s8], [sflag:$0x4], $0x4000, $0x38;
	v63 =	vld [tilespmem:$0x0]  }
0x44: {  	_ =	swait.ge @!p0 [sflag:s7], $0x4000  }
0x45: {  	[sflag:s7] =	ssyncset.done @!p0 $0x0  }
0x46: {  	s10 =	rddreg [dreg:$0x9];
	[sflag:s7] =	ssyncadd.s32 @!p0 $0xFFFFC000  }
0x47: {  	[spmem:s10] =	stream.linear.scatter @!p0 [tilespmem:s8], [sflag:$0x4], $0x1C00, $0x38;
	v63 =	vld [tilespmem:$0x0]  }
0x48: {  	_ =	swait.ge @!p0 [sflag:s7], $0x1C00  }
0x49: {  	[sflag:s7] =	ssyncset.done @!p0 $0x0  }
0x4a: {  	[sflag:s7] =	ssyncadd.s32 @!p0 $0xFFFFE400  }
0x4b: {  	[tilespmem:s3], [sflag:$0x1] =	stream.linear.gather [hbm4b:s16+s3], $0x80, $0x38;
	v63 =	vld [tilespmem:$0x0]  }
0x4c: {  	s25 =	simm.s32 $0x200;
	s20 =	rddreg [dreg:$0xa]  }
0x4d: {  	[tilespmem:s25], [sflag:$0x1] =	stream.linear.gather [hbm4b:s20+s3], $0x80, $0x38;
	v63 =	vld [tilespmem:$0x0]  }
0x4e: {  	s8 =	rddreg [dreg:$0xb]  }
0x4f: {  	[tilespmem:s26], [sflag:$0x1] =	stream.linear.gather [hbm4b:s8+s3], $0x80, $0x38;
	v63 =	vld [tilespmem:$0x0]  }
0x50: {  	s11 =	simm.s32 $0x280;
	s10 =	rddreg [dreg:$0xc]  }
0x51: {  	[tilespmem:s11], [sflag:$0x1] =	stream.linear.gather [hbm4b:s10+s3], $0x80, $0x38;
	v63 =	vld [tilespmem:$0x0]  }
0x52: {  	s13 =	simm.s32 $0x100;
	s12 =	rddreg [dreg:$0xd]  }
0x53: {  	[tilespmem:s13], [sflag:$0x1] =	stream.linear.gather [hbm4b:s12+s3], $0x80, $0x38;
	v63 =	vld [tilespmem:$0x0]  }
0x54: {  	s15 =	simm.s32 $0x300  }
0x55: {  	[tilespmem:s15], [sflag:$0x1] =	stream.linear.gather [hbm4b:s21+s3], $0x80, $0x38;
	v63 =	vld [tilespmem:$0x0]  }
0x56: {  	_ =	swait.ge [sflag:s31], $0x80  }
0x57: {  	[sflag:s31] =	ssyncset.done $0x0  }
0x58: {  	[sflag:s31] =	ssyncadd.s32 $0xFFFFFF80  }
0x59: {  	_ =	swait.ge [sflag:s31], $0x80  }
0x5a: {  	[sflag:s31] =	ssyncset.done $0x0  }
0x5b: {  	s17 =	simm.s32 $0x400;
	[sflag:s31] =	ssyncadd.s32 $0xFFFFFF80  }
0x5c: {  	[tilespmem:s17], [sflag:$0x2] =	stream.indirect.gather [hbm4b:s4+s26], $0x80, s3, s26, $0xb8;
	v63 =	vld [tilespmem:$0x0]  }
0x5d: {  	s19 =	simm.s32 $0x0;
	_ =	swait.ge [sflag:s31], $0x80  }
0x5e: {  	s18 =	simm.s32 $0x4400;
	s7 =	smul.u32 $0xAB, s19;
	[sflag:s31] =	ssyncset.done $0x0  }
0x5f: {  	p1 =	por $0x1, $0x1;
	p2 =	por $0x0, $0x0;
	[sflag:s31] =	ssyncadd.s32 $0xFFFFFF80  }
0x60: {  	p3 =	por @!p2 $0x0, $0x0;
	s7 =	sshrl.u32 s7, $0x9;
	_ =	swait.ge [sflag:s31], $0x80  }
0x61: {  	s25 =	simm.s32 $0x180;
	s7 =	sand.u32 $0x7F, s7;
	[sflag:s31] =	ssyncset.done $0x0  }
0x62: {  	s20 =	simm.s32 $0x0;
	s7 =	smul.u32 $0x3, s7;
	[sflag:s31] =	ssyncadd.s32 $0xFFFFFF80  }
0x63: {  	[tilespmem:s18], [sflag:$0x2] =	stream.indirect.gather [hbm4b:s4+s26], $0x80, s26, s26, $0xb8;
	v63 =	vld [tilespmem:$0x0]  }
0x64: {  	s8 =	simm.s32 $0x3;
	s7 =	ssub.s32 $0x0, s7;
	[bflag:$0x0] =	sbarrier.arrive $0xFFFF  }
0x65: {  	s11 =	simm.s32 @!p2 $0x2;
	s10 =	sand.u32 $0x180, s20;
	_ =	swait.ge [sflag:s28], $0x4000  }
0x66: {  	s7 =	sand.u32 $0xFF, s7;
	s11 =	sand.u32 @!p2 $0xFF, s11;
	[sflag:s28] =	ssyncset.done $0x0  }
0x67: {  	s11 =	smul.u32 @!p2 $0xAB, s11;
	s13 =	simm.s32 @!p1 $0x3;
	[sflag:s28] =	ssyncadd.s32 $0xFFFFC000  }
0x68: {  	s10 =	sor.u32 $0x200, s10;
	s7 =	sshll.u32 s7, $0xE;
	_ =	swait.ge @!p1 [sflag:s13], $0x4000  }
0x69: {  	s12 =	simm.s32 @!p2 $0x1;
	s11 =	sshrl.u32 @!p2 s11, $0x9;
	[sflag:s13] =	ssyncset.done @!p1 $0x0  }
0x6a: {  	s7 =	sor.u32 $0x400, s7;
	s11 =	smul.u32 @!p2 $0x3, s11;
	[sflag:s13] =	ssyncadd.s32 @!p1 $0xFFFFC000  }
0x6b: {  	[spmem:s2] =	stream.indirect.scatter.add.f32 [tilespmem:s7], [sflag:$0x3], $0x80, s10, s26, $0xb8;
	v63 =	vld [tilespmem:$0x0]  }
0x6c: {  	p1 =	por p3, p2;
	s7 =	simm.s32 @!p2 $0x80;
	_ =	swait.ge @!p2 [sflag:s12], $0x80  }
0x6d: {  	s8 =	smul.u32 @!p1 $0xAB, s8;
	s10 =	ssub.s32 @!p2 $0x2, s11;
	[sflag:s12] =	ssyncset.done @!p2 $0x0  }
0x6e: {  	s13 =	sand.u32 @!p1 $0x7C00, s25;
	s10 =	sand.u32 @!p2 $0xFF, s10;
	[sflag:s12] =	ssyncadd.s32 @!p2 $0xFFFFFF80  }
0x6f: {  	s8 =	sshrl.u32 @!p1 s8, $0x9;
	s11 =	sshll.u32 @!p2 s10, $0xE;
	_ =	swait.ge @!p2 [sflag:s12], $0x80  }
0x70: {  	s10 =	sshll.u32 @!p2 s10, $0x7;
	s8 =	sand.u32 @!p1 $0x7F, s8;
	[sflag:s12] =	ssyncset.done @!p2 $0x0  }
0x71: {  	s11 =	sor.u32 @!p2 $0x400, s11;
	s8 =	smul.u32 @!p1 $0x3, s8;
	[sflag:s12] =	ssyncadd.s32 @!p2 $0xFFFFFF80  }
0x72: {  	[tilespmem:s11], [sflag:$0x2] =	stream.indirect.gather @!p2 [hbm4b:s4+s7], $0x80, s10, s7, $0xb8;
	v63 =	vld [tilespmem:$0x0]  }
0x73: {  	s15 =	sand.u32 @!p1 $0x380, s25;
	s8 =	ssub.s32 @!p1 $0x3, s8;
	s10 =	sadd.s32 @!p1 s9, s13  }
0x74: {  	s7 =	simm.s32 $0x4;
	s8 =	sand.u32 @!p1 $0xFF, s8;
	s10 =	sor.u32 @!p1 s15, s10  }
0x75: {  	s11 =	sshll.u32 @!p1 s8, $0x7;
	s8 =	sadd.s32 @!p1 s14, s13;
	s13 =	sand.u32 @!p1 $0x180, s25  }
0x76: {  	s10 =	sshrl.u32 @!p1 s10, $0x3;
	s8 =	sor.u32 @!p1 s15, s8;
	s13 =	sor.u32 @!p1 $0x200, s13  }
0x77: {  	s12 =	sadd.s32 @!p1 s5, s10;
	s10 =	simm.s32 @!p1 $0x0;
	s8 =	sshrl.u32 @!p1 s8, $0x3  }
.LBB2_4:
0x78: {  	s15 =	sadd.s32 @!p1 s5, s8  }
0x79: {  	s25 =	sadd.s32 $0x80, s25;
	s8 =	smov.u32 s7;
	s7 =	sadd.s32 $0x1, s7  }
0x7a: {  	[tilespmem:s11], [sflag:$0x1] =	stream.linear.gather @!p1 [hbm4b:s12+s10], $0x80, $0x38;
	v63 =	vld [tilespmem:$0x0]  }
0x7b: {  	p2 =	sne.s32 s7, $0x53  }
0x7c: {  	[tilespmem:s13], [sflag:$0x1] =	stream.linear.gather @!p1 [hbm4b:s15+s10], $0x80, $0x38;
	v63 =	vld [tilespmem:$0x0]  }
0x7d: {  	p4 =	seq.s32 s8, $0x3;
	s11 =	sadd.s32 $0xFFFFFFFD, s8;
	s12 =	sadd.s32 $0xFFFFFE80, s25  }
0x7e: {  	p3 =	sgt.u32 s11, $0x4D;
	s13 =	smul.u32 $0xAB, s11;
	_ =	swait.ge [sflag:s28], $0x4000  }
0x7f: {  	s15 =	sadd.s32 @!p3 $0x2, s11;
	s10 =	simm.s32 @!p3 $0x80;
	[sflag:s28] =	ssyncset.done $0x0  }
0x80: {  	p1 =	seq.s32 @!p3 s8, $0x50;
	s17 =	sand.u32 @!p3 $0xFF, s15;
	s13 =	sshrl.u32 s13, $0x9  }
0x81: {  	s17 =	smul.u32 @!p3 $0xAB, s17;
	s13 =	sand.u32 $0x7F, s13;
	[sflag:s28] =	ssyncadd.s32 $0xFFFFC000  }
0x82: {  	s18 =	simm.s32 @!p3 $0x1;
	p1 =	por p1, p3;
	s13 =	smul.u32 $0x3, s13  }
0x83: {  	s19 =	sand.u32 @!p1 $0x7C00, s25;
	s20 =	smul.u32 @!p1 $0xAB, s8;
	s17 =	sshrl.u32 @!p3 s17, $0x9  }
0x84: {  	s12 =	sand.u32 $0x180, s12;
	s11 =	ssub.s32 s11, s13;
	s13 =	smul.u32 @!p3 $0x3, s17  }
0x85: {  	s12 =	sor.u32 $0x200, s12;
	s20 =	sshrl.u32 @!p1 s20, $0x9  }
0x86: {  	s17 =	simm.s32 @!p4 $0x3;
	s11 =	sand.u32 $0xFF, s11;
	s13 =	ssub.s32 @!p3 s15, s13  }
0x87: {  	s11 =	sshll.u32 s11, $0xE;
	s13 =	sand.u32 @!p3 $0xFF, s13;
	_ =	swait.ge @!p4 [sflag:s17], $0x4000  }
0x88: {  	s11 =	sor.u32 $0x400, s11;
	s15 =	sshll.u32 @!p3 s13, $0xE;
	[sflag:s17] =	ssyncset.done @!p4 $0x0  }
0x89: {  	s13 =	sshll.u32 @!p3 s13, $0x7;
	[sflag:s17] =	ssyncadd.s32 @!p4 $0xFFFFC000;
	s17 =	sand.u32 @!p1 $0x7F, s20  }
0x8a: {  	[spmem:s2] =	stream.indirect.scatter.add.f32 [tilespmem:s11], [sflag:$0x3], $0x80, s12, s26, $0xb8;
	v63 =	vld [tilespmem:$0x0]  }
0x8b: {  	s15 =	sor.u32 @!p3 $0x400, s15;
	s11 =	smul.u32 @!p1 $0x3, s17;
	_ =	swait.ge @!p3 [sflag:s18], $0x80  }
0x8c: {  	s12 =	sadd.s32 @!p1 s9, s19;
	s17 =	sand.u32 @!p1 $0x380, s25;
	[sflag:s18] =	ssyncset.done @!p3 $0x0  }
0x8d: {  	s12 =	sor.u32 @!p1 s17, s12;
	s8 =	ssub.s32 @!p1 s8, s11;
	[sflag:s18] =	ssyncadd.s32 @!p3 $0xFFFFFF80  }
0x8e: {  	s12 =	sshrl.u32 @!p1 s12, $0x3;
	s8 =	sand.u32 @!p1 $0xFF, s8;
	_ =	swait.ge @!p3 [sflag:s18], $0x80  }
.Ltmp1:
0x8f: {  	s11 =	sshll.u32 @!p1 s8, $0x7;
	[sflag:s18] =	ssyncset.done @!p3 $0x0;
	(pc) =	sbr.rel @p2 .LBB2_4-.Ltmp1, $4  }
0x90: {  	s12 =	sadd.s32 @!p1 s5, s12;
	s8 =	sadd.s32 @!p1 s14, s19;
	[sflag:s18] =	ssyncadd.s32 @!p3 $0xFFFFFF80  }
0x91: {  	[tilespmem:s15], [sflag:$0x2] =	stream.indirect.gather @!p3 [hbm4b:s4+s10], $0x80, s13, s10, $0xb8;
	v63 =	vld [tilespmem:$0x0]  }
0x92: {  	s8 =	sor.u32 @!p1 s17, s8;
	s13 =	sand.u32 @!p1 $0x180, s25  }
0x93: {  	s8 =	sshrl.u32 @!p1 s8, $0x3;
	s10 =	simm.s32 @!p1 $0x0;
	s13 =	sor.u32 @!p1 $0x200, s13  }
0x94: {  	[tilespmem:s11], [sflag:$0x1] =	stream.linear.gather @!p1 [hbm4b:s12+s10], $0x80, $0x38;
	v63 =	vld [tilespmem:$0x0]  }
0x95: {  	s7 =	sadd.s32 @!p1 s5, s8  }
0x96: {  	[tilespmem:s13], [sflag:$0x1] =	stream.linear.gather @!p1 [hbm4b:s7+s10], $0x80, $0x38;
	v63 =	vld [tilespmem:$0x0]  }
0x97: {  	_ =	swait.ge [sflag:s29], $0x4000  }
0x98: {  	s20 =	sshll.u32 s1, $0x6;
	s0 =	sadd.s32 $0x1, s0;
	[sflag:s29] =	ssyncset.done $0x0  }
0x99: {  	s25 =	sshrl.u32 s6, $0x3;
	p1 =	sne.s32 s0, s23;
	[sflag:s29] =	ssyncadd.s32 $0xFFFFC000  }
.Ltmp2:
0x9a: {  	s7 =	sor.u32 $0x1C04, s20;
	[bflag:$0x0] =	sbarrier.arrive $0xFFFF;
	(pc) =	sbr.rel @p1 .LBB2_1-.Ltmp2, $4  }
0x9b: {  	[hbm:s22], [sflag:s7] =	dma.local [spmem:s25], $0x2780  }
0x9c: {  	_ =	swait.ge [sflag:s30], $0x2780  }
0x9d: {  	[sflag:s30] =	ssyncset.done $0x0  }
0x9e: {  	[sflag:s30] =	ssyncadd.s32 $0xFFFFD880  }
0x9f: {  	_ =	sfence.sel $0x180000  }
0xa0: {  	[bflag:$0x0] =	sbarrier.arrive $0xFFFF  }
0xa1: {  	_ =	strace $0x9000004A  }
0xa2: {  	[bflag:$0x2] =	sbarrier.arrive $0xFFFF  }
0xa3: {  	p0 =	sne.s32 s1, $0x0;
	s0 =	rddreg [dreg:$0x2]  }
0xa4: {  	s0 =	sadd.s32 @!p0 $0x100000, s0  }
0xa5: {  	[sflag:s0] =	ssyncadd.tile.s32 @!p0 $0x1;
	_ =	shalt  }
.Lfunc_end2:
_tile_overlayer_lowered:
.L_overlay_start_2:
0xa6: {  	(tag) =	ssettag $0x2  }
0xa7: {  	s0 =	rddreg [dreg:$0x0];
	s2 =	stileid.u32  }
0xa8: {  	s1 =	rddreg [dreg:$0x1];
	p0 =	sne.s32 s2, $0x0  }
0xa9: {  	s3 =	rddreg [dreg:$0x2];
	[bflag:$0x3] =	sbarrier.arrive $0xFFFF;
	s2 =	simm.s32 @!p0 $0x1C04  }
0xaa: {  	[timem:s3], [sflag:s2] =	dma.local @!p0 [hbm:s0], s1  }
0xab: {  	s0 =	simm.s32 @!p0 $0x4  }
0xac: {  	_ =	swait.ge @!p0 [sflag:s0], s1  }
0xad: {  	s1 =	ssub.s32 @!p0 $0x0, s1;
	[sflag:s0] =	ssyncset.done @!p0 $0x0  }
0xae: {  	[sflag:s0] =	ssyncadd.s32 @!p0 s1  }
0xaf: {  	[bflag:$0x3] =	sbarrier.arrive $0xFFFF  }
0xb0: {  	_ =	shalt  }

// kernel: kernel.14.cloned.1.call-start
scs
__scs_entry_jumppad:
0x0: {  	(pc) =	sbr.rel $0x88, $3  }
0x1: {  	(tag) =	ssettag $0x0;
	lr =	simm.s32 $0x1  }
0x2: {  	[smem:$0x3F91] =	sst lr;
	_ =	strace $0xD0000000  }
0x3: {  	_ = 	snop  }
0x4: {  	_ = 	snop  }
0x5: {  	_ = 	snop  }
0x6: {  	_ = 	snop  }
0x7: {  	_ = 	snop  }
__scs_overlays_trampoline_lowered:
0x8: {  	[smem:$0x3FA0] =	sst s0  }
0x9: {  	[smem:$0x3FA1] =	sst s1  }
0xa: {  	[smem:$0x3FA2] =	sst s2  }
0xb: {  	[smem:$0x3FA3] =	sst s3  }
0xc: {  	[smem:$0x3FA4] =	sst s4  }
0xd: {  	[smem:$0x3FA5] =	sst s5  }
0xe: {  	[smem:$0x3FA6] =	sst s6  }
0xf: {  	[smem:$0x3FA7] =	sst s7  }
0x10: {  	[smem:$0x3FA8] =	sst s8  }
0x11: {  	[smem:$0x3FA9] =	sst s9;
	s0 =	simm.s32 @!p0 $0x0  }
0x12: {  	s1 =	sld [smem:$0x3F8F];
	s0 =	simm.s32 @p0 $0x1  }
0x13: {  	[smem:$0x3FAA] =	sst s0;
	s0 =	simm.s32 @!p1 $0x0  }
0x14: {  	s2 =	sld [smem:$0x3F8E];
	s0 =	simm.s32 @p1 $0x1  }
0x15: {  	[smem:$0x3FAB] =	sst s0;
	s0 =	simm.s32 @!p2 $0x0  }
0x16: {  	s3 =	sld [smem:$0x3FDB];
	s0 =	simm.s32 @p2 $0x1  }
0x17: {  	s4 =	simm.s32 $0x1BF5;
	[smem:$0x3FAD] =	sst s0  }
0x18: {  	s0 =	sld [smem:$0x3F90];
	_ =	swait.ge [sflag:s4], $0x0  }
0x19: {  	s7 =	sld [smem:$0x3F91]  }
0x1a: {  	s8 =	sadd.s32 $0xFFFFE003, lr  }
0x1b: {  	s9 =	sadd.s32 $0xFFFFFEF7, lr;
	s5 =	simm.s32 $0xFFFFFFFF;
	p2 =	slt.u32 s8, $0xFFFFF086  }
0x1c: {  	p1 =	slt.u32 s9, $0xF7A;
	s5 =	simm.s32 @!p2 $0x0  }
0x1d: {  	s5 =	simm.s32 @p1 $0x1;
	p0 =	seq.s32 s7, s2  }
0x1e: {  	s7 =	smul.u32 @!p0 $0xF7A, s2;
	p2 =	seq.s32 @!p0 s5, $0x0  }
0x1f: {  	s9 =	smul.u32 $0xF7A, s1;
	s8 =	simm.s32 @!p0 $0x1BF5;
	p2 =	por !p2, p0  }
0x20: {  	[sflag:s8] =	ssyncset.s32 @!p0 $0xFFFFF086;
	s6 =	sadd.s32 @!p0 s3, s7;
	s7 =	simm.s32 @!p0 $0x108  }
0x21: {  	s3 =	sadd.s32 s3, s9;
	s6 =	sadd.s32 @!p0 $0x88, s6;
	s7 =	simm.s32 @p2 $0x1082  }
0x22: {  	[simem:s7], [sflag:s8] =	dma.local @!p0 [hbm:s6], $0xF7A  }
0x23: {  	s9 =	sor.u32 $0xD0000000, s2;
	s6 =	simm.s32 $0x108;
	_ =	swait.ge @!p0 [sflag:s8], $0x0  }
0x24: {  	s3 =	sadd.s32 $0x88, s3;
	s6 =	simm.s32 @!p1 $0x1082;
	[sflag:s4] =	ssyncset.s32 $0xFFFFF086  }
0x25: {  	[simem:s6], [sflag:s4] =	dma.local [hbm:s3], $0xF7A  }
0x26: {  	[smem:$0x3F91] =	sst s1;
	(tag) =	ssettag s2;
	_ =	strace s9  }
0x27: {  	s1 =	sld [smem:$0x3FA1]  }
0x28: {  	s2 =	sld [smem:$0x3FA2]  }
0x29: {  	s4 =	sld [smem:$0x3FA4]  }
0x2a: {  	p0 =	seq.s32 s5, $0x0;
	s5 =	sld [smem:$0x3FA5]  }
0x2b: {  	s6 =	sld [smem:$0x3FA6]  }
0x2c: {  	s7 =	sld [smem:$0x3FA7]  }
0x2d: {  	s3 =	simm.s32 $0x108;
	s8 =	sld [smem:$0x3FA8]  }
0x2e: {  	s3 =	simm.s32 @!p0 $0x1082;
	s9 =	sld [smem:$0x3FA9]  }
0x2f: {  	lr =	sadd.s32 s0, s3;
	s0 =	sld [smem:$0x3FA0]  }
0x30: {  	s3 =	sld [smem:$0x3FA3]  }
0x31: {  	[smem:$0x3FAC] =	sst s10  }
0x32: {  	s10 =	sld [smem:$0x3FAA];
	_ =	sdelay $0x3  }
0x33: {  	p0 =	seq.s32 s10, $0x1;
	s10 =	sld [smem:$0x3FAC];
	_ =	sdelay $0x3  }
0x34: {  	[smem:$0x3FAC] =	sst s10  }
0x35: {  	s10 =	sld [smem:$0x3FAB];
	_ =	sdelay $0x3  }
0x36: {  	p1 =	seq.s32 s10, $0x1;
	s10 =	sld [smem:$0x3FAC];
	_ =	sdelay $0x3  }
0x37: {  	[smem:$0x3FAC] =	sst s10  }
0x38: {  	s10 =	sld [smem:$0x3FAD]  }
0x39: {  	_ = 	snop;
	(pc) =	sbr.ind lr, $3  }
0x3a: {  	_ = 	snop  }
0x3b: {  	_ = 	snop  }
0x3c: {  	p2 =	seq.s32 s10, $0x1;
	s10 =	sld [smem:$0x3FAC]  }
0x3d: {  	_ =	shalt  }
0x3e: {  	_ =	shalt  }
0x3f: {  	_ =	shalt  }
0x40: {  	_ =	shalt  }
0x41: {  	_ =	shalt  }
0x42: {  	_ =	shalt  }
0x43: {  	_ =	shalt  }
0x44: {  	_ =	shalt  }
0x45: {  	_ =	shalt  }
0x46: {  	_ =	shalt  }
0x47: {  	_ =	shalt  }
0x48: {  	_ =	shalt  }
0x49: {  	_ =	shalt  }
0x4a: {  	_ =	shalt  }
0x4b: {  	_ =	shalt  }
0x4c: {  	_ =	shalt  }
0x4d: {  	_ =	shalt  }
0x4e: {  	_ =	shalt  }
0x4f: {  	_ =	shalt  }
0x50: {  	_ =	shalt  }
0x51: {  	_ =	shalt  }
0x52: {  	_ =	shalt  }
0x53: {  	_ =	shalt  }
0x54: {  	_ =	shalt  }
0x55: {  	_ =	shalt  }
0x56: {  	_ =	shalt  }
0x57: {  	_ =	shalt  }
0x58: {  	_ =	shalt  }
0x59: {  	_ =	shalt  }
0x5a: {  	_ =	shalt  }
0x5b: {  	_ =	shalt  }
0x5c: {  	_ =	shalt  }
0x5d: {  	_ =	shalt  }
0x5e: {  	_ =	shalt  }
0x5f: {  	_ =	shalt  }
0x60: {  	_ =	shalt  }
0x61: {  	_ =	shalt  }
0x62: {  	_ =	shalt  }
0x63: {  	_ =	shalt  }
0x64: {  	_ =	shalt  }
0x65: {  	_ =	shalt  }
0x66: {  	_ =	shalt  }
0x67: {  	_ =	shalt  }
0x68: {  	_ =	shalt  }
0x69: {  	_ =	shalt  }
0x6a: {  	_ =	shalt  }
0x6b: {  	_ =	shalt  }
0x6c: {  	_ =	shalt  }
0x6d: {  	_ =	shalt  }
0x6e: {  	_ =	shalt  }
0x6f: {  	_ =	shalt  }
0x70: {  	_ =	shalt  }
0x71: {  	_ =	shalt  }
0x72: {  	_ =	shalt  }
0x73: {  	_ =	shalt  }
0x74: {  	_ =	shalt  }
0x75: {  	_ =	shalt  }
0x76: {  	_ =	shalt  }
0x77: {  	_ =	shalt  }
0x78: {  	_ =	shalt  }
0x79: {  	_ =	shalt  }
0x7a: {  	_ =	shalt  }
0x7b: {  	_ =	shalt  }
0x7c: {  	_ =	shalt  }
0x7d: {  	_ =	shalt  }
0x7e: {  	_ =	shalt  }
0x7f: {  	_ =	shalt  }
0x80: {  	_ =	shalt  }
0x81: {  	_ =	shalt  }
0x82: {  	_ =	shalt  }
0x83: {  	_ =	shalt  }
0x84: {  	_ =	shalt  }
0x85: {  	_ =	shalt  }
0x86: {  	_ =	shalt  }
0x87: {  	_ =	shalt  }
.Lfunc_end0:
.L_simem_size_0:
called_computation.2_lowered:
.L_overlay_start_0:
0x88: {  	s2 =	sld [smem:$0x3FD9]  }
0x89: {  	s3 =	sld [smem:$0x3FFE];
	_ =	sdelay $0x1  }
0x8a: {  	s1 =	srdreg.scid  }
0x8b: {  	s0 =	sand.u32 $0x1, s1  }
0x8c: {  	s16 =	sshll.u32 s0, $0xA;
	s2 =	sadd.s32 s3, s2  }
0x8d: {  	s2 =	sadd.s32 s2, s16  }
0x8e: {  	[smem:$0x3FB8] =	sst s2  }
0x8f: {  	_ = 	snop  }
0x90: {  	(tm) =	ssettm $0x1  }
0x91: {  	s17 =	sld [smem:$0x3FFB];
	_ =	sdelay $0x3  }
0x92: {  	_ =	strace s17  }
0x93: {  	s2 =	sld [smem:$0x3FFC];
	_ =	sdelay $0x3  }
0x94: {  	_ =	strace s2  }
0x95: {  	s2 =	sld [smem:$0x3FFD];
	_ =	sdelay $0x3  }
0x96: {  	_ =	strace s2  }
0x97: {  	_ =	strace $0x8FFFFFFF  }
0x98: {  	s18 =	sld [smem:$0x3FDB];
	_ =	sdelay $0x1  }
0x99: {  	s19 =	simm.s32 $_scs_section_size  }
0x9a: {  	s4 =	simm.s32 $_size__tile_overlayer_lowered;
	s5 =	simm.s32 $_tile_overlayer_lowered  }
0x9b: {  	s22 =	simm.s32 $0x1BFF;
	s21 =	sshll.u32 s5, $0x1;
	s2 =	sadd.s32 s19, s18  }
0x9c: {  	s6 =	simm.s32 $0x0;
	s20 =	sshll.u32 s4, $0x1;
	s4 =	sadd.s32 s21, s2  }
0x9d: {  	[timem:s6], [sflag:s22] =	dma.local [hbm:s4], s20  }
0x9e: {  	_ =	swait.ge [sflag:s22], s20  }
0x9f: {  	s3 =	ssub.s32 $0x0, s20;
	[sflag:s22] =	ssyncset.done $0x0  }
0xa0: {  	[sflag:s22] =	ssyncadd.s32 s3;
	_ =	sdelay $0x1  }
0xa1: {  	s23 =	simm.s32 $0x1B8B  }
0xa2: {  	_ =	swait.ge [sflag:s23], $0x1  }
0xa3: {  	[sflag:s23] =	ssyncset.done $0x0  }
0xa4: {  	s25 =	simm.s32 $0x1B8E;
	s24 =	sld [smem:$0x3FFE];
	[sflag:s23] =	ssyncadd.s32 $0xFFFFFFFF  }
0xa5: {  	s26 =	simm.s32 $execute0_lowered;
	[smem:$0x3FD2] =	sst s25  }
0xa6: {  	s4 =	sshll.u32 s26, $0x1;
	_ =	strace $0x8000004C;
	[dreg:$0x1] =	wrdreg $0xFFFFFFFF  }
0xa7: {  	s28 =	simm.s32 $_size_execute0_lowered;
	s2 =	sadd.s32 s2, s4;
	[dreg:$0x0] =	wrdreg $0x0  }
0xa8: {  	s4 =	sshll.u32 s28, $0x1;
	[dreg:$0x2] =	wrdreg s2  }
0xa9: {  	[dreg:$0x3] =	wrdreg s4  }
0xaa: {  	[dreg:$0x4] =	wrdreg $0xC0  }
0xab: {  	_ =	task [dreg:s6], $0x5FFFF  }
0xac: {  	[dreg:$0x1] =	wrdreg $0xFFFFFFFF  }
0xad: {  	[dreg:$0x0] =	wrdreg $0x60  }
0xae: {  	[dreg:$0x2] =	wrdreg s24  }
0xaf: {  	[dreg:$0x3] =	wrdreg $0xC4000  }
0xb0: {  	[dreg:$0x4] =	wrdreg $0x9  }
0xb1: {  	_ =	task.clear_ibuf [dreg:s6], $0x5FFFF;
	_ =	strace $0x9000004C  }
0xb2: {  	s29 =	simm.s32 $0x9;
	_ =	strace $0x8000004E  }
0xb3: {  	_ =	swait.ge [sflag:s29], $0x1  }
0xb4: {  	[sflag:s29] =	ssyncadd.s32 $0xFFFFFFFF  }
0xb5: {  	_ =	strace $0x9000004E  }
0xb6: {  	_ =	sfence  }
0xb7: {  	s30 =	sld [smem:$0x0];
	_ =	sdelay $0x2  }
0xb8: {  	s31 =	sshll.u32 s1, $0xD;
	s1 =	sshrl.u32 s1, $0x2  }
0xb9: {  	s3 =	sand.u32 $0x4000, s31;
	s1 =	sadd.s32 s1, s30  }
0xba: {  	s0 =	sor.u32 s3, s0;
	s1 =	sshll.u32 s1, $0x11  }
0xbb: {  	s0 =	sor.u32 s1, s0  }
0xbc: {  	s0 =	sadd.s32 $0x8F2B, s0  }
0xbd: {  	[sflag:s0] =	ssyncadd.remote.s32 $0x1  }
0xbe: {  	_ =	sfence.sel $0xFFFF  }
0xbf: {  	[dreg:$0x0] =	wrdreg $0xFFFFFFFF;
	(pc) =	sbr.abs _section_cstart, $3  }
0xc0: {  	[dreg:$0x1] =	wrdreg $0xFFFFFFFF  }
0xc1: {  	_ =	task.clear_ibuf [dreg:s6], $0x2FFFF;
	_ =	strace $0x9FFFFFFF  }
0xc2: {  	(tm) =	ssettm $0x7FFFFFFF  }
0xc3: {  	_ =	shalt  }
tec
execute0_lowered:
.L_overlay_start_1:
0x0: {  	(tag) =	ssettag $0x1  }
0x1: {  	s0 =	rddreg [dreg:$0x0];
	s1 =	srdreg.scid  }
0x2: {  	s2 =	rddreg [dreg:$0x1];
	s7 =	sand.u32 $0x1, s1  }
0x3: {  	s3 =	simm.s32 $0x0;
	s1 =	stileid.u32;
	s4 =	smul.u32 $0x13C000, s7  }
0x4: {  	s31 =	simm.s32 $0x1;
	s28 =	simm.s32 $0x2;
	s5 =	smul.u32 $0x13C00, s1  }
0x5: {  	s29 =	simm.s32 $0x3;
	[smem:$0x7FF] =	sst s3;
	s8 =	smul.u32 $0x278, s1  }
0x6: {  	s30 =	simm.s32 $0x4;
	_ =	strace $0x8000004D;
	s10 =	smul.u32 $0x4F000, s1  }
0x7: {  	s11 =	ssub.s32 $0x2, s7;
	s12 =	sshll.u32 s1, $0x1;
	s15 =	smul.u32 $0x2780, s1  }
0x8: {  	p0 =	sne.s32 s7, $0x0;
	s9 =	sshrl.u32 s11, $0x1;
	s5 =	sadd.s32 s5, s4  }
0x9: {  	s4 =	sadd.s32 $0x22200, s0;
	s8 =	sadd.s32 $0x140, s8;
	s14 =	sshrl.u32 s10, $0x2  }
0xa: {  	s6 =	sshrl.u32 s5, $0x3;
	s5 =	sadd.s32 $0xE200, s0;
	s13 =	sshll.u32 s8, $0x7  }
0xb: {  	s8 =	sshll.u32 s8, $0x4;
	s18 =	sadd.s32 s4, s15;
	s0 =	sadd.s32 s6, s0  }
0xc: {  	s6 =	sadd.s32 s14, s2;
	s8 =	sadd.s32 s4, s8;
	[dreg:$0x6] =	wrdreg s18  }
0xd: {  	s12 =	sor.u32 s7, s12;
	[dreg:$0x3] =	wrdreg s8;
	s16 =	sadd.s32 $0x4000, s6  }
0xe: {  	s11 =	ssub.s32 s11, s9;
	s17 =	sadd.s32 $0x8000, s6;
	[dreg:$0x4] =	wrdreg s16  }
0xf: {  	s9 =	smul.u32 $0x5000, s12;
	s19 =	sadd.s32 $0xA000, s6;
	[dreg:$0x5] =	wrdreg s17  }
0x10: {  	s13 =	sadd.s32 s13, s2;
	s20 =	sadd.s32 $0xE000, s6;
	[dreg:$0x7] =	wrdreg s19  }
0x11: {  	s14 =	sadd.s32 $0x2800, s9;
	s22 =	sadd.s32 $0x12000, s6;
	[dreg:$0x8] =	wrdreg s20  }
0x12: {  	s21 =	sshrl.u32 s9, $0x3;
	s23 =	sshrl.u32 s14, $0x3;
	[dreg:$0x9] =	wrdreg s22  }
0x13: {  	s16 =	sadd.s32 s5, s21;
	s8 =	sadd.s32 s5, s23;
	s22 =	sadd.s32 $0x49A00, s0  }
0x14: {  	s23 =	smax.u32 s11, $0x1;
	[dreg:$0xa] =	wrdreg s8;
	s24 =	sadd.s32 $0x10, s16  }
0x15: {  	s0 =	simm.s32 $0x0;
	s25 =	sadd.s32 $0x510, s16;
	[dreg:$0xb] =	wrdreg s24  }
0x16: {  	s26 =	sadd.s32 $0x20, s16;
	s21 =	sadd.s32 $0x520, s16;
	[dreg:$0xc] =	wrdreg s25  }
0x17: {  	v0 =	vimm.f32 $0.0e+00;
	[dreg:$0xd] =	wrdreg s26;
	s24 =	sshrl.u32 @p0 s13, $0x3;
	s26 =	simm.s32 $0x80  }
.LBB2_1:
0x18: {  	s7 =	simm.s32 $0x0;
	s8 =	simm.s32 $0x200  }
.LBB2_2:
0x19: {  	p1 =	sne.s32 s8, $0xFE00;
	[tilespmem:s7+$0x470] =	vst v0  }
0x1a: {  	[tilespmem:s7+$0x400] =	vst v0  }
0x1b: {  	[tilespmem:s7+$0x410] =	vst v0  }
.Ltmp0:
0x1c: {  	[tilespmem:s7+$0x420] =	vst v0;
	(pc) =	sbr.rel @p1 .LBB2_2-.Ltmp0, $4  }
0x1d: {  	[tilespmem:s7+$0x430] =	vst v0  }
0x1e: {  	[tilespmem:s7+$0x440] =	vst v0  }
0x1f: {  	[tilespmem:s7+$0x450] =	vst v0  }
0x20: {  	[tilespmem:s7+$0x460] =	vst v0;
	s7 =	sshra.s32 s8, $0x2;
	s8 =	sadd.s32 $0x200, s8  }
0x21: {  	[tilespmem:s7+$0x470] =	vst v0  }
0x22: {  	[tilespmem:s7+$0x400] =	vst v0  }
0x23: {  	[tilespmem:s7+$0x410] =	vst v0  }
0x24: {  	[tilespmem:s7+$0x420] =	vst v0  }
0x25: {  	[tilespmem:s7+$0x430] =	vst v0  }
0x26: {  	[tilespmem:s7+$0x440] =	vst v0  }
0x27: {  	[tilespmem:s7+$0x450] =	vst v0;
	s8 =	sshll.u32 @p0 s1, $0x6  }
0x28: {  	[tilespmem:s7+$0x460] =	vst v0;
	s7 =	sor.u32 @p0 $0x1C04, s8;
	s8 =	rddreg [dreg:$0x3]  }
0x29: {  	[spmem:s24], [sflag:s7] =	dma.local @p0 [hbm:s8], $0x1380  }
0x2a: {  	s7 =	simm.s32 @p0 $0x4  }
0x2b: {  	_ =	swait.ge @p0 [sflag:s7], $0x1380  }
0x2c: {  	[sflag:s7] =	ssyncset.done @p0 $0x0  }
0x2d: {  	s8 =	simm.s32 @p0 $0x400;
	[sflag:s7] =	ssyncadd.s32 @p0 $0xFFFFEC80  }
0x2e: {  	[spmem:s6] =	stream.linear.scatter @p0 [tilespmem:s8], [sflag:$0x4], $0x4000, $0x38;
	v63 =	vld [tilespmem:$0x0]  }
0x2f: {  	_ =	swait.ge @p0 [sflag:s7], $0x4000  }
0x30: {  	[sflag:s7] =	ssyncset.done @p0 $0x0  }
0x31: {  	s10 =	rddreg [dreg:$0x4];
	[sflag:s7] =	ssyncadd.s32 @p0 $0xFFFFC000  }
0x32: {  	[spmem:s10] =	stream.linear.scatter @p0 [tilespmem:s8], [sflag:$0x4], $0x4000, $0x38;
	v63 =	vld [tilespmem:$0x0]  }
0x33: {  	_ =	swait.ge @p0 [sflag:s7], $0x4000  }
0x34: {  	[sflag:s7] =	ssyncset.done @p0 $0x0  }
0x35: {  	s10 =	rddreg [dreg:$0x5];
	[sflag:s7] =	ssyncadd.s32 @p0 $0xFFFFC000  }
0x36: {  	[spmem:s10] =	stream.linear.scatter @p0 [tilespmem:s8], [sflag:$0x4], $0x2000, $0x38;
	v63 =	vld [tilespmem:$0x0]  }
0x37: {  	_ =	swait.ge @p0 [sflag:s7], $0x2000  }
0x38: {  	s8 =	sshll.u32 @!p0 s1, $0x6;
	[sflag:s7] =	ssyncset.done @p0 $0x0;
	s10 =	rddreg [dreg:$0x6]  }
0x39: {  	[sflag:s7] =	ssyncadd.s32 @p0 $0xFFFFE000;
	s7 =	sor.u32 @!p0 $0x1C04, s8;
	s8 =	sshrl.u32 @!p0 s6, $0x3  }
0x3a: {  	[spmem:s8], [sflag:s7] =	dma.local @!p0 [hbm:s10], $0x1400  }
0x3b: {  	s7 =	simm.s32 @!p0 $0x4  }
0x3c: {  	_ =	swait.ge @!p0 [sflag:s7], $0x1400  }
0x3d: {  	[sflag:s7] =	ssyncset.done @!p0 $0x0  }
0x3e: {  	s8 =	simm.s32 @!p0 $0x400;
	s10 =	rddreg [dreg:$0x7];
	[sflag:s7] =	ssyncadd.s32 @!p0 $0xFFFFEC00  }
0x3f: {  	[spmem:s10] =	stream.linear.scatter @!p0 [tilespmem:s8], [sflag:$0x4], $0x4000, $0x38;
	v63 =	vld [tilespmem:$0x0]  }
0x40: {  	_ =	swait.ge @!p0 [sflag:s7], $0x4000  }
0x41: {  	[sflag:s7] =	ssyncset.done @!p0 $0x0  }
0x42: {  	s10 =	rddreg [dreg:$0x8];
	[sflag:s7] =	ssyncadd.s32 @!p0 $0xFFFFC000  }
0x43: {  	[spmem:s10] =	stream.linear.scatter @!p0 [tilespmem:s8], [sflag:$0x4], $0x4000, $0x38;
	v63 =	vld [tilespmem:$0x0]  }
0x44: {  	_ =	swait.ge @!p0 [sflag:s7], $0x4000  }
0x45: {  	[sflag:s7] =	ssyncset.done @!p0 $0x0  }
0x46: {  	s10 =	rddreg [dreg:$0x9];
	[sflag:s7] =	ssyncadd.s32 @!p0 $0xFFFFC000  }
0x47: {  	[spmem:s10] =	stream.linear.scatter @!p0 [tilespmem:s8], [sflag:$0x4], $0x1C00, $0x38;
	v63 =	vld [tilespmem:$0x0]  }
0x48: {  	_ =	swait.ge @!p0 [sflag:s7], $0x1C00  }
0x49: {  	[sflag:s7] =	ssyncset.done @!p0 $0x0  }
0x4a: {  	[sflag:s7] =	ssyncadd.s32 @!p0 $0xFFFFE400  }
0x4b: {  	[tilespmem:s3], [sflag:$0x1] =	stream.linear.gather [hbm4b:s16+s3], $0x80, $0x38;
	v63 =	vld [tilespmem:$0x0]  }
0x4c: {  	s25 =	simm.s32 $0x200;
	s20 =	rddreg [dreg:$0xa]  }
0x4d: {  	[tilespmem:s25], [sflag:$0x1] =	stream.linear.gather [hbm4b:s20+s3], $0x80, $0x38;
	v63 =	vld [tilespmem:$0x0]  }
0x4e: {  	s8 =	rddreg [dreg:$0xb]  }
0x4f: {  	[tilespmem:s26], [sflag:$0x1] =	stream.linear.gather [hbm4b:s8+s3], $0x80, $0x38;
	v63 =	vld [tilespmem:$0x0]  }
0x50: {  	s11 =	simm.s32 $0x280;
	s10 =	rddreg [dreg:$0xc]  }
0x51: {  	[tilespmem:s11], [sflag:$0x1] =	stream.linear.gather [hbm4b:s10+s3], $0x80, $0x38;
	v63 =	vld [tilespmem:$0x0]  }
0x52: {  	s13 =	simm.s32 $0x100;
	s12 =	rddreg [dreg:$0xd]  }
0x53: {  	[tilespmem:s13], [sflag:$0x1] =	stream.linear.gather [hbm4b:s12+s3], $0x80, $0x38;
	v63 =	vld [tilespmem:$0x0]  }
0x54: {  	s15 =	simm.s32 $0x300  }
0x55: {  	[tilespmem:s15], [sflag:$0x1] =	stream.linear.gather [hbm4b:s21+s3], $0x80, $0x38;
	v63 =	vld [tilespmem:$0x0]  }
0x56: {  	_ =	swait.ge [sflag:s31], $0x80  }
0x57: {  	[sflag:s31] =	ssyncset.done $0x0  }
0x58: {  	[sflag:s31] =	ssyncadd.s32 $0xFFFFFF80  }
0x59: {  	_ =	swait.ge [sflag:s31], $0x80  }
0x5a: {  	[sflag:s31] =	ssyncset.done $0x0  }
0x5b: {  	s17 =	simm.s32 $0x400;
	[sflag:s31] =	ssyncadd.s32 $0xFFFFFF80  }
0x5c: {  	[tilespmem:s17], [sflag:$0x2] =	stream.indirect.gather [hbm4b:s4+s26], $0x80, s3, s26, $0xb8;
	v63 =	vld [tilespmem:$0x0]  }
0x5d: {  	s19 =	simm.s32 $0x0;
	_ =	swait.ge [sflag:s31], $0x80  }
0x5e: {  	s18 =	simm.s32 $0x4400;
	s7 =	smul.u32 $0xAB, s19;
	[sflag:s31] =	ssyncset.done $0x0  }
0x5f: {  	p1 =	por $0x1, $0x1;
	p2 =	por $0x0, $0x0;
	[sflag:s31] =	ssyncadd.s32 $0xFFFFFF80  }
0x60: {  	p3 =	por @!p2 $0x0, $0x0;
	s7 =	sshrl.u32 s7, $0x9;
	_ =	swait.ge [sflag:s31], $0x80  }
0x61: {  	s25 =	simm.s32 $0x180;
	s7 =	sand.u32 $0x7F, s7;
	[sflag:s31] =	ssyncset.done $0x0  }
0x62: {  	s20 =	simm.s32 $0x0;
	s7 =	smul.u32 $0x3, s7;
	[sflag:s31] =	ssyncadd.s32 $0xFFFFFF80  }
0x63: {  	[tilespmem:s18], [sflag:$0x2] =	stream.indirect.gather [hbm4b:s4+s26], $0x80, s26, s26, $0xb8;
	v63 =	vld [tilespmem:$0x0]  }
0x64: {  	s8 =	simm.s32 $0x3;
	s7 =	ssub.s32 $0x0, s7;
	[bflag:$0x0] =	sbarrier.arrive $0xFFFF  }
0x65: {  	s11 =	simm.s32 @!p2 $0x2;
	s10 =	sand.u32 $0x180, s20;
	_ =	swait.ge [sflag:s28], $0x4000  }
0x66: {  	s7 =	sand.u32 $0xFF, s7;
	s11 =	sand.u32 @!p2 $0xFF, s11;
	[sflag:s28] =	ssyncset.done $0x0  }
0x67: {  	s11 =	smul.u32 @!p2 $0xAB, s11;
	s13 =	simm.s32 @!p1 $0x3;
	[sflag:s28] =	ssyncadd.s32 $0xFFFFC000  }
0x68: {  	s10 =	sor.u32 $0x200, s10;
	s7 =	sshll.u32 s7, $0xE;
	_ =	swait.ge @!p1 [sflag:s13], $0x4000  }
0x69: {  	s12 =	simm.s32 @!p2 $0x1;
	s11 =	sshrl.u32 @!p2 s11, $0x9;
	[sflag:s13] =	ssyncset.done @!p1 $0x0  }
0x6a: {  	s7 =	sor.u32 $0x400, s7;
	s11 =	smul.u32 @!p2 $0x3, s11;
	[sflag:s13] =	ssyncadd.s32 @!p1 $0xFFFFC000  }
0x6b: {  	[spmem:s2] =	stream.indirect.scatter.add.f32 [tilespmem:s7], [sflag:$0x3], $0x80, s10, s26, $0xb8;
	v63 =	vld [tilespmem:$0x0]  }
0x6c: {  	p1 =	por p3, p2;
	s7 =	simm.s32 @!p2 $0x80;
	_ =	swait.ge @!p2 [sflag:s12], $0x80  }
0x6d: {  	s8 =	smul.u32 @!p1 $0xAB, s8;
	s10 =	ssub.s32 @!p2 $0x2, s11;
	[sflag:s12] =	ssyncset.done @!p2 $0x0  }
0x6e: {  	s13 =	sand.u32 @!p1 $0x7C00, s25;
	s10 =	sand.u32 @!p2 $0xFF, s10;
	[sflag:s12] =	ssyncadd.s32 @!p2 $0xFFFFFF80  }
0x6f: {  	s8 =	sshrl.u32 @!p1 s8, $0x9;
	s11 =	sshll.u32 @!p2 s10, $0xE;
	_ =	swait.ge @!p2 [sflag:s12], $0x80  }
0x70: {  	s10 =	sshll.u32 @!p2 s10, $0x7;
	s8 =	sand.u32 @!p1 $0x7F, s8;
	[sflag:s12] =	ssyncset.done @!p2 $0x0  }
0x71: {  	s11 =	sor.u32 @!p2 $0x400, s11;
	s8 =	smul.u32 @!p1 $0x3, s8;
	[sflag:s12] =	ssyncadd.s32 @!p2 $0xFFFFFF80  }
0x72: {  	[tilespmem:s11], [sflag:$0x2] =	stream.indirect.gather @!p2 [hbm4b:s4+s7], $0x80, s10, s7, $0xb8;
	v63 =	vld [tilespmem:$0x0]  }
0x73: {  	s15 =	sand.u32 @!p1 $0x380, s25;
	s8 =	ssub.s32 @!p1 $0x3, s8;
	s10 =	sadd.s32 @!p1 s9, s13  }
0x74: {  	s7 =	simm.s32 $0x4;
	s8 =	sand.u32 @!p1 $0xFF, s8;
	s10 =	sor.u32 @!p1 s15, s10  }
0x75: {  	s11 =	sshll.u32 @!p1 s8, $0x7;
	s8 =	sadd.s32 @!p1 s14, s13;
	s13 =	sand.u32 @!p1 $0x180, s25  }
0x76: {  	s10 =	sshrl.u32 @!p1 s10, $0x3;
	s8 =	sor.u32 @!p1 s15, s8;
	s13 =	sor.u32 @!p1 $0x200, s13  }
0x77: {  	s12 =	sadd.s32 @!p1 s5, s10;
	s10 =	simm.s32 @!p1 $0x0;
	s8 =	sshrl.u32 @!p1 s8, $0x3  }
.LBB2_4:
0x78: {  	s15 =	sadd.s32 @!p1 s5, s8  }
0x79: {  	s25 =	sadd.s32 $0x80, s25;
	s8 =	smov.u32 s7;
	s7 =	sadd.s32 $0x1, s7  }
0x7a: {  	[tilespmem:s11], [sflag:$0x1] =	stream.linear.gather @!p1 [hbm4b:s12+s10], $0x80, $0x38;
	v63 =	vld [tilespmem:$0x0]  }
0x7b: {  	p2 =	sne.s32 s7, $0x53  }
0x7c: {  	[tilespmem:s13], [sflag:$0x1] =	stream.linear.gather @!p1 [hbm4b:s15+s10], $0x80, $0x38;
	v63 =	vld [tilespmem:$0x0]  }
0x7d: {  	p4 =	seq.s32 s8, $0x3;
	s11 =	sadd.s32 $0xFFFFFFFD, s8;
	s12 =	sadd.s32 $0xFFFFFE80, s25  }
0x7e: {  	p3 =	sgt.u32 s11, $0x4D;
	s13 =	smul.u32 $0xAB, s11;
	_ =	swait.ge [sflag:s28], $0x4000  }
0x7f: {  	s15 =	sadd.s32 @!p3 $0x2, s11;
	s10 =	simm.s32 @!p3 $0x80;
	[sflag:s28] =	ssyncset.done $0x0  }
0x80: {  	p1 =	seq.s32 @!p3 s8, $0x50;
	s17 =	sand.u32 @!p3 $0xFF, s15;
	s13 =	sshrl.u32 s13, $0x9  }
0x81: {  	s17 =	smul.u32 @!p3 $0xAB, s17;
	s13 =	sand.u32 $0x7F, s13;
	[sflag:s28] =	ssyncadd.s32 $0xFFFFC000  }
0x82: {  	s18 =	simm.s32 @!p3 $0x1;
	p1 =	por p1, p3;
	s13 =	smul.u32 $0x3, s13  }
0x83: {  	s19 =	sand.u32 @!p1 $0x7C00, s25;
	s20 =	smul.u32 @!p1 $0xAB, s8;
	s17 =	sshrl.u32 @!p3 s17, $0x9  }
0x84: {  	s12 =	sand.u32 $0x180, s12;
	s11 =	ssub.s32 s11, s13;
	s13 =	smul.u32 @!p3 $0x3, s17  }
0x85: {  	s12 =	sor.u32 $0x200, s12;
	s20 =	sshrl.u32 @!p1 s20, $0x9  }
0x86: {  	s17 =	simm.s32 @!p4 $0x3;
	s11 =	sand.u32 $0xFF, s11;
	s13 =	ssub.s32 @!p3 s15, s13  }
0x87: {  	s11 =	sshll.u32 s11, $0xE;
	s13 =	sand.u32 @!p3 $0xFF, s13;
	_ =	swait.ge @!p4 [sflag:s17], $0x4000  }
0x88: {  	s11 =	sor.u32 $0x400, s11;
	s15 =	sshll.u32 @!p3 s13, $0xE;
	[sflag:s17] =	ssyncset.done @!p4 $0x0  }
0x89: {  	s13 =	sshll.u32 @!p3 s13, $0x7;
	[sflag:s17] =	ssyncadd.s32 @!p4 $0xFFFFC000;
	s17 =	sand.u32 @!p1 $0x7F, s20  }
0x8a: {  	[spmem:s2] =	stream.indirect.scatter.add.f32 [tilespmem:s11], [sflag:$0x3], $0x80, s12, s26, $0xb8;
	v63 =	vld [tilespmem:$0x0]  }
0x8b: {  	s15 =	sor.u32 @!p3 $0x400, s15;
	s11 =	smul.u32 @!p1 $0x3, s17;
	_ =	swait.ge @!p3 [sflag:s18], $0x80  }
0x8c: {  	s12 =	sadd.s32 @!p1 s9, s19;
	s17 =	sand.u32 @!p1 $0x380, s25;
	[sflag:s18] =	ssyncset.done @!p3 $0x0  }
0x8d: {  	s12 =	sor.u32 @!p1 s17, s12;
	s8 =	ssub.s32 @!p1 s8, s11;
	[sflag:s18] =	ssyncadd.s32 @!p3 $0xFFFFFF80  }
0x8e: {  	s12 =	sshrl.u32 @!p1 s12, $0x3;
	s8 =	sand.u32 @!p1 $0xFF, s8;
	_ =	swait.ge @!p3 [sflag:s18], $0x80  }
.Ltmp1:
0x8f: {  	s11 =	sshll.u32 @!p1 s8, $0x7;
	[sflag:s18] =	ssyncset.done @!p3 $0x0;
	(pc) =	sbr.rel @p2 .LBB2_4-.Ltmp1, $4  }
0x90: {  	s12 =	sadd.s32 @!p1 s5, s12;
	s8 =	sadd.s32 @!p1 s14, s19;
	[sflag:s18] =	ssyncadd.s32 @!p3 $0xFFFFFF80  }
0x91: {  	[tilespmem:s15], [sflag:$0x2] =	stream.indirect.gather @!p3 [hbm4b:s4+s10], $0x80, s13, s10, $0xb8;
	v63 =	vld [tilespmem:$0x0]  }
0x92: {  	s8 =	sor.u32 @!p1 s17, s8;
	s13 =	sand.u32 @!p1 $0x180, s25  }
0x93: {  	s8 =	sshrl.u32 @!p1 s8, $0x3;
	s10 =	simm.s32 @!p1 $0x0;
	s13 =	sor.u32 @!p1 $0x200, s13  }
0x94: {  	[tilespmem:s11], [sflag:$0x1] =	stream.linear.gather @!p1 [hbm4b:s12+s10], $0x80, $0x38;
	v63 =	vld [tilespmem:$0x0]  }
0x95: {  	s7 =	sadd.s32 @!p1 s5, s8  }
0x96: {  	[tilespmem:s13], [sflag:$0x1] =	stream.linear.gather @!p1 [hbm4b:s7+s10], $0x80, $0x38;
	v63 =	vld [tilespmem:$0x0]  }
0x97: {  	_ =	swait.ge [sflag:s29], $0x4000  }
0x98: {  	s20 =	sshll.u32 s1, $0x6;
	s0 =	sadd.s32 $0x1, s0;
	[sflag:s29] =	ssyncset.done $0x0  }
0x99: {  	s25 =	sshrl.u32 s6, $0x3;
	p1 =	sne.s32 s0, s23;
	[sflag:s29] =	ssyncadd.s32 $0xFFFFC000  }
.Ltmp2:
0x9a: {  	s7 =	sor.u32 $0x1C04, s20;
	[bflag:$0x0] =	sbarrier.arrive $0xFFFF;
	(pc) =	sbr.rel @p1 .LBB2_1-.Ltmp2, $4  }
0x9b: {  	[hbm:s22], [sflag:s7] =	dma.local [spmem:s25], $0x2780  }
0x9c: {  	_ =	swait.ge [sflag:s30], $0x2780  }
0x9d: {  	[sflag:s30] =	ssyncset.done $0x0  }
0x9e: {  	[sflag:s30] =	ssyncadd.s32 $0xFFFFD880  }
0x9f: {  	_ =	sfence.sel $0x180000  }
0xa0: {  	[bflag:$0x0] =	sbarrier.arrive $0xFFFF  }
0xa1: {  	_ =	strace $0x9000004D  }
0xa2: {  	[bflag:$0x2] =	sbarrier.arrive $0xFFFF  }
0xa3: {  	p0 =	sne.s32 s1, $0x0;
	s0 =	rddreg [dreg:$0x2]  }
0xa4: {  	s0 =	sadd.s32 @!p0 $0x100000, s0  }
0xa5: {  	[sflag:s0] =	ssyncadd.tile.s32 @!p0 $0x1;
	_ =	shalt  }
.Lfunc_end2:
_tile_overlayer_lowered:
.L_overlay_start_2:
0xa6: {  	(tag) =	ssettag $0x2  }
0xa7: {  	s0 =	rddreg [dreg:$0x0];
	s2 =	stileid.u32  }
0xa8: {  	s1 =	rddreg [dreg:$0x1];
	p0 =	sne.s32 s2, $0x0  }
0xa9: {  	s3 =	rddreg [dreg:$0x2];
	[bflag:$0x3] =	sbarrier.arrive $0xFFFF;
	s2 =	simm.s32 @!p0 $0x1C04  }
0xaa: {  	[timem:s3], [sflag:s2] =	dma.local @!p0 [hbm:s0], s1  }
0xab: {  	s0 =	simm.s32 @!p0 $0x4  }
0xac: {  	_ =	swait.ge @!p0 [sflag:s0], s1  }
0xad: {  	s1 =	ssub.s32 @!p0 $0x0, s1;
	[sflag:s0] =	ssyncset.done @!p0 $0x0  }
0xae: {  	[sflag:s0] =	ssyncadd.s32 @!p0 s1  }
0xaf: {  	[bflag:$0x3] =	sbarrier.arrive $0xFFFF  }
0xb0: {  	_ =	shalt  }

// kernel: kernel.8.cloned.1.call-start
scs
__scs_entry_jumppad:
0x0: {  	(pc) =	sbr.rel $0x88, $3  }
0x1: {  	(tag) =	ssettag $0x0;
	lr =	simm.s32 $0x1  }
0x2: {  	[smem:$0x3F91] =	sst lr;
	_ =	strace $0xD0000000  }
0x3: {  	_ = 	snop  }
0x4: {  	_ = 	snop  }
0x5: {  	_ = 	snop  }
0x6: {  	_ = 	snop  }
0x7: {  	_ = 	snop  }
__scs_overlays_trampoline_lowered:
0x8: {  	[smem:$0x3FA0] =	sst s0  }
0x9: {  	[smem:$0x3FA1] =	sst s1  }
0xa: {  	[smem:$0x3FA2] =	sst s2  }
0xb: {  	[smem:$0x3FA3] =	sst s3  }
0xc: {  	[smem:$0x3FA4] =	sst s4  }
0xd: {  	[smem:$0x3FA5] =	sst s5  }
0xe: {  	[smem:$0x3FA6] =	sst s6  }
0xf: {  	[smem:$0x3FA7] =	sst s7  }
0x10: {  	[smem:$0x3FA8] =	sst s8  }
0x11: {  	[smem:$0x3FA9] =	sst s9;
	s0 =	simm.s32 @!p0 $0x0  }
0x12: {  	s1 =	sld [smem:$0x3F8F];
	s0 =	simm.s32 @p0 $0x1  }
0x13: {  	[smem:$0x3FAA] =	sst s0;
	s0 =	simm.s32 @!p1 $0x0  }
0x14: {  	s2 =	sld [smem:$0x3F8E];
	s0 =	simm.s32 @p1 $0x1  }
0x15: {  	[smem:$0x3FAB] =	sst s0;
	s0 =	simm.s32 @!p2 $0x0  }
0x16: {  	s3 =	sld [smem:$0x3FDB];
	s0 =	simm.s32 @p2 $0x1  }
0x17: {  	s4 =	simm.s32 $0x1BF5;
	[smem:$0x3FAD] =	sst s0  }
0x18: {  	s0 =	sld [smem:$0x3F90];
	_ =	swait.ge [sflag:s4], $0x0  }
0x19: {  	s7 =	sld [smem:$0x3F91]  }
0x1a: {  	s8 =	sadd.s32 $0xFFFFE003, lr  }
0x1b: {  	s9 =	sadd.s32 $0xFFFFFEF7, lr;
	s5 =	simm.s32 $0xFFFFFFFF;
	p2 =	slt.u32 s8, $0xFFFFF086  }
0x1c: {  	p1 =	slt.u32 s9, $0xF7A;
	s5 =	simm.s32 @!p2 $0x0  }
0x1d: {  	s5 =	simm.s32 @p1 $0x1;
	p0 =	seq.s32 s7, s2  }
0x1e: {  	s7 =	smul.u32 @!p0 $0xF7A, s2;
	p2 =	seq.s32 @!p0 s5, $0x0  }
0x1f: {  	s9 =	smul.u32 $0xF7A, s1;
	s8 =	simm.s32 @!p0 $0x1BF5;
	p2 =	por !p2, p0  }
0x20: {  	[sflag:s8] =	ssyncset.s32 @!p0 $0xFFFFF086;
	s6 =	sadd.s32 @!p0 s3, s7;
	s7 =	simm.s32 @!p0 $0x108  }
0x21: {  	s3 =	sadd.s32 s3, s9;
	s6 =	sadd.s32 @!p0 $0x88, s6;
	s7 =	simm.s32 @p2 $0x1082  }
0x22: {  	[simem:s7], [sflag:s8] =	dma.local @!p0 [hbm:s6], $0xF7A  }
0x23: {  	s9 =	sor.u32 $0xD0000000, s2;
	s6 =	simm.s32 $0x108;
	_ =	swait.ge @!p0 [sflag:s8], $0x0  }
0x24: {  	s3 =	sadd.s32 $0x88, s3;
	s6 =	simm.s32 @!p1 $0x1082;
	[sflag:s4] =	ssyncset.s32 $0xFFFFF086  }
0x25: {  	[simem:s6], [sflag:s4] =	dma.local [hbm:s3], $0xF7A  }
0x26: {  	[smem:$0x3F91] =	sst s1;
	(tag) =	ssettag s2;
	_ =	strace s9  }
0x27: {  	s1 =	sld [smem:$0x3FA1]  }
0x28: {  	s2 =	sld [smem:$0x3FA2]  }
0x29: {  	s4 =	sld [smem:$0x3FA4]  }
0x2a: {  	p0 =	seq.s32 s5, $0x0;
	s5 =	sld [smem:$0x3FA5]  }
0x2b: {  	s6 =	sld [smem:$0x3FA6]  }
0x2c: {  	s7 =	sld [smem:$0x3FA7]  }
0x2d: {  	s3 =	simm.s32 $0x108;
	s8 =	sld [smem:$0x3FA8]  }
0x2e: {  	s3 =	simm.s32 @!p0 $0x1082;
	s9 =	sld [smem:$0x3FA9]  }
0x2f: {  	lr =	sadd.s32 s0, s3;
	s0 =	sld [smem:$0x3FA0]  }
0x30: {  	s3 =	sld [smem:$0x3FA3]  }
0x31: {  	[smem:$0x3FAC] =	sst s10  }
0x32: {  	s10 =	sld [smem:$0x3FAA];
	_ =	sdelay $0x3  }
0x33: {  	p0 =	seq.s32 s10, $0x1;
	s10 =	sld [smem:$0x3FAC];
	_ =	sdelay $0x3  }
0x34: {  	[smem:$0x3FAC] =	sst s10  }
0x35: {  	s10 =	sld [smem:$0x3FAB];
	_ =	sdelay $0x3  }
0x36: {  	p1 =	seq.s32 s10, $0x1;
	s10 =	sld [smem:$0x3FAC];
	_ =	sdelay $0x3  }
0x37: {  	[smem:$0x3FAC] =	sst s10  }
0x38: {  	s10 =	sld [smem:$0x3FAD]  }
0x39: {  	_ = 	snop;
	(pc) =	sbr.ind lr, $3  }
0x3a: {  	_ = 	snop  }
0x3b: {  	_ = 	snop  }
0x3c: {  	p2 =	seq.s32 s10, $0x1;
	s10 =	sld [smem:$0x3FAC]  }
0x3d: {  	_ =	shalt  }
0x3e: {  	_ =	shalt  }
0x3f: {  	_ =	shalt  }
0x40: {  	_ =	shalt  }
0x41: {  	_ =	shalt  }
0x42: {  	_ =	shalt  }
0x43: {  	_ =	shalt  }
0x44: {  	_ =	shalt  }
0x45: {  	_ =	shalt  }
0x46: {  	_ =	shalt  }
0x47: {  	_ =	shalt  }
0x48: {  	_ =	shalt  }
0x49: {  	_ =	shalt  }
0x4a: {  	_ =	shalt  }
0x4b: {  	_ =	shalt  }
0x4c: {  	_ =	shalt  }
0x4d: {  	_ =	shalt  }
0x4e: {  	_ =	shalt  }
0x4f: {  	_ =	shalt  }
0x50: {  	_ =	shalt  }
0x51: {  	_ =	shalt  }
0x52: {  	_ =	shalt  }
0x53: {  	_ =	shalt  }
0x54: {  	_ =	shalt  }
0x55: {  	_ =	shalt  }
0x56: {  	_ =	shalt  }
0x57: {  	_ =	shalt  }
0x58: {  	_ =	shalt  }
0x59: {  	_ =	shalt  }
0x5a: {  	_ =	shalt  }
0x5b: {  	_ =	shalt  }
0x5c: {  	_ =	shalt  }
0x5d: {  	_ =	shalt  }
0x5e: {  	_ =	shalt  }
0x5f: {  	_ =	shalt  }
0x60: {  	_ =	shalt  }
0x61: {  	_ =	shalt  }
0x62: {  	_ =	shalt  }
0x63: {  	_ =	shalt  }
0x64: {  	_ =	shalt  }
0x65: {  	_ =	shalt  }
0x66: {  	_ =	shalt  }
0x67: {  	_ =	shalt  }
0x68: {  	_ =	shalt  }
0x69: {  	_ =	shalt  }
0x6a: {  	_ =	shalt  }
0x6b: {  	_ =	shalt  }
0x6c: {  	_ =	shalt  }
0x6d: {  	_ =	shalt  }
0x6e: {  	_ =	shalt  }
0x6f: {  	_ =	shalt  }
0x70: {  	_ =	shalt  }
0x71: {  	_ =	shalt  }
0x72: {  	_ =	shalt  }
0x73: {  	_ =	shalt  }
0x74: {  	_ =	shalt  }
0x75: {  	_ =	shalt  }
0x76: {  	_ =	shalt  }
0x77: {  	_ =	shalt  }
0x78: {  	_ =	shalt  }
0x79: {  	_ =	shalt  }
0x7a: {  	_ =	shalt  }
0x7b: {  	_ =	shalt  }
0x7c: {  	_ =	shalt  }
0x7d: {  	_ =	shalt  }
0x7e: {  	_ =	shalt  }
0x7f: {  	_ =	shalt  }
0x80: {  	_ =	shalt  }
0x81: {  	_ =	shalt  }
0x82: {  	_ =	shalt  }
0x83: {  	_ =	shalt  }
0x84: {  	_ =	shalt  }
0x85: {  	_ =	shalt  }
0x86: {  	_ =	shalt  }
0x87: {  	_ =	shalt  }
.Lfunc_end0:
.L_simem_size_0:
called_computation_lowered:
.L_overlay_start_0:
0x88: {  	s2 =	sld [smem:$0x3FD9]  }
0x89: {  	s3 =	sld [smem:$0x3FFE];
	_ =	sdelay $0x1  }
0x8a: {  	s1 =	srdreg.scid  }
0x8b: {  	s0 =	sand.u32 $0x1, s1  }
0x8c: {  	s16 =	sshll.u32 s0, $0xA;
	s2 =	sadd.s32 s3, s2  }
0x8d: {  	s2 =	sadd.s32 s2, s16  }
0x8e: {  	[smem:$0x3FB8] =	sst s2  }
0x8f: {  	_ = 	snop  }
0x90: {  	(tm) =	ssettm $0x1  }
0x91: {  	s17 =	sld [smem:$0x3FFB];
	_ =	sdelay $0x3  }
0x92: {  	_ =	strace s17  }
0x93: {  	s2 =	sld [smem:$0x3FFC];
	_ =	sdelay $0x3  }
0x94: {  	_ =	strace s2  }
0x95: {  	s2 =	sld [smem:$0x3FFD];
	_ =	sdelay $0x3  }
0x96: {  	_ =	strace s2  }
0x97: {  	_ =	strace $0x8FFFFFFF  }
0x98: {  	s18 =	sld [smem:$0x3FDB];
	_ =	sdelay $0x1  }
0x99: {  	s19 =	simm.s32 $_scs_section_size  }
0x9a: {  	s4 =	simm.s32 $_size__tile_overlayer_lowered;
	s5 =	simm.s32 $_tile_overlayer_lowered  }
0x9b: {  	s22 =	simm.s32 $0x1BFF;
	s21 =	sshll.u32 s5, $0x1;
	s2 =	sadd.s32 s19, s18  }
0x9c: {  	s6 =	simm.s32 $0x0;
	s20 =	sshll.u32 s4, $0x1;
	s4 =	sadd.s32 s21, s2  }
0x9d: {  	[timem:s6], [sflag:s22] =	dma.local [hbm:s4], s20  }
0x9e: {  	_ =	swait.ge [sflag:s22], s20  }
0x9f: {  	s3 =	ssub.s32 $0x0, s20;
	[sflag:s22] =	ssyncset.done $0x0  }
0xa0: {  	[sflag:s22] =	ssyncadd.s32 s3;
	_ =	sdelay $0x1  }
0xa1: {  	s23 =	simm.s32 $0x1B8B  }
0xa2: {  	_ =	swait.ge [sflag:s23], $0x1  }
0xa3: {  	[sflag:s23] =	ssyncset.done $0x0  }
0xa4: {  	s25 =	simm.s32 $0x1B8E;
	s24 =	sld [smem:$0x3FFE];
	[sflag:s23] =	ssyncadd.s32 $0xFFFFFFFF  }
0xa5: {  	s26 =	simm.s32 $execute0_lowered;
	[smem:$0x3FD2] =	sst s25  }
0xa6: {  	s4 =	sshll.u32 s26, $0x1;
	_ =	strace $0x80000046;
	[dreg:$0x1] =	wrdreg $0xFFFFFFFF  }
0xa7: {  	s28 =	simm.s32 $_size_execute0_lowered;
	s2 =	sadd.s32 s2, s4;
	[dreg:$0x0] =	wrdreg $0x0  }
0xa8: {  	s4 =	sshll.u32 s28, $0x1;
	[dreg:$0x2] =	wrdreg s2  }
0xa9: {  	[dreg:$0x3] =	wrdreg s4  }
0xaa: {  	[dreg:$0x4] =	wrdreg $0xC0  }
0xab: {  	_ =	task [dreg:s6], $0x5FFFF  }
0xac: {  	[dreg:$0x1] =	wrdreg $0xFFFFFFFF  }
0xad: {  	[dreg:$0x0] =	wrdreg $0x60  }
0xae: {  	[dreg:$0x2] =	wrdreg s24  }
0xaf: {  	[dreg:$0x3] =	wrdreg $0x2B000  }
0xb0: {  	[dreg:$0x4] =	wrdreg $0x9  }
0xb1: {  	_ =	task.clear_ibuf [dreg:s6], $0x5FFFF;
	_ =	strace $0x90000046  }
0xb2: {  	s29 =	simm.s32 $0x9;
	_ =	strace $0x80000048  }
0xb3: {  	_ =	swait.ge [sflag:s29], $0x1  }
0xb4: {  	[sflag:s29] =	ssyncadd.s32 $0xFFFFFFFF  }
0xb5: {  	_ =	strace $0x90000048  }
0xb6: {  	_ =	sfence  }
0xb7: {  	s30 =	sld [smem:$0x0];
	_ =	sdelay $0x2  }
0xb8: {  	s31 =	sshll.u32 s1, $0xD;
	s1 =	sshrl.u32 s1, $0x2  }
0xb9: {  	s3 =	sand.u32 $0x4000, s31;
	s1 =	sadd.s32 s1, s30  }
0xba: {  	s0 =	sor.u32 s3, s0;
	s1 =	sshll.u32 s1, $0x11  }
0xbb: {  	s0 =	sor.u32 s1, s0  }
0xbc: {  	s0 =	sadd.s32 $0x8F2B, s0  }
0xbd: {  	[sflag:s0] =	ssyncadd.remote.s32 $0x1  }
0xbe: {  	_ =	sfence.sel $0xFFFF  }
0xbf: {  	[dreg:$0x0] =	wrdreg $0xFFFFFFFF;
	(pc) =	sbr.abs _section_cstart, $3  }
0xc0: {  	[dreg:$0x1] =	wrdreg $0xFFFFFFFF  }
0xc1: {  	_ =	task.clear_ibuf [dreg:s6], $0x2FFFF;
	_ =	strace $0x9FFFFFFF  }
0xc2: {  	(tm) =	ssettm $0x7FFFFFFF  }
0xc3: {  	_ =	shalt  }
tec
execute0_lowered:
.L_overlay_start_1:
0x0: {  	(tag) =	ssettag $0x1  }
0x1: {  	s4 =	rddreg [dreg:$0x0]  }
0x2: {  	s2 =	rddreg [dreg:$0x1]  }
0x3: {  	s0 =	rddreg [dreg:$0x2]  }
0x4: {  	s5 =	srdreg.scid;
	s1 =	stileid.u32  }
0x5: {  	s3 =	simm.s32 $0x0;
	s10 =	simm.s32 $0x80;
	s11 =	simm.s32 $0x2800  }
0x6: {  	s12 =	simm.s32 $0x1;
	s15 =	simm.s32 $0x20;
	s16 =	simm.s32 $0x10  }
0x7: {  	s17 =	simm.s32 $0x0;
	s5 =	sand.u32 $0x1, s5;
	s7 =	smul.u32 $0x500, s1  }
0x8: {  	s6 =	sshll.u32 s1, $0x1;
	[smem:$0x7FF] =	sst s3;
	s30 =	smul.u32 $0xA00, s1  }
0x9: {  	s13 =	sshll.u32 s1, $0x6;
	s6 =	sor.u32 s5, s6;
	_ =	strace $0x80000047  }
0xa: {  	s8 =	sshll.u32 s5, $0x7;
	s5 =	ssub.s32 $0x2, s5;
	s13 =	sor.u32 $0x1C02, s13  }
0xb: {  	s6 =	smul.u32 $0x500, s6;
	s7 =	sor.u32 s8, s7;
	s9 =	sshrl.u32 s5, $0x1  }
0xc: {  	s31 =	sshrl.u32 s30, $0x2;
	s8 =	simm.s32 $0x2;
	s7 =	sshrl.u32 s7, $0x3  }
0xd: {  	s9 =	ssub.s32 s5, s9;
	s5 =	sadd.s32 s31, s2;
	s6 =	sadd.s32 s6, s4  }
0xe: {  	s7 =	sadd.s32 s7, s4;
	s14 =	sshrl.u32 s5, $0x3;
	s4 =	sadd.s32 $0x3800, s6  }
0xf: {  	v0 =	vimm.f32 $1.000000000e+00;
	v1 =	vimm.f32 $0.0e+00;
	s6 =	sadd.s32 $0xD800, s7;
	s7 =	smax.u32 s9, $0x1;
	s9 =	simm.s32 $0x2880  }
.LBB2_1:
0x10: {  	[tilespmem:s3], [sflag:$0x2] =	stream.linear.gather [hbm4b:s4+s3], $0x2800, $0x38;
	[tilespmem:$0x2D80] =	vst v63  }
0x11: {  	_ =	swait.ge [sflag:s8], $0x2800  }
0x12: {  	[sflag:s8] =	ssyncset.done $0x0  }
0x13: {  	[sflag:s8] =	ssyncadd.s32 $0xFFFFD800  }
0x14: {  	[tilespmem:$0x2800] =	vst v0  }
0x15: {  	[tilespmem:$0x2810] =	vst v0  }
0x16: {  	[tilespmem:$0x2820] =	vst v0  }
0x17: {  	[tilespmem:$0x2830] =	vst v0  }
0x18: {  	[tilespmem:$0x2840] =	vst v0  }
0x19: {  	[tilespmem:$0x2850] =	vst v0  }
0x1a: {  	[tilespmem:$0x2860] =	vst v0  }
0x1b: {  	[tilespmem:$0x2870] =	vst v0  }
0x1c: {  	[tilespmem:$0x2880] =	vst v1  }
0x1d: {  	[tilespmem:$0x2890] =	vst v1  }
0x1e: {  	[tilespmem:$0x28A0] =	vst v1  }
0x1f: {  	[tilespmem:$0x28B0] =	vst v1  }
0x20: {  	[tilespmem:$0x28C0] =	vst v1  }
0x21: {  	[tilespmem:$0x28D0] =	vst v1  }
0x22: {  	[tilespmem:$0x28E0] =	vst v1  }
0x23: {  	[tilespmem:$0x28F0] =	vst v1  }
0x24: {  	[tilespmem:$0x2900] =	vst v1  }
0x25: {  	[tilespmem:$0x2910] =	vst v1  }
0x26: {  	[tilespmem:$0x2920] =	vst v1  }
0x27: {  	[tilespmem:$0x2930] =	vst v1  }
0x28: {  	[tilespmem:$0x2940] =	vst v1  }
0x29: {  	[tilespmem:$0x2950] =	vst v1  }
0x2a: {  	[tilespmem:$0x2960] =	vst v1  }
0x2b: {  	[tilespmem:$0x2970] =	vst v1  }
0x2c: {  	[tilespmem:$0x2980] =	vst v1  }
0x2d: {  	[tilespmem:$0x2990] =	vst v1  }
0x2e: {  	[tilespmem:$0x29A0] =	vst v1  }
0x2f: {  	[tilespmem:$0x29B0] =	vst v1  }
0x30: {  	[tilespmem:$0x29C0] =	vst v1  }
0x31: {  	[tilespmem:$0x29D0] =	vst v1  }
0x32: {  	[tilespmem:$0x29E0] =	vst v1  }
0x33: {  	[tilespmem:$0x29F0] =	vst v1  }
0x34: {  	[tilespmem:$0x2A00] =	vst v1  }
0x35: {  	[tilespmem:$0x2A10] =	vst v1  }
0x36: {  	[tilespmem:$0x2A20] =	vst v1  }
0x37: {  	[tilespmem:$0x2A30] =	vst v1  }
0x38: {  	[tilespmem:$0x2A40] =	vst v1  }
0x39: {  	[tilespmem:$0x2A50] =	vst v1  }
0x3a: {  	[tilespmem:$0x2A60] =	vst v1  }
0x3b: {  	[tilespmem:$0x2A70] =	vst v1  }
0x3c: {  	[tilespmem:$0x2A80] =	vst v1  }
0x3d: {  	[tilespmem:$0x2A90] =	vst v1  }
0x3e: {  	[tilespmem:$0x2AA0] =	vst v1  }
0x3f: {  	[tilespmem:$0x2AB0] =	vst v1  }
0x40: {  	[tilespmem:$0x2AC0] =	vst v1  }
0x41: {  	[tilespmem:$0x2AD0] =	vst v1  }
0x42: {  	[tilespmem:$0x2AE0] =	vst v1  }
0x43: {  	[tilespmem:$0x2AF0] =	vst v1  }
0x44: {  	[spmem:s5] =	stream.linear.scatter [tilespmem:s9], [sflag:$0x2], $0x280, $0x38;
	[tilespmem:$0x2D80] =	vst v63  }
0x45: {  	_ =	swait.ge [sflag:s8], $0x280  }
0x46: {  	[sflag:s8] =	ssyncset.done $0x0  }
0x47: {  	p0 =	por $0x1, $0x1;
	[sflag:s8] =	ssyncadd.s32 $0xFFFFFD80  }
0x48: {  	s20 =	simm.s32 @!p0 $0x1;
	[bflag:$0x0] =	sbarrier.arrive $0xFFFF  }
0x49: {  	[spmem:s2] =	stream.indirect.scatter.add.f32 [tilespmem:s11], [sflag:$0x1], $0x1, s3, s10, $0xb8;
	[tilespmem:$0x2D80] =	vst v63  }
0x4a: {  	_ =	swait.ge @!p0 [sflag:s20], $0x80  }
0x4b: {  	s18 =	simm.s32 $0x1;
	s19 =	simm.s32 $0x0;
	[sflag:s20] =	ssyncset.done @!p0 $0x0  }
.LBB2_2:
0x4c: {  	[sflag:s20] =	ssyncadd.s32 @!p0 $0xFFFFFF80  }
0x4d: {  	s19 =	sadd.s32 $0x80, s19;
	s20 =	smov.u32 s18;
	s18 =	sadd.s32 $0x1, s18  }
0x4e: {  	p1 =	sne.s32 s18, $0x50  }
0x4f: {  	[spmem:s2] =	stream.indirect.scatter.add.f32 [tilespmem:s11], [sflag:$0x1], $0x1, s19, s10, $0xb8;
	[tilespmem:$0x2D80] =	vst v63  }
.Ltmp0:
0x50: {  	_ = 	snop;
	(pc) =	sbr.rel @p1 .LBB2_2-.Ltmp0, $4  }
0x51: {  	p0 =	slt.u32 s20, $0x8  }
0x52: {  	s20 =	simm.s32 @!p0 $0x1  }
0x53: {  	_ =	swait.ge @!p0 [sflag:s20], $0x80  }
0x54: {  	[sflag:s20] =	ssyncset.done @!p0 $0x0  }
0x55: {  	[sflag:s20] =	ssyncadd.s32 @!p0 $0xFFFFFF80  }
0x56: {  	_ =	swait.ge [sflag:s12], $0x80  }
0x57: {  	[sflag:s12] =	ssyncset.done $0x0  }
0x58: {  	[sflag:s12] =	ssyncadd.s32 $0xFFFFFF80  }
0x59: {  	_ =	swait.ge [sflag:s12], $0x80  }
0x5a: {  	[sflag:s12] =	ssyncset.done $0x0  }
0x5b: {  	[sflag:s12] =	ssyncadd.s32 $0xFFFFFF80  }
0x5c: {  	_ =	swait.ge [sflag:s12], $0x80  }
0x5d: {  	[sflag:s12] =	ssyncset.done $0x0  }
0x5e: {  	[sflag:s12] =	ssyncadd.s32 $0xFFFFFF80  }
0x5f: {  	_ =	swait.ge [sflag:s12], $0x80  }
0x60: {  	[sflag:s12] =	ssyncset.done $0x0  }
0x61: {  	[sflag:s12] =	ssyncadd.s32 $0xFFFFFF80  }
0x62: {  	_ =	swait.ge [sflag:s12], $0x80  }
0x63: {  	[sflag:s12] =	ssyncset.done $0x0  }
0x64: {  	[sflag:s12] =	ssyncadd.s32 $0xFFFFFF80  }
0x65: {  	_ =	swait.ge [sflag:s12], $0x80  }
0x66: {  	[sflag:s12] =	ssyncset.done $0x0  }
0x67: {  	[sflag:s12] =	ssyncadd.s32 $0xFFFFFF80  }
0x68: {  	_ =	swait.ge [sflag:s12], $0x80  }
0x69: {  	[sflag:s12] =	ssyncset.done $0x0  }
0x6a: {  	[sflag:s12] =	ssyncadd.s32 $0xFFFFFF80  }
0x6b: {  	_ =	swait.ge [sflag:s12], $0x80  }
0x6c: {  	s17 =	sadd.s32 $0x1, s17;
	[sflag:s12] =	ssyncset.done $0x0  }
0x6d: {  	p0 =	sne.s32 s17, s7;
	[sflag:s12] =	ssyncadd.s32 $0xFFFFFF80  }
.Ltmp1:
0x6e: {  	[bflag:$0x0] =	sbarrier.arrive $0xFFFF;
	(pc) =	sbr.rel @p0 .LBB2_1-.Ltmp1, $4  }
0x6f: {  	[hbm:s6@s15], [sflag:s13] =	dma.strided [spmem:s14@s16], $0x50, s12, $0x10   }
0x70: {  	_ =	swait.ge [sflag:s8], $0x50  }
0x71: {  	[sflag:s8] =	ssyncset.done $0x0  }
0x72: {  	[sflag:s8] =	ssyncadd.s32 $0xFFFFFFB0  }
0x73: {  	_ =	sfence.sel $0x180000  }
0x74: {  	[bflag:$0x0] =	sbarrier.arrive $0xFFFF  }
0x75: {  	p0 =	sne.s32 s1, $0x0;
	_ =	strace $0x90000047  }
0x76: {  	s0 =	sadd.s32 @!p0 $0x100000, s0;
	[bflag:$0x2] =	sbarrier.arrive $0xFFFF  }
0x77: {  	[sflag:s0] =	ssyncadd.tile.s32 @!p0 $0x1;
	_ =	shalt  }
.Lfunc_end2:
_tile_overlayer_lowered:
.L_overlay_start_2:
0x78: {  	(tag) =	ssettag $0x2  }
0x79: {  	s0 =	rddreg [dreg:$0x0];
	s2 =	stileid.u32  }
0x7a: {  	s1 =	rddreg [dreg:$0x1];
	p0 =	sne.s32 s2, $0x0  }
0x7b: {  	s3 =	rddreg [dreg:$0x2];
	[bflag:$0x3] =	sbarrier.arrive $0xFFFF;
	s2 =	simm.s32 @!p0 $0x1C02  }
0x7c: {  	[timem:s3], [sflag:s2] =	dma.local @!p0 [hbm:s0], s1  }
0x7d: {  	s0 =	simm.s32 @!p0 $0x2  }
0x7e: {  	_ =	swait.ge @!p0 [sflag:s0], s1  }
0x7f: {  	s1 =	ssub.s32 @!p0 $0x0, s1;
	[sflag:s0] =	ssyncset.done @!p0 $0x0  }
0x80: {  	[sflag:s0] =	ssyncadd.s32 @!p0 s1  }
0x81: {  	[bflag:$0x3] =	sbarrier.arrive $0xFFFF  }
0x82: {  	_ =	shalt  }

</sc_bundles>
